<compile_context>
chip_gen: v7x
topology: tpu7x:2x2x1
jax: 0.10.2.dev20260603
libtpu: 0.0.44.dev20260713+nightly
codegen_flags: <defaults>
</compile_context>

<pallas_src>
import functools

import jax
import jax.numpy as jnp
from jax import lax
from jax.experimental import pallas as pl
from jax.experimental.pallas import tpu as pltpu, tpu_sc as plsc

N = 10000
D = 128
D_LAT = 64
G = 64

NC = 2
NS = 16
NW = NC * NS
L = 16

CHUNK = 128
NPAD = 10112
ROWS_PER_TILE = NPAD // NS
BR = 1264
def _mesh():
    return plsc.VectorSubcoreMesh(core_axis_name="c", subcore_axis_name="s",
                                  num_cores=NC, num_subcores=NS)


def _pad_edges(e):
    epw = ((e + NW * 4 * CHUNK - 1) // (NW * 4 * CHUNK)) * 4 * CHUNK
    return epw * NW, epw, epw // CHUNK



def _make_deg_kernel(epw, nchw):
    @functools.partial(
        pl.kernel,
        out_type=jax.ShapeDtypeStruct((NW, NPAD), jnp.float32),
        mesh=_mesh(),
        scratch_types=[
            pltpu.VMEM((nchw, CHUNK), jnp.int32),
            pltpu.VMEM((NPAD,), jnp.float32),
        ],
        compiler_params=pltpu.CompilerParams(needs_layout_passes=False),
    )
    def deg_kernel(dst_hbm, out_hbm, dstv, degv):
        cid = lax.axis_index("c")
        sid = lax.axis_index("s")
        wid = sid * NC + cid
        zero16 = jnp.zeros((L,), jnp.float32)

        def zbody(i, carry):
            degv[pl.ds(i * L, L)] = zero16
            return carry

        lax.fori_loop(0, NPAD // L, zbody, 0)
        pltpu.sync_copy(dst_hbm.at[wid], dstv)
        one16 = jnp.ones((L,), jnp.float32)

        def body(i, carry):
            idx = dstv[i // (CHUNK // L), pl.ds((i % (CHUNK // L)) * L, L)]
            plsc.addupdate_scatter(degv, [idx], one16)
            return carry

        lax.fori_loop(0, epw // L, body, 0)
        pltpu.sync_copy(degv, out_hbm.at[wid])

    return deg_kernel


def _make_scatter_kernel(nchw):
    @functools.partial(
        pl.kernel,
        out_type=jax.ShapeDtypeStruct((NC, NPAD, D), jnp.float32),
        mesh=_mesh(),
        scratch_types=[
            pltpu.VMEM((nchw // 2, CHUNK), jnp.int32),
            pltpu.VMEM((nchw // 2, CHUNK), jnp.int32),
            pltpu.VMEM((CHUNK, D), jnp.float32),
            pltpu.VMEM((CHUNK, D), jnp.float32),
            pltpu.VMEM_SHARED((NPAD, D), jnp.float32),
            pltpu.SemaphoreType.DMA,
            pltpu.SemaphoreType.DMA,
        ],
        compiler_params=pltpu.CompilerParams(needs_layout_passes=False),
    )
    def scatter_kernel(z_hbm, src_hbm, dst_hbm, out_hbm, srcv, dstv,
                       rows0, rows1, acc, sem0, sem1):
        cid = lax.axis_index("c")
        sid = lax.axis_index("s")
        wid = sid * NC + cid
        zero16 = jnp.zeros((L,), jnp.float32)

        def zbody(i, carry):
            rows0[i // (D // L), pl.ds((i % (D // L)) * L, L)] = zero16
            return carry

        lax.fori_loop(0, CHUNK * (D // L), zbody, 0)
        zrows = ROWS_PER_TILE // CHUNK
        ztail = ROWS_PER_TILE - zrows * CHUNK
        for k in range(zrows):
            pltpu.sync_copy(rows0, acc.at[pl.ds(sid * ROWS_PER_TILE + k * CHUNK, CHUNK)])
        pltpu.sync_copy(rows0.at[pl.ds(0, ztail)],
                        acc.at[pl.ds(sid * ROWS_PER_TILE + zrows * CHUNK, ztail)])
        plsc.subcore_barrier()

        half = nchw // 2
        for h in range(2):
            pltpu.sync_copy(src_hbm.at[wid, h], srcv)
            pltpu.sync_copy(dst_hbm.at[wid, h], dstv)
            pltpu.async_copy(z_hbm.at[srcv.at[0]], rows0, sem0)

            def body(j2, carry):
                j = j2 * 2
                pltpu.make_async_copy(z_hbm.at[srcv.at[j]], rows0, sem0).wait()
                pltpu.async_copy(z_hbm.at[srcv.at[j + 1]], rows1, sem1)
                pltpu.sync_copy(rows0, acc.at[dstv.at[j]], add=True)
                pltpu.make_async_copy(z_hbm.at[srcv.at[j + 1]], rows1, sem1).wait()

                @pl.when(j2 < half // 2 - 1)
                def _():
                    pltpu.async_copy(z_hbm.at[srcv.at[j + 2]], rows0, sem0)

                pltpu.sync_copy(rows1, acc.at[dstv.at[j + 1]], add=True)
                return carry

            lax.fori_loop(0, half // 2, body, 0)
        plsc.subcore_barrier()
        for k in range(zrows):
            sl = pl.ds(sid * ROWS_PER_TILE + k * CHUNK, CHUNK)
            pltpu.sync_copy(acc.at[sl], rows0)
            pltpu.sync_copy(rows0, out_hbm.at[cid].at[sl])
        slt = pl.ds(sid * ROWS_PER_TILE + zrows * CHUNK, ztail)
        pltpu.sync_copy(acc.at[slt], rows0.at[pl.ds(0, ztail)])
        pltpu.sync_copy(rows0.at[pl.ds(0, ztail)], out_hbm.at[cid].at[slt])

    return scatter_kernel



def _prep_body(degT_ref, x_ref, w1_ref, z1_ref, dinv_ref):
    deg = jnp.sum(degT_ref[...], axis=1, keepdims=True) + 1.0
    dinv = lax.rsqrt(deg)
    q = jnp.dot(x_ref[...], w1_ref[...], preferred_element_type=jnp.float32)
    z1_ref[...] = dinv * q
    dinv_ref[...] = jnp.broadcast_to(dinv, (BR, D))


def _mid_body(s0_ref, s1_ref, z1_ref, dinv_ref, w2_ref, b1_ref, z2_ref):
    dinv = dinv_ref[...]
    h1 = jnp.maximum(dinv * (s0_ref[...] + s1_ref[...] + z1_ref[...]) + b1_ref[...], 0.0)
    z2_ref[...] = dinv * jnp.dot(h1, w2_ref[...], preferred_element_type=jnp.float32)


def _final_body(s0_ref, s1_ref, z2_ref, dinv_ref, b2_ref, batch_ref,
                wmu_ref, bmu_ref, wlv_ref, blv_ref,
                mu_ref, lv_ref, sums, cnts):
    i = pl.program_id(0)
    h2 = jnp.maximum(
        dinv_ref[...] * (s0_ref[...] + s1_ref[...] + z2_ref[...]) + b2_ref[...], 0.0)
    gids = lax.broadcasted_iota(jnp.int32, (1, G), 1)
    oh = (batch_ref[...] == gids).astype(jnp.float32)
    part_s = lax.dot_general(oh, h2, (((0,), (0,)), ((), ())),
                             preferred_element_type=jnp.float32)
    part_c = lax.dot_general(oh, jnp.ones((BR, D), jnp.float32),
                             (((0,), (0,)), ((), ())),
                             preferred_element_type=jnp.float32)

    @pl.when(i == 0)
    def _():
        sums[...] = jnp.zeros_like(sums)
        cnts[...] = jnp.zeros_like(cnts)

    sums[...] += part_s
    cnts[...] += part_c

    @pl.when(i == pl.num_programs(0) - 1)
    def _():
        pooled = sums[...] / jnp.maximum(cnts[...], 1.0)
        mu_ref[...] = jnp.dot(pooled, wmu_ref[...],
                              preferred_element_type=jnp.float32) + bmu_ref[...]
        lv_ref[...] = jnp.dot(pooled, wlv_ref[...],
                              preferred_element_type=jnp.float32) + blv_ref[...]


def _row_spec(bs=BR):
    return pl.BlockSpec((bs, D), lambda i: (i, 0))


def _full_spec(shape):
    return pl.BlockSpec(shape, lambda i: tuple(0 for _ in shape))



def kernel(x, edge_index, batch, W1, b1, W2, b2, Wmu, bmu, Wlv, blv):
    e = edge_index.shape[1]
    e_pad, epw, nchw = _pad_edges(e)
    pad = e_pad - e

    pad_ar = lax.iota(jnp.int32, pad)
    src_p = jnp.concatenate(
        [edge_index[0], pad_ar % N]).reshape(NW, nchw, CHUNK)
    dst_p = jnp.concatenate(
        [edge_index[1], N + pad_ar % (NPAD - N)]).reshape(NW, nchw, CHUNK)
    x_p = jnp.concatenate([x, jnp.zeros((NPAD - N, D), jnp.float32)])
    batch_p = jnp.concatenate(
        [batch, jnp.full((NPAD - N,), G, jnp.int32)]).reshape(NPAD, 1)

    deg_parts = _make_deg_kernel(epw, nchw)(dst_p)
    degT = deg_parts.T

    nblk = NPAD // BR
    z1, dinv_b = pl.pallas_call(
        _prep_body,
        grid=(nblk,),
        in_specs=[
            pl.BlockSpec((BR, NW), lambda i: (i, 0)),
            _row_spec(),
            _full_spec((D, D)),
        ],
        out_specs=[_row_spec(), _row_spec()],
        out_shape=[
            jax.ShapeDtypeStruct((NPAD, D), jnp.float32),
            jax.ShapeDtypeStruct((NPAD, D), jnp.float32),
        ],
    )(degT, x_p, W1)

    src_h = src_p.reshape(NW, 2, nchw // 2, CHUNK)
    dst_h = dst_p.reshape(NW, 2, nchw // 2, CHUNK)
    scatter = _make_scatter_kernel(nchw)
    s1 = scatter(z1, src_h, dst_h)

    z2 = pl.pallas_call(
        _mid_body,
        grid=(nblk,),
        in_specs=[
            _row_spec(), _row_spec(), _row_spec(), _row_spec(),
            _full_spec((D, D)),
            _full_spec((1, D)),
        ],
        out_specs=_row_spec(),
        out_shape=jax.ShapeDtypeStruct((NPAD, D), jnp.float32),
    )(s1[0], s1[1], z1, dinv_b, W2, b1.reshape(1, D))

    s2 = scatter(z2, src_h, dst_h)

    mu, logvar = pl.pallas_call(
        _final_body,
        grid=(nblk,),
        in_specs=[
            _row_spec(), _row_spec(), _row_spec(), _row_spec(),
            _full_spec((1, D)),
            pl.BlockSpec((BR, 1), lambda i: (i, 0)),
            _full_spec((D, D_LAT)),
            _full_spec((1, D_LAT)),
            _full_spec((D, D_LAT)),
            _full_spec((1, D_LAT)),
        ],
        out_specs=[_full_spec((G, D_LAT)), _full_spec((G, D_LAT))],
        out_shape=[
            jax.ShapeDtypeStruct((G, D_LAT), jnp.float32),
            jax.ShapeDtypeStruct((G, D_LAT), jnp.float32),
        ],
        scratch_shapes=[
            pltpu.VMEM((G, D), jnp.float32),
            pltpu.VMEM((G, D), jnp.float32),
        ],
    )(s2[0], s2[1], z2, dinv_b, b2.reshape(1, D), batch_p,
      Wmu, bmu.reshape(1, D_LAT), Wlv, blv.reshape(1, D_LAT))

    return (mu, logvar)

# --- scband reference (transcript-rebuilt; emitter-appended) ---
"""Pipeline reference for scband-encoder-50525995270410 (READ-ONLY COPY).

The authoritative reference and input builder live on the scoring server;
editing this copy changes nothing except your own understanding.
"""

import jax, jax.numpy as jnp
import numpy as np

N = 10000
E = 320000
D_IN = 128
D_HID = 128
D_LAT = 64
NUM_GRAPHS = 64


def setup_inputs(seed: int = 0) -> dict:
    key = jax.random.key(seed)
    ks = jax.random.split(key, 12)
    x = jax.random.normal(ks[0], (N, D_IN), dtype=jnp.float32)
    edge_index = jax.random.randint(ks[1], (2, E), 0, N, dtype=jnp.int32)
    batch = jnp.sort(jax.random.randint(ks[2], (N,), 0, NUM_GRAPHS, dtype=jnp.int32))
    s1 = 1.0 / np.sqrt(D_IN)
    s2 = 1.0 / np.sqrt(D_HID)
    W1 = jax.random.uniform(ks[3], (D_IN, D_HID), jnp.float32, -s1, s1)
    b1 = jnp.zeros((D_HID,), jnp.float32)
    W2 = jax.random.uniform(ks[4], (D_HID, D_HID), jnp.float32, -s2, s2)
    b2 = jnp.zeros((D_HID,), jnp.float32)
    Wmu = jax.random.uniform(ks[5], (D_HID, D_LAT), jnp.float32, -s2, s2)
    bmu = jax.random.uniform(ks[6], (D_LAT,), jnp.float32, -s2, s2)
    Wlv = jax.random.uniform(ks[7], (D_HID, D_LAT), jnp.float32, -s2, s2)
    blv = jax.random.uniform(ks[8], (D_LAT,), jnp.float32, -s2, s2)
    return {"x": x, "edge_index": edge_index, "batch": batch,
            "W1": W1, "b1": b1, "W2": W2, "b2": b2,
            "Wmu": Wmu, "bmu": bmu, "Wlv": Wlv, "blv": blv}


def _gcn_conv(x, src, dst, norm, W, b):
    # GCNConv: h = x @ W; out[i] = sum_{j->i} norm_ji * h[j]; out += b
    h = x @ W
    msg = h[src] * norm[:, None]
    out = jax.ops.segment_sum(msg, dst, num_segments=N)
    return out + b


def reference(x, edge_index, batch, W1, b1, W2, b2, Wmu, bmu, Wlv, blv):
    # add self-loops (GCNConv default add_self_loops=True)
    loop = jnp.arange(N, dtype=edge_index.dtype)
    src = jnp.concatenate([edge_index[0], loop])
    dst = jnp.concatenate([edge_index[1], loop])
    # symmetric normalization: deg computed on dst, norm = d_src^-1/2 * d_dst^-1/2
    deg = jax.ops.segment_sum(jnp.ones_like(dst, dtype=jnp.float32), dst, num_segments=N)
    dinv = jnp.where(deg > 0, 1.0 / jnp.sqrt(deg), 0.0)
    norm = dinv[src] * dinv[dst]

    h = jax.nn.relu(_gcn_conv(x, src, dst, norm, W1, b1))
    h = jax.nn.relu(_gcn_conv(h, src, dst, norm, W2, b2))

    # global_mean_pool over batch ids
    sums = jax.ops.segment_sum(h, batch, num_segments=NUM_GRAPHS)
    counts = jax.ops.segment_sum(jnp.ones((N,), jnp.float32), batch, num_segments=NUM_GRAPHS)
    pooled = sums / jnp.maximum(counts, 1.0)[:, None]

    mu = pooled @ Wmu + bmu
    logvar = pooled @ Wlv + blv
    return (mu, logvar)

if __name__ == "__main__":
    import jax
    _d = setup_inputs()
    print(jax.jit(kernel)(*tuple(_d.values())))

</pallas_src>

<mosaic_0001>
#map = affine_map<(d0, d1) -> (0, 0, 0)>
#map1 = affine_map<(d0, d1) -> (0, 0)>
module attributes {stable_mosaic.version = 14 : i64} {
  func.func @deg_kernel(%arg0: i32, %arg1: i32, %arg2: memref<32x80x128xi32, #tpu.memory_space<hbm>>, %arg3: memref<32x10112xf32, #tpu.memory_space<hbm>>, %arg4: memref<80x128xi32, #tpu.memory_space<vmem>>, %arg5: memref<10112xf32, #tpu.memory_space<vmem>>) attributes {dimension_semantics = [#tpu.dimension_semantics<core_parallel>, #tpu.dimension_semantics<subcore_parallel>], iteration_bounds = array<i64: 2, 16>, scalar_prefetch = 0 : i64, scratch_operands = 2 : i64, tpu.core_type = #tpu.core_type<sc_vector_subcore>, window_params = [{transform_indices = #map}, {transform_indices = #map1}]} {
    %mul3A = arith.constant 2 : i32
    %mul3A_0 = arith.muli %arg1, %mul3A : i32
    %add3A = arith.addi %mul3A_0, %arg0 : i32
    %broadcast_in_dim3A = arith.constant 0.000000e+00 : f32
    %broadcast_in_dim3A_1 = vector.broadcast %broadcast_in_dim3A : f32 to vector<16xf32>
    %scan3A = arith.constant 0 : i32
    %scan3A_2 = arith.constant 0 : i32
    %scan3A_3 = arith.constant 632 : i32
    %scan3A_4 = arith.addi %scan3A_2, %scan3A_3 : i32
    %scan3A_5 = arith.constant 1 : i32
    scf.for %scan3A_15 = %scan3A_2 to %scan3A_4 step %scan3A_5  : i32 {
      %mul3A_16 = arith.constant 16 : i32
      %mul3A_17 = arith.muli %scan3A_15, %mul3A_16 : i32
      %swap3A = arith.index_cast %mul3A_17 : i32 to index
      %swap3A_18 = tpu.vector_load %arg5[%swap3A] {strides = array<i32>} : memref<10112xf32, #tpu.memory_space<vmem>>, vector<16xf32>,
      tpu.vector_store %arg5[%swap3A], %broadcast_in_dim3A_1 {strides = array<i32>} : memref<10112xf32, #tpu.memory_space<vmem>>, vector<16xf32>,
    }
    %scan3A_6 = arith.constant 632 : i32
    "tpu.region"() ({
      %run_scoped3A = tpu.sem_alloc : memref<!tpu.dma_semaphore, #tpu.memory_space<semaphore_mem>>
      %dma_start3A = arith.constant 0 : i32
      %dma_start3A_15 = arith.constant 0 : i32
      %dma_start3A_16 = tpu.memref_slice %arg2[%add3A, %dma_start3A, %dma_start3A_15] : memref<32x80x128xi32, #tpu.memory_space<hbm>> -> memref<1x80x128xi32, #tpu.memory_space<hbm>>
      %dma_start3A_17 = tpu.memref_squeeze %dma_start3A_16 : memref<1x80x128xi32, #tpu.memory_space<hbm>> -> memref<80x128xi32, #tpu.memory_space<hbm>>
      %dma_start3A_18 = arith.constant 0 : i32
      %dma_start3A_19 = arith.constant 0 : i32
      %dma_start3A_20 = tpu.memref_slice %arg2[%add3A, %dma_start3A_18, %dma_start3A_19] : memref<32x80x128xi32, #tpu.memory_space<hbm>> -> memref<1x80x128xi32, #tpu.memory_space<hbm>>
      %dma_start3A_21 = tpu.memref_squeeze %dma_start3A_20 : memref<1x80x128xi32, #tpu.memory_space<hbm>> -> memref<80x128xi32, #tpu.memory_space<hbm>>
      tpu.enqueue_dma source(%dma_start3A_21 : memref<80x128xi32, #tpu.memory_space<hbm>>) target(%arg4 : memref<80x128xi32, #tpu.memory_space<vmem>>) target_semaphore(%run_scoped3A : memref<!tpu.dma_semaphore, #tpu.memory_space<semaphore_mem>>)
      %dma_wait3A = arith.constant 0 : i32
      %dma_wait3A_22 = arith.constant 0 : i32
      %dma_wait3A_23 = tpu.memref_slice %arg2[%add3A, %dma_wait3A, %dma_wait3A_22] : memref<32x80x128xi32, #tpu.memory_space<hbm>> -> memref<1x80x128xi32, #tpu.memory_space<hbm>>
      %dma_wait3A_24 = tpu.memref_squeeze %dma_wait3A_23 : memref<1x80x128xi32, #tpu.memory_space<hbm>> -> memref<80x128xi32, #tpu.memory_space<hbm>>
      %dma_wait3A_25 = arith.constant 0 : i32
      %dma_wait3A_26 = arith.constant 0 : i32
      %dma_wait3A_27 = tpu.memref_slice %arg2[%add3A, %dma_wait3A_25, %dma_wait3A_26] : memref<32x80x128xi32, #tpu.memory_space<hbm>> -> memref<1x80x128xi32, #tpu.memory_space<hbm>>
      %dma_wait3A_28 = tpu.memref_squeeze %dma_wait3A_27 : memref<1x80x128xi32, #tpu.memory_space<hbm>> -> memref<80x128xi32, #tpu.memory_space<hbm>>
      tpu.wait_dma2 semaphore(%run_scoped3A : memref<!tpu.dma_semaphore, #tpu.memory_space<semaphore_mem>>) src(%dma_wait3A_28 : memref<80x128xi32, #tpu.memory_space<hbm>>) dst(%arg4 : memref<80x128xi32, #tpu.memory_space<vmem>>)
      tpu.yield
    }) : () -> ()
    %broadcast_in_dim3A_7 = arith.constant 1.000000e+00 : f32
    %broadcast_in_dim3A_8 = vector.broadcast %broadcast_in_dim3A_7 : f32 to vector<16xf32>
    %scan3A_9 = arith.constant 0 : i32
    %scan3A_10 = arith.constant 0 : i32
    %scan3A_11 = arith.constant 640 : i32
    %scan3A_12 = arith.addi %scan3A_10, %scan3A_11 : i32
    %scan3A_13 = arith.constant 1 : i32
    scf.for %scan3A_15 = %scan3A_10 to %scan3A_12 step %scan3A_13  : i32 {
      %jit3A = arith.constant 8 : i32
      %div3A = arith.divsi %scan3A_15, %jit3A : i32
      %sign3A = arith.constant 0 : i32
      %sign3A_16 = arith.cmpi sgt, %scan3A_15, %sign3A : i32
      %sign3A_17 = arith.extui %sign3A_16 : i1 to i32
      %sign3A_18 = arith.constant 0 : i32
      %sign3A_19 = arith.cmpi slt, %scan3A_15, %sign3A_18 : i32
      %sign3A_20 = arith.extui %sign3A_19 : i1 to i32
      %sign3A_21 = arith.subi %sign3A_17, %sign3A_20 : i32
      %sign3A_22 = arith.constant 0 : i32
      %sign3A_23 = arith.cmpi sgt, %jit3A, %sign3A_22 : i32
      %sign3A_24 = arith.extui %sign3A_23 : i1 to i32
      %sign3A_25 = arith.constant 0 : i32
      %sign3A_26 = arith.cmpi slt, %jit3A, %sign3A_25 : i32
      %sign3A_27 = arith.extui %sign3A_26 : i1 to i32
      %sign3A_28 = arith.subi %sign3A_24, %sign3A_27 : i32
      %ne3A = arith.cmpi ne, %sign3A_21, %sign3A_28 : i32
      %rem3A = arith.remsi %scan3A_15, %jit3A : i32
      %ne3A_29 = arith.constant 0 : i32
      %ne3A_30 = arith.cmpi ne, %rem3A, %ne3A_29 : i32
      %and3A = arith.andi %ne3A, %ne3A_30 : i1
      %sub3A = arith.constant 1 : i32
      %sub3A_31 = arith.subi %div3A, %sub3A : i32
      %select_n3A = arith.select %and3A, %sub3A_31, %div3A : i32
      %jit3A_32 = arith.constant 8 : i32
      %eq3A = arith.constant 0 : i32
      %eq3A_33 = arith.cmpi eq, %jit3A_32, %eq3A : i32
      %jit3A_34 = arith.constant 1 : i32
      %select_n3A_35 = arith.select %eq3A_33, %jit3A_34, %jit3A_32 : i32
      %rem3A_36 = arith.remsi %scan3A_15, %select_n3A_35 : i32
      %ne3A_37 = arith.constant 0 : i32
      %ne3A_38 = arith.cmpi ne, %rem3A_36, %ne3A_37 : i32
      %lt3A = arith.constant 0 : i32
      %lt3A_39 = arith.cmpi slt, %rem3A_36, %lt3A : i32
      %lt3A_40 = arith.constant 0 : i32
      %lt3A_41 = arith.cmpi slt, %select_n3A_35, %lt3A_40 : i32
      %ne3A_42 = arith.xori %lt3A_39, %lt3A_41 : i1
      %and3A_43 = arith.andi %ne3A_42, %ne3A_38 : i1
      %add3A_44 = arith.addi %rem3A_36, %select_n3A_35 : i32
      %select_n3A_45 = arith.select %and3A_43, %add3A_44, %rem3A_36 : i32
      %mul3A_46 = arith.constant 16 : i32
      %mul3A_47 = arith.muli %select_n3A_45, %mul3A_46 : i32
      %get3A = arith.index_cast %select_n3A : i32 to index
      %get3A_48 = arith.index_cast %mul3A_47 : i32 to index
      %get3A_49 = tpu.vector_load %arg4[%get3A, %get3A_48] {strides = array<i32>} : memref<80x128xi32, #tpu.memory_space<vmem>>, vector<16xi32>,
      tpu.vector_store_idx %arg5[%get3A_49], %broadcast_in_dim3A_8 {add = true} : memref<10112xf32, #tpu.memory_space<vmem>>[vector<16xi32>], vector<16xf32>,
    }
    %scan3A_14 = arith.constant 640 : i32
    "tpu.region"() ({
      %run_scoped3A = tpu.sem_alloc : memref<!tpu.dma_semaphore, #tpu.memory_space<semaphore_mem>>
      %dma_start3A = arith.constant 0 : i32
      %dma_start3A_15 = tpu.memref_slice %arg3[%add3A, %dma_start3A] : memref<32x10112xf32, #tpu.memory_space<hbm>> -> memref<1x10112xf32, #tpu.memory_space<hbm>>
      %dma_start3A_16 = tpu.memref_squeeze %dma_start3A_15 : memref<1x10112xf32, #tpu.memory_space<hbm>> -> memref<10112xf32, #tpu.memory_space<hbm>>
      %dma_start3A_17 = arith.constant 0 : i32
      %dma_start3A_18 = tpu.memref_slice %arg3[%add3A, %dma_start3A_17] : memref<32x10112xf32, #tpu.memory_space<hbm>> -> memref<1x10112xf32, #tpu.memory_space<hbm>>
      %dma_start3A_19 = tpu.memref_squeeze %dma_start3A_18 : memref<1x10112xf32, #tpu.memory_space<hbm>> -> memref<10112xf32, #tpu.memory_space<hbm>>
      tpu.enqueue_dma source(%arg5 : memref<10112xf32, #tpu.memory_space<vmem>>) target(%dma_start3A_19 : memref<10112xf32, #tpu.memory_space<hbm>>) target_semaphore(%run_scoped3A : memref<!tpu.dma_semaphore, #tpu.memory_space<semaphore_mem>>)
      %dma_wait3A = arith.constant 0 : i32
      %dma_wait3A_20 = tpu.memref_slice %arg3[%add3A, %dma_wait3A] : memref<32x10112xf32, #tpu.memory_space<hbm>> -> memref<1x10112xf32, #tpu.memory_space<hbm>>
      %dma_wait3A_21 = tpu.memref_squeeze %dma_wait3A_20 : memref<1x10112xf32, #tpu.memory_space<hbm>> -> memref<10112xf32, #tpu.memory_space<hbm>>
      %dma_wait3A_22 = arith.constant 0 : i32
      %dma_wait3A_23 = tpu.memref_slice %arg3[%add3A, %dma_wait3A_22] : memref<32x10112xf32, #tpu.memory_space<hbm>> -> memref<1x10112xf32, #tpu.memory_space<hbm>>
      %dma_wait3A_24 = tpu.memref_squeeze %dma_wait3A_23 : memref<1x10112xf32, #tpu.memory_space<hbm>> -> memref<10112xf32, #tpu.memory_space<hbm>>
      tpu.wait_dma2 semaphore(%run_scoped3A : memref<!tpu.dma_semaphore, #tpu.memory_space<semaphore_mem>>) src(%arg5 : memref<10112xf32, #tpu.memory_space<vmem>>) dst(%dma_wait3A_24 : memref<10112xf32, #tpu.memory_space<hbm>>)
      tpu.yield
    }) : () -> ()
    return
  }
}

#map = affine_map<(d0, d1) -> (0, 0)>
#map1 = affine_map<(d0, d1) -> (0, 0, 0, 0)>
#map2 = affine_map<(d0, d1) -> (0, 0, 0)>
module attributes {stable_mosaic.version = 14 : i64} {
  func.func @scatter_kernel(%arg0: i32, %arg1: i32, %arg2: memref<10112x128xf32, #tpu.memory_space<hbm>>, %arg3: memref<32x2x40x128xi32, #tpu.memory_space<hbm>>, %arg4: memref<32x2x40x128xi32, #tpu.memory_space<hbm>>, %arg5: memref<2x10112x128xf32, #tpu.memory_space<hbm>>, %arg6: memref<40x128xi32, #tpu.memory_space<vmem>>, %arg7: memref<40x128xi32, #tpu.memory_space<vmem>>, %arg8: memref<128x128xf32, #tpu.memory_space<vmem>>, %arg9: memref<128x128xf32, #tpu.memory_space<vmem>>, %arg10: memref<10112x128xf32, #tpu.memory_space<vmem_shared>>, %arg11: memref<!tpu.dma_semaphore, #tpu.memory_space<semaphore_mem>>, %arg12: memref<!tpu.dma_semaphore, #tpu.memory_space<semaphore_mem>>) attributes {dimension_semantics = [#tpu.dimension_semantics<core_parallel>, #tpu.dimension_semantics<subcore_parallel>], iteration_bounds = array<i64: 2, 16>, scalar_prefetch = 0 : i64, scratch_operands = 7 : i64, tpu.core_type = #tpu.core_type<sc_vector_subcore>, window_params = [{transform_indices = #map}, {transform_indices = #map1}, {transform_indices = #map1}, {transform_indices = #map2}]} {
    %mul3A = arith.constant 2 : i32
    %mul3A_0 = arith.muli %arg1, %mul3A : i32
    %add3A = arith.addi %mul3A_0, %arg0 : i32
    %broadcast_in_dim3A = arith.constant 0.000000e+00 : f32
    %broadcast_in_dim3A_1 = vector.broadcast %broadcast_in_dim3A : f32 to vector<16xf32>
    %scan3A = arith.constant 0 : i32
    %scan3A_2 = arith.constant 0 : i32
    %scan3A_3 = arith.constant 1024 : i32
    %scan3A_4 = arith.addi %scan3A_2, %scan3A_3 : i32
    %scan3A_5 = arith.constant 1 : i32
    scf.for %scan3A_76 = %scan3A_2 to %scan3A_4 step %scan3A_5  : i32 {
      %jit3A = arith.constant 8 : i32
      %div3A = arith.divsi %scan3A_76, %jit3A : i32
      %sign3A = arith.constant 0 : i32
      %sign3A_77 = arith.cmpi sgt, %scan3A_76, %sign3A : i32
      %sign3A_78 = arith.extui %sign3A_77 : i1 to i32
      %sign3A_79 = arith.constant 0 : i32
      %sign3A_80 = arith.cmpi slt, %scan3A_76, %sign3A_79 : i32
      %sign3A_81 = arith.extui %sign3A_80 : i1 to i32
      %sign3A_82 = arith.subi %sign3A_78, %sign3A_81 : i32
      %sign3A_83 = arith.constant 0 : i32
      %sign3A_84 = arith.cmpi sgt, %jit3A, %sign3A_83 : i32
      %sign3A_85 = arith.extui %sign3A_84 : i1 to i32
      %sign3A_86 = arith.constant 0 : i32
      %sign3A_87 = arith.cmpi slt, %jit3A, %sign3A_86 : i32
      %sign3A_88 = arith.extui %sign3A_87 : i1 to i32
      %sign3A_89 = arith.subi %sign3A_85, %sign3A_88 : i32
      %ne3A = arith.cmpi ne, %sign3A_82, %sign3A_89 : i32
      %rem3A = arith.remsi %scan3A_76, %jit3A : i32
      %ne3A_90 = arith.constant 0 : i32
      %ne3A_91 = arith.cmpi ne, %rem3A, %ne3A_90 : i32
      %and3A = arith.andi %ne3A, %ne3A_91 : i1
      %sub3A = arith.constant 1 : i32
      %sub3A_92 = arith.subi %div3A, %sub3A : i32
      %select_n3A = arith.select %and3A, %sub3A_92, %div3A : i32
      %jit3A_93 = arith.constant 8 : i32
      %eq3A = arith.constant 0 : i32
      %eq3A_94 = arith.cmpi eq, %jit3A_93, %eq3A : i32
      %jit3A_95 = arith.constant 1 : i32
      %select_n3A_96 = arith.select %eq3A_94, %jit3A_95, %jit3A_93 : i32
      %rem3A_97 = arith.remsi %scan3A_76, %select_n3A_96 : i32
      %ne3A_98 = arith.constant 0 : i32
      %ne3A_99 = arith.cmpi ne, %rem3A_97, %ne3A_98 : i32
      %lt3A = arith.constant 0 : i32
      %lt3A_100 = arith.cmpi slt, %rem3A_97, %lt3A : i32
      %lt3A_101 = arith.constant 0 : i32
      %lt3A_102 = arith.cmpi slt, %select_n3A_96, %lt3A_101 : i32
      %ne3A_103 = arith.xori %lt3A_100, %lt3A_102 : i1
      %and3A_104 = arith.andi %ne3A_103, %ne3A_99 : i1
      %add3A_105 = arith.addi %rem3A_97, %select_n3A_96 : i32
      %select_n3A_106 = arith.select %and3A_104, %add3A_105, %rem3A_97 : i32
      %mul3A_107 = arith.constant 16 : i32
      %mul3A_108 = arith.muli %select_n3A_106, %mul3A_107 : i32
      %swap3A = arith.index_cast %select_n3A : i32 to index
      %swap3A_109 = arith.index_cast %mul3A_108 : i32 to index
      %swap3A_110 = tpu.vector_load %arg8[%swap3A, %swap3A_109] {strides = array<i32>} : memref<128x128xf32, #tpu.memory_space<vmem>>, vector<16xf32>,
      tpu.vector_store %arg8[%swap3A, %swap3A_109], %broadcast_in_dim3A_1 {strides = array<i32>} : memref<128x128xf32, #tpu.memory_space<vmem>>, vector<16xf32>,
    }
    %scan3A_6 = arith.constant 1024 : i32
    %mul3A_7 = arith.constant 632 : i32
    %mul3A_8 = arith.muli %arg1, %mul3A_7 : i32
    %add3A_9 = arith.constant 0 : i32
    %add3A_10 = arith.addi %mul3A_8, %add3A_9 : i32
    "tpu.region"() ({
      %run_scoped3A_76 = tpu.sem_alloc : memref<!tpu.dma_semaphore, #tpu.memory_space<semaphore_mem>>
      %dma_start3A_77 = arith.constant 0 : i32
      %dma_start3A_78 = tpu.memref_slice %arg10[%add3A_10, %dma_start3A_77] : memref<10112x128xf32, #tpu.memory_space<vmem_shared>> -> memref<128x128xf32, #tpu.memory_space<vmem_shared>>
      %dma_start3A_79 = arith.constant 0 : i32
      %dma_start3A_80 = tpu.memref_slice %arg10[%add3A_10, %dma_start3A_79] : memref<10112x128xf32, #tpu.memory_space<vmem_shared>> -> memref<128x128xf32, #tpu.memory_space<vmem_shared>>
      tpu.enqueue_dma source(%arg8 : memref<128x128xf32, #tpu.memory_space<vmem>>) target(%dma_start3A_80 : memref<128x128xf32, #tpu.memory_space<vmem_shared>>) target_semaphore(%run_scoped3A_76 : memref<!tpu.dma_semaphore, #tpu.memory_space<semaphore_mem>>)
      %dma_wait3A = arith.constant 0 : i32
      %dma_wait3A_81 = tpu.memref_slice %arg10[%add3A_10, %dma_wait3A] : memref<10112x128xf32, #tpu.memory_space<vmem_shared>> -> memref<128x128xf32, #tpu.memory_space<vmem_shared>>
      %dma_wait3A_82 = arith.constant 0 : i32
      %dma_wait3A_83 = tpu.memref_slice %arg10[%add3A_10, %dma_wait3A_82] : memref<10112x128xf32, #tpu.memory_space<vmem_shared>> -> memref<128x128xf32, #tpu.memory_space<vmem_shared>>
      tpu.wait_dma2 semaphore(%run_scoped3A_76 : memref<!tpu.dma_semaphore, #tpu.memory_space<semaphore_mem>>) src(%arg8 : memref<128x128xf32, #tpu.memory_space<vmem>>) dst(%dma_wait3A_83 : memref<128x128xf32, #tpu.memory_space<vmem_shared>>)
      tpu.yield
    }) : () -> ()
    %mul3A_11 = arith.constant 632 : i32
    %mul3A_12 = arith.muli %arg1, %mul3A_11 : i32
    %add3A_13 = arith.constant 128 : i32
    %add3A_14 = arith.addi %mul3A_12, %add3A_13 : i32
    "tpu.region"() ({
      %run_scoped3A_76 = tpu.sem_alloc : memref<!tpu.dma_semaphore, #tpu.memory_space<semaphore_mem>>
      %dma_start3A_77 = arith.constant 0 : i32
      %dma_start3A_78 = tpu.memref_slice %arg10[%add3A_14, %dma_start3A_77] : memref<10112x128xf32, #tpu.memory_space<vmem_shared>> -> memref<128x128xf32, #tpu.memory_space<vmem_shared>>
      %dma_start3A_79 = arith.constant 0 : i32
      %dma_start3A_80 = tpu.memref_slice %arg10[%add3A_14, %dma_start3A_79] : memref<10112x128xf32, #tpu.memory_space<vmem_shared>> -> memref<128x128xf32, #tpu.memory_space<vmem_shared>>
      tpu.enqueue_dma source(%arg8 : memref<128x128xf32, #tpu.memory_space<vmem>>) target(%dma_start3A_80 : memref<128x128xf32, #tpu.memory_space<vmem_shared>>) target_semaphore(%run_scoped3A_76 : memref<!tpu.dma_semaphore, #tpu.memory_space<semaphore_mem>>)
      %dma_wait3A = arith.constant 0 : i32
      %dma_wait3A_81 = tpu.memref_slice %arg10[%add3A_14, %dma_wait3A] : memref<10112x128xf32, #tpu.memory_space<vmem_shared>> -> memref<128x128xf32, #tpu.memory_space<vmem_shared>>
      %dma_wait3A_82 = arith.constant 0 : i32
      %dma_wait3A_83 = tpu.memref_slice %arg10[%add3A_14, %dma_wait3A_82] : memref<10112x128xf32, #tpu.memory_space<vmem_shared>> -> memref<128x128xf32, #tpu.memory_space<vmem_shared>>
      tpu.wait_dma2 semaphore(%run_scoped3A_76 : memref<!tpu.dma_semaphore, #tpu.memory_space<semaphore_mem>>) src(%arg8 : memref<128x128xf32, #tpu.memory_space<vmem>>) dst(%dma_wait3A_83 : memref<128x128xf32, #tpu.memory_space<vmem_shared>>)
      tpu.yield
    }) : () -> ()
    %mul3A_15 = arith.constant 632 : i32
    %mul3A_16 = arith.muli %arg1, %mul3A_15 : i32
    %add3A_17 = arith.constant 256 : i32
    %add3A_18 = arith.addi %mul3A_16, %add3A_17 : i32
    "tpu.region"() ({
      %run_scoped3A_76 = tpu.sem_alloc : memref<!tpu.dma_semaphore, #tpu.memory_space<semaphore_mem>>
      %dma_start3A_77 = arith.constant 0 : i32
      %dma_start3A_78 = tpu.memref_slice %arg10[%add3A_18, %dma_start3A_77] : memref<10112x128xf32, #tpu.memory_space<vmem_shared>> -> memref<128x128xf32, #tpu.memory_space<vmem_shared>>
      %dma_start3A_79 = arith.constant 0 : i32
      %dma_start3A_80 = tpu.memref_slice %arg10[%add3A_18, %dma_start3A_79] : memref<10112x128xf32, #tpu.memory_space<vmem_shared>> -> memref<128x128xf32, #tpu.memory_space<vmem_shared>>
      tpu.enqueue_dma source(%arg8 : memref<128x128xf32, #tpu.memory_space<vmem>>) target(%dma_start3A_80 : memref<128x128xf32, #tpu.memory_space<vmem_shared>>) target_semaphore(%run_scoped3A_76 : memref<!tpu.dma_semaphore, #tpu.memory_space<semaphore_mem>>)
      %dma_wait3A = arith.constant 0 : i32
      %dma_wait3A_81 = tpu.memref_slice %arg10[%add3A_18, %dma_wait3A] : memref<10112x128xf32, #tpu.memory_space<vmem_shared>> -> memref<128x128xf32, #tpu.memory_space<vmem_shared>>
      %dma_wait3A_82 = arith.constant 0 : i32
      %dma_wait3A_83 = tpu.memref_slice %arg10[%add3A_18, %dma_wait3A_82] : memref<10112x128xf32, #tpu.memory_space<vmem_shared>> -> memref<128x128xf32, #tpu.memory_space<vmem_shared>>
      tpu.wait_dma2 semaphore(%run_scoped3A_76 : memref<!tpu.dma_semaphore, #tpu.memory_space<semaphore_mem>>) src(%arg8 : memref<128x128xf32, #tpu.memory_space<vmem>>) dst(%dma_wait3A_83 : memref<128x128xf32, #tpu.memory_space<vmem_shared>>)
      tpu.yield
    }) : () -> ()
    %mul3A_19 = arith.constant 632 : i32
    %mul3A_20 = arith.muli %arg1, %mul3A_19 : i32
    %add3A_21 = arith.constant 384 : i32
    %add3A_22 = arith.addi %mul3A_20, %add3A_21 : i32
    "tpu.region"() ({
      %run_scoped3A_76 = tpu.sem_alloc : memref<!tpu.dma_semaphore, #tpu.memory_space<semaphore_mem>>
      %dma_start3A_77 = arith.constant 0 : i32
      %dma_start3A_78 = tpu.memref_slice %arg10[%add3A_22, %dma_start3A_77] : memref<10112x128xf32, #tpu.memory_space<vmem_shared>> -> memref<128x128xf32, #tpu.memory_space<vmem_shared>>
      %dma_start3A_79 = arith.constant 0 : i32
      %dma_start3A_80 = tpu.memref_slice %arg10[%add3A_22, %dma_start3A_79] : memref<10112x128xf32, #tpu.memory_space<vmem_shared>> -> memref<128x128xf32, #tpu.memory_space<vmem_shared>>
      tpu.enqueue_dma source(%arg8 : memref<128x128xf32, #tpu.memory_space<vmem>>) target(%dma_start3A_80 : memref<128x128xf32, #tpu.memory_space<vmem_shared>>) target_semaphore(%run_scoped3A_76 : memref<!tpu.dma_semaphore, #tpu.memory_space<semaphore_mem>>)
      %dma_wait3A = arith.constant 0 : i32
      %dma_wait3A_81 = tpu.memref_slice %arg10[%add3A_22, %dma_wait3A] : memref<10112x128xf32, #tpu.memory_space<vmem_shared>> -> memref<128x128xf32, #tpu.memory_space<vmem_shared>>
      %dma_wait3A_82 = arith.constant 0 : i32
      %dma_wait3A_83 = tpu.memref_slice %arg10[%add3A_22, %dma_wait3A_82] : memref<10112x128xf32, #tpu.memory_space<vmem_shared>> -> memref<128x128xf32, #tpu.memory_space<vmem_shared>>
      tpu.wait_dma2 semaphore(%run_scoped3A_76 : memref<!tpu.dma_semaphore, #tpu.memory_space<semaphore_mem>>) src(%arg8 : memref<128x128xf32, #tpu.memory_space<vmem>>) dst(%dma_wait3A_83 : memref<128x128xf32, #tpu.memory_space<vmem_shared>>)
      tpu.yield
    }) : () -> ()
    %mul3A_23 = arith.constant 632 : i32
    %mul3A_24 = arith.muli %arg1, %mul3A_23 : i32
    %add3A_25 = arith.constant 512 : i32
    %add3A_26 = arith.addi %mul3A_24, %add3A_25 : i32
    "tpu.region"() ({
      %run_scoped3A_76 = tpu.sem_alloc : memref<!tpu.dma_semaphore, #tpu.memory_space<semaphore_mem>>
      %dma_start3A_77 = arith.constant 0 : i32
      %dma_start3A_78 = arith.constant 0 : i32
      %dma_start3A_79 = tpu.memref_slice %arg8[%dma_start3A_77, %dma_start3A_78] : memref<128x128xf32, #tpu.memory_space<vmem>> -> memref<120x128xf32, #tpu.memory_space<vmem>>
      %dma_start3A_80 = arith.constant 0 : i32
      %dma_start3A_81 = tpu.memref_slice %arg10[%add3A_26, %dma_start3A_80] : memref<10112x128xf32, #tpu.memory_space<vmem_shared>> -> memref<120x128xf32, #tpu.memory_space<vmem_shared>>
      %dma_start3A_82 = arith.constant 0 : i32
      %dma_start3A_83 = tpu.memref_slice %arg10[%add3A_26, %dma_start3A_82] : memref<10112x128xf32, #tpu.memory_space<vmem_shared>> -> memref<120x128xf32, #tpu.memory_space<vmem_shared>>
      %dma_start3A_84 = arith.constant 0 : i32
      %dma_start3A_85 = arith.constant 0 : i32
      %dma_start3A_86 = tpu.memref_slice %arg8[%dma_start3A_84, %dma_start3A_85] : memref<128x128xf32, #tpu.memory_space<vmem>> -> memref<120x128xf32, #tpu.memory_space<vmem>>
      tpu.enqueue_dma source(%dma_start3A_86 : memref<120x128xf32, #tpu.memory_space<vmem>>) target(%dma_start3A_83 : memref<120x128xf32, #tpu.memory_space<vmem_shared>>) target_semaphore(%run_scoped3A_76 : memref<!tpu.dma_semaphore, #tpu.memory_space<semaphore_mem>>)
      %dma_wait3A = arith.constant 0 : i32
      %dma_wait3A_87 = arith.constant 0 : i32
      %dma_wait3A_88 = tpu.memref_slice %arg8[%dma_wait3A, %dma_wait3A_87] : memref<128x128xf32, #tpu.memory_space<vmem>> -> memref<120x128xf32, #tpu.memory_space<vmem>>
      %dma_wait3A_89 = arith.constant 0 : i32
      %dma_wait3A_90 = tpu.memref_slice %arg10[%add3A_26, %dma_wait3A_89] : memref<10112x128xf32, #tpu.memory_space<vmem_shared>> -> memref<120x128xf32, #tpu.memory_space<vmem_shared>>
      %dma_wait3A_91 = arith.constant 0 : i32
      %dma_wait3A_92 = tpu.memref_slice %arg10[%add3A_26, %dma_wait3A_91] : memref<10112x128xf32, #tpu.memory_space<vmem_shared>> -> memref<120x128xf32, #tpu.memory_space<vmem_shared>>
      %dma_wait3A_93 = arith.constant 0 : i32
      %dma_wait3A_94 = arith.constant 0 : i32
      %dma_wait3A_95 = tpu.memref_slice %arg8[%dma_wait3A_93, %dma_wait3A_94] : memref<128x128xf32, #tpu.memory_space<vmem>> -> memref<120x128xf32, #tpu.memory_space<vmem>>
      tpu.wait_dma2 semaphore(%run_scoped3A_76 : memref<!tpu.dma_semaphore, #tpu.memory_space<semaphore_mem>>) src(%dma_wait3A_95 : memref<120x128xf32, #tpu.memory_space<vmem>>) dst(%dma_wait3A_92 : memref<120x128xf32, #tpu.memory_space<vmem_shared>>)
      tpu.yield
    }) : () -> ()
    %barrier3A = arith.constant 0 : index
    tpu.barrier barrier_id(%barrier3A)
    %run_scoped3A = arith.constant 0 : i32
    "tpu.region"() ({
      %run_scoped3A_76 = tpu.sem_alloc : memref<!tpu.dma_semaphore, #tpu.memory_space<semaphore_mem>>
      %dma_start3A_77 = arith.constant 0 : i32
      %dma_start3A_78 = arith.constant 0 : i32
      %dma_start3A_79 = tpu.memref_slice %arg3[%add3A, %run_scoped3A, %dma_start3A_77, %dma_start3A_78] : memref<32x2x40x128xi32, #tpu.memory_space<hbm>> -> memref<1x1x40x128xi32, #tpu.memory_space<hbm>>
      %dma_start3A_80 = tpu.memref_squeeze %dma_start3A_79 : memref<1x1x40x128xi32, #tpu.memory_space<hbm>> -> memref<40x128xi32, #tpu.memory_space<hbm>>
      %dma_start3A_81 = arith.constant 0 : i32
      %dma_start3A_82 = arith.constant 0 : i32
      %dma_start3A_83 = tpu.memref_slice %arg3[%add3A, %run_scoped3A, %dma_start3A_81, %dma_start3A_82] : memref<32x2x40x128xi32, #tpu.memory_space<hbm>> -> memref<1x1x40x128xi32, #tpu.memory_space<hbm>>
      %dma_start3A_84 = tpu.memref_squeeze %dma_start3A_83 : memref<1x1x40x128xi32, #tpu.memory_space<hbm>> -> memref<40x128xi32, #tpu.memory_space<hbm>>
      tpu.enqueue_dma source(%dma_start3A_84 : memref<40x128xi32, #tpu.memory_space<hbm>>) target(%arg6 : memref<40x128xi32, #tpu.memory_space<vmem>>) target_semaphore(%run_scoped3A_76 : memref<!tpu.dma_semaphore, #tpu.memory_space<semaphore_mem>>)
      %dma_wait3A = arith.constant 0 : i32
      %dma_wait3A_85 = arith.constant 0 : i32
      %dma_wait3A_86 = tpu.memref_slice %arg3[%add3A, %run_scoped3A, %dma_wait3A, %dma_wait3A_85] : memref<32x2x40x128xi32, #tpu.memory_space<hbm>> -> memref<1x1x40x128xi32, #tpu.memory_space<hbm>>
      %dma_wait3A_87 = tpu.memref_squeeze %dma_wait3A_86 : memref<1x1x40x128xi32, #tpu.memory_space<hbm>> -> memref<40x128xi32, #tpu.memory_space<hbm>>
      %dma_wait3A_88 = arith.constant 0 : i32
      %dma_wait3A_89 = arith.constant 0 : i32
      %dma_wait3A_90 = tpu.memref_slice %arg3[%add3A, %run_scoped3A, %dma_wait3A_88, %dma_wait3A_89] : memref<32x2x40x128xi32, #tpu.memory_space<hbm>> -> memref<1x1x40x128xi32, #tpu.memory_space<hbm>>
      %dma_wait3A_91 = tpu.memref_squeeze %dma_wait3A_90 : memref<1x1x40x128xi32, #tpu.memory_space<hbm>> -> memref<40x128xi32, #tpu.memory_space<hbm>>
      tpu.wait_dma2 semaphore(%run_scoped3A_76 : memref<!tpu.dma_semaphore, #tpu.memory_space<semaphore_mem>>) src(%dma_wait3A_91 : memref<40x128xi32, #tpu.memory_space<hbm>>) dst(%arg6 : memref<40x128xi32, #tpu.memory_space<vmem>>)
      tpu.yield
    }) : () -> ()
    %run_scoped3A_27 = arith.constant 0 : i32
    "tpu.region"() ({
      %run_scoped3A_76 = tpu.sem_alloc : memref<!tpu.dma_semaphore, #tpu.memory_space<semaphore_mem>>
      %dma_start3A_77 = arith.constant 0 : i32
      %dma_start3A_78 = arith.constant 0 : i32
      %dma_start3A_79 = tpu.memref_slice %arg4[%add3A, %run_scoped3A_27, %dma_start3A_77, %dma_start3A_78] : memref<32x2x40x128xi32, #tpu.memory_space<hbm>> -> memref<1x1x40x128xi32, #tpu.memory_space<hbm>>
      %dma_start3A_80 = tpu.memref_squeeze %dma_start3A_79 : memref<1x1x40x128xi32, #tpu.memory_space<hbm>> -> memref<40x128xi32, #tpu.memory_space<hbm>>
      %dma_start3A_81 = arith.constant 0 : i32
      %dma_start3A_82 = arith.constant 0 : i32
      %dma_start3A_83 = tpu.memref_slice %arg4[%add3A, %run_scoped3A_27, %dma_start3A_81, %dma_start3A_82] : memref<32x2x40x128xi32, #tpu.memory_space<hbm>> -> memref<1x1x40x128xi32, #tpu.memory_space<hbm>>
      %dma_start3A_84 = tpu.memref_squeeze %dma_start3A_83 : memref<1x1x40x128xi32, #tpu.memory_space<hbm>> -> memref<40x128xi32, #tpu.memory_space<hbm>>
      tpu.enqueue_dma source(%dma_start3A_84 : memref<40x128xi32, #tpu.memory_space<hbm>>) target(%arg7 : memref<40x128xi32, #tpu.memory_space<vmem>>) target_semaphore(%run_scoped3A_76 : memref<!tpu.dma_semaphore, #tpu.memory_space<semaphore_mem>>)
      %dma_wait3A = arith.constant 0 : i32
      %dma_wait3A_85 = arith.constant 0 : i32
      %dma_wait3A_86 = tpu.memref_slice %arg4[%add3A, %run_scoped3A_27, %dma_wait3A, %dma_wait3A_85] : memref<32x2x40x128xi32, #tpu.memory_space<hbm>> -> memref<1x1x40x128xi32, #tpu.memory_space<hbm>>
      %dma_wait3A_87 = tpu.memref_squeeze %dma_wait3A_86 : memref<1x1x40x128xi32, #tpu.memory_space<hbm>> -> memref<40x128xi32, #tpu.memory_space<hbm>>
      %dma_wait3A_88 = arith.constant 0 : i32
      %dma_wait3A_89 = arith.constant 0 : i32
      %dma_wait3A_90 = tpu.memref_slice %arg4[%add3A, %run_scoped3A_27, %dma_wait3A_88, %dma_wait3A_89] : memref<32x2x40x128xi32, #tpu.memory_space<hbm>> -> memref<1x1x40x128xi32, #tpu.memory_space<hbm>>
      %dma_wait3A_91 = tpu.memref_squeeze %dma_wait3A_90 : memref<1x1x40x128xi32, #tpu.memory_space<hbm>> -> memref<40x128xi32, #tpu.memory_space<hbm>>
      tpu.wait_dma2 semaphore(%run_scoped3A_76 : memref<!tpu.dma_semaphore, #tpu.memory_space<semaphore_mem>>) src(%dma_wait3A_91 : memref<40x128xi32, #tpu.memory_space<hbm>>) dst(%arg7 : memref<40x128xi32, #tpu.memory_space<vmem>>)
      tpu.yield
    }) : () -> ()
    %dma_start3A = arith.constant 0 : i32
    %dma_start3A_28 = arith.constant 0 : i32
    %dma_start3A_29 = tpu.memref_slice %arg6[%dma_start3A, %dma_start3A_28] : memref<40x128xi32, #tpu.memory_space<vmem>> -> memref<1x128xi32, #tpu.memory_space<vmem>>
    %dma_start3A_30 = tpu.memref_squeeze %dma_start3A_29 : memref<1x128xi32, #tpu.memory_space<vmem>> -> memref<128xi32, #tpu.memory_space<vmem>>
    %dma_start3A_31 = arith.constant 0 : i32
    %dma_start3A_32 = arith.constant 0 : i32
    %dma_start3A_33 = tpu.memref_slice %arg2[%dma_start3A_31, %dma_start3A_32] : memref<10112x128xf32, #tpu.memory_space<hbm>> -> memref<10112x128xf32, #tpu.memory_space<hbm>>
    tpu.enqueue_indirect_dma source(%dma_start3A_33 : memref<10112x128xf32, #tpu.memory_space<hbm>>) target(%arg8 : memref<128x128xf32, #tpu.memory_space<vmem>>) offsets(%dma_start3A_30 : memref<128xi32, #tpu.memory_space<vmem>>) semaphore(%arg11 : memref<!tpu.dma_semaphore, #tpu.memory_space<semaphore_mem>>)
    %scan3A_34 = arith.constant 0 : i32
    %scan3A_35 = arith.constant 0 : i32
    %scan3A_36 = arith.constant 20 : i32
    %scan3A_37 = arith.addi %scan3A_35, %scan3A_36 : i32
    %scan3A_38 = arith.constant 1 : i32
    scf.for %scan3A_76 = %scan3A_35 to %scan3A_37 step %scan3A_38  : i32 {
      %mul3A_77 = arith.constant 2 : i32
      %mul3A_78 = arith.muli %scan3A_76, %mul3A_77 : i32
      %dma_wait3A = arith.constant 0 : i32
      %dma_wait3A_79 = tpu.memref_slice %arg6[%mul3A_78, %dma_wait3A] : memref<40x128xi32, #tpu.memory_space<vmem>> -> memref<1x128xi32, #tpu.memory_space<vmem>>
      %dma_wait3A_80 = tpu.memref_squeeze %dma_wait3A_79 : memref<1x128xi32, #tpu.memory_space<vmem>> -> memref<128xi32, #tpu.memory_space<vmem>>
      %dma_wait3A_81 = arith.constant 0 : i32
      %dma_wait3A_82 = arith.constant 0 : i32
      %dma_wait3A_83 = tpu.memref_slice %arg2[%dma_wait3A_81, %dma_wait3A_82] : memref<10112x128xf32, #tpu.memory_space<hbm>> -> memref<10112x128xf32, #tpu.memory_space<hbm>>
      tpu.wait_indirect_dma semaphore(%arg11 : memref<!tpu.dma_semaphore, #tpu.memory_space<semaphore_mem>>) src(%dma_wait3A_83 : memref<10112x128xf32, #tpu.memory_space<hbm>>) dst(%arg8 : memref<128x128xf32, #tpu.memory_space<vmem>>)
      %add3A_84 = arith.constant 1 : i32
      %add3A_85 = arith.addi %mul3A_78, %add3A_84 : i32
      %dma_start3A_86 = arith.constant 0 : i32
      %dma_start3A_87 = tpu.memref_slice %arg6[%add3A_85, %dma_start3A_86] : memref<40x128xi32, #tpu.memory_space<vmem>> -> memref<1x128xi32, #tpu.memory_space<vmem>>
      %dma_start3A_88 = tpu.memref_squeeze %dma_start3A_87 : memref<1x128xi32, #tpu.memory_space<vmem>> -> memref<128xi32, #tpu.memory_space<vmem>>
      %dma_start3A_89 = arith.constant 0 : i32
      %dma_start3A_90 = arith.constant 0 : i32
      %dma_start3A_91 = tpu.memref_slice %arg2[%dma_start3A_89, %dma_start3A_90] : memref<10112x128xf32, #tpu.memory_space<hbm>> -> memref<10112x128xf32, #tpu.memory_space<hbm>>
      tpu.enqueue_indirect_dma source(%dma_start3A_91 : memref<10112x128xf32, #tpu.memory_space<hbm>>) target(%arg9 : memref<128x128xf32, #tpu.memory_space<vmem>>) offsets(%dma_start3A_88 : memref<128xi32, #tpu.memory_space<vmem>>) semaphore(%arg12 : memref<!tpu.dma_semaphore, #tpu.memory_space<semaphore_mem>>)
      "tpu.region"() ({
        %run_scoped3A_104 = tpu.sem_alloc : memref<!tpu.dma_semaphore, #tpu.memory_space<semaphore_mem>>
        %dma_start3A_105 = arith.constant 0 : i32
        %dma_start3A_106 = tpu.memref_slice %arg7[%mul3A_78, %dma_start3A_105] : memref<40x128xi32, #tpu.memory_space<vmem>> -> memref<1x128xi32, #tpu.memory_space<vmem>>
        %dma_start3A_107 = tpu.memref_squeeze %dma_start3A_106 : memref<1x128xi32, #tpu.memory_space<vmem>> -> memref<128xi32, #tpu.memory_space<vmem>>
        %dma_start3A_108 = arith.constant 0 : i32
        %dma_start3A_109 = arith.constant 0 : i32
        %dma_start3A_110 = tpu.memref_slice %arg10[%dma_start3A_108, %dma_start3A_109] : memref<10112x128xf32, #tpu.memory_space<vmem_shared>> -> memref<10112x128xf32, #tpu.memory_space<vmem_shared>>
        tpu.enqueue_indirect_dma source(%arg8 : memref<128x128xf32, #tpu.memory_space<vmem>>) target(%dma_start3A_110 : memref<10112x128xf32, #tpu.memory_space<vmem_shared>>) offsets(%dma_start3A_107 : memref<128xi32, #tpu.memory_space<vmem>>) semaphore(%run_scoped3A_104 : memref<!tpu.dma_semaphore, #tpu.memory_space<semaphore_mem>>) {add = true}
        %dma_wait3A_111 = arith.constant 0 : i32
        %dma_wait3A_112 = tpu.memref_slice %arg7[%mul3A_78, %dma_wait3A_111] : memref<40x128xi32, #tpu.memory_space<vmem>> -> memref<1x128xi32, #tpu.memory_space<vmem>>
        %dma_wait3A_113 = tpu.memref_squeeze %dma_wait3A_112 : memref<1x128xi32, #tpu.memory_space<vmem>> -> memref<128xi32, #tpu.memory_space<vmem>>
        %dma_wait3A_114 = arith.constant 0 : i32
        %dma_wait3A_115 = arith.constant 0 : i32
        %dma_wait3A_116 = tpu.memref_slice %arg10[%dma_wait3A_114, %dma_wait3A_115] : memref<10112x128xf32, #tpu.memory_space<vmem_shared>> -> memref<10112x128xf32, #tpu.memory_space<vmem_shared>>
        tpu.wait_indirect_dma semaphore(%run_scoped3A_104 : memref<!tpu.dma_semaphore, #tpu.memory_space<semaphore_mem>>) src(%arg8 : memref<128x128xf32, #tpu.memory_space<vmem>>) dst(%dma_wait3A_116 : memref<10112x128xf32, #tpu.memory_space<vmem_shared>>)
        tpu.yield
      }) : () -> ()
      %add3A_92 = arith.constant 1 : i32
      %add3A_93 = arith.addi %mul3A_78, %add3A_92 : i32
      %dma_wait3A_94 = arith.constant 0 : i32
      %dma_wait3A_95 = tpu.memref_slice %arg6[%add3A_93, %dma_wait3A_94] : memref<40x128xi32, #tpu.memory_space<vmem>> -> memref<1x128xi32, #tpu.memory_space<vmem>>
      %dma_wait3A_96 = tpu.memref_squeeze %dma_wait3A_95 : memref<1x128xi32, #tpu.memory_space<vmem>> -> memref<128xi32, #tpu.memory_space<vmem>>
      %dma_wait3A_97 = arith.constant 0 : i32
      %dma_wait3A_98 = arith.constant 0 : i32
      %dma_wait3A_99 = tpu.memref_slice %arg2[%dma_wait3A_97, %dma_wait3A_98] : memref<10112x128xf32, #tpu.memory_space<hbm>> -> memref<10112x128xf32, #tpu.memory_space<hbm>>
      tpu.wait_indirect_dma semaphore(%arg12 : memref<!tpu.dma_semaphore, #tpu.memory_space<semaphore_mem>>) src(%dma_wait3A_99 : memref<10112x128xf32, #tpu.memory_space<hbm>>) dst(%arg9 : memref<128x128xf32, #tpu.memory_space<vmem>>)
      %lt3A = arith.constant 19 : i32
      %lt3A_100 = arith.cmpi slt, %scan3A_76, %lt3A : i32
      %convert_element_type3A = arith.extui %lt3A_100 : i1 to i32
      %cond3A = arith.constant 0 : i32
      %cond3A_101 = arith.cmpi ne, %convert_element_type3A, %cond3A : i32
      scf.if %cond3A_101 {
        %add3A_104 = arith.constant 2 : i32
        %add3A_105 = arith.addi %mul3A_78, %add3A_104 : i32
        %dma_start3A_106 = arith.constant 0 : i32
        %dma_start3A_107 = tpu.memref_slice %arg6[%add3A_105, %dma_start3A_106] : memref<40x128xi32, #tpu.memory_space<vmem>> -> memref<1x128xi32, #tpu.memory_space<vmem>>
        %dma_start3A_108 = tpu.memref_squeeze %dma_start3A_107 : memref<1x128xi32, #tpu.memory_space<vmem>> -> memref<128xi32, #tpu.memory_space<vmem>>
        %dma_start3A_109 = arith.constant 0 : i32
        %dma_start3A_110 = arith.constant 0 : i32
        %dma_start3A_111 = tpu.memref_slice %arg2[%dma_start3A_109, %dma_start3A_110] : memref<10112x128xf32, #tpu.memory_space<hbm>> -> memref<10112x128xf32, #tpu.memory_space<hbm>>
        tpu.enqueue_indirect_dma source(%dma_start3A_111 : memref<10112x128xf32, #tpu.memory_space<hbm>>) target(%arg8 : memref<128x128xf32, #tpu.memory_space<vmem>>) offsets(%dma_start3A_108 : memref<128xi32, #tpu.memory_space<vmem>>) semaphore(%arg11 : memref<!tpu.dma_semaphore, #tpu.memory_space<semaphore_mem>>)
      } else {
      }
      %add3A_102 = arith.constant 1 : i32
      %add3A_103 = arith.addi %mul3A_78, %add3A_102 : i32
      "tpu.region"() ({
        %run_scoped3A_104 = tpu.sem_alloc : memref<!tpu.dma_semaphore, #tpu.memory_space<semaphore_mem>>
        %dma_start3A_105 = arith.constant 0 : i32
        %dma_start3A_106 = tpu.memref_slice %arg7[%add3A_103, %dma_start3A_105] : memref<40x128xi32, #tpu.memory_space<vmem>> -> memref<1x128xi32, #tpu.memory_space<vmem>>
        %dma_start3A_107 = tpu.memref_squeeze %dma_start3A_106 : memref<1x128xi32, #tpu.memory_space<vmem>> -> memref<128xi32, #tpu.memory_space<vmem>>
        %dma_start3A_108 = arith.constant 0 : i32
        %dma_start3A_109 = arith.constant 0 : i32
        %dma_start3A_110 = tpu.memref_slice %arg10[%dma_start3A_108, %dma_start3A_109] : memref<10112x128xf32, #tpu.memory_space<vmem_shared>> -> memref<10112x128xf32, #tpu.memory_space<vmem_shared>>
        tpu.enqueue_indirect_dma source(%arg9 : memref<128x128xf32, #tpu.memory_space<vmem>>) target(%dma_start3A_110 : memref<10112x128xf32, #tpu.memory_space<vmem_shared>>) offsets(%dma_start3A_107 : memref<128xi32, #tpu.memory_space<vmem>>) semaphore(%run_scoped3A_104 : memref<!tpu.dma_semaphore, #tpu.memory_space<semaphore_mem>>) {add = true}
        %dma_wait3A_111 = arith.constant 0 : i32
        %dma_wait3A_112 = tpu.memref_slice %arg7[%add3A_103, %dma_wait3A_111] : memref<40x128xi32, #tpu.memory_space<vmem>> -> memref<1x128xi32, #tpu.memory_space<vmem>>
        %dma_wait3A_113 = tpu.memref_squeeze %dma_wait3A_112 : memref<1x128xi32, #tpu.memory_space<vmem>> -> memref<128xi32, #tpu.memory_space<vmem>>
        %dma_wait3A_114 = arith.constant 0 : i32
        %dma_wait3A_115 = arith.constant 0 : i32
        %dma_wait3A_116 = tpu.memref_slice %arg10[%dma_wait3A_114, %dma_wait3A_115] : memref<10112x128xf32, #tpu.memory_space<vmem_shared>> -> memref<10112x128xf32, #tpu.memory_space<vmem_shared>>
        tpu.wait_indirect_dma semaphore(%run_scoped3A_104 : memref<!tpu.dma_semaphore, #tpu.memory_space<semaphore_mem>>) src(%arg9 : memref<128x128xf32, #tpu.memory_space<vmem>>) dst(%dma_wait3A_116 : memref<10112x128xf32, #tpu.memory_space<vmem_shared>>)
        tpu.yield
      }) : () -> ()
    }
    %scan3A_39 = arith.constant 20 : i32
    %run_scoped3A_40 = arith.constant 1 : i32
    "tpu.region"() ({
      %run_scoped3A_76 = tpu.sem_alloc : memref<!tpu.dma_semaphore, #tpu.memory_space<semaphore_mem>>
      %dma_start3A_77 = arith.constant 0 : i32
      %dma_start3A_78 = arith.constant 0 : i32
      %dma_start3A_79 = tpu.memref_slice %arg3[%add3A, %run_scoped3A_40, %dma_start3A_77, %dma_start3A_78] : memref<32x2x40x128xi32, #tpu.memory_space<hbm>> -> memref<1x1x40x128xi32, #tpu.memory_space<hbm>>
      %dma_start3A_80 = tpu.memref_squeeze %dma_start3A_79 : memref<1x1x40x128xi32, #tpu.memory_space<hbm>> -> memref<40x128xi32, #tpu.memory_space<hbm>>
      %dma_start3A_81 = arith.constant 0 : i32
      %dma_start3A_82 = arith.constant 0 : i32
      %dma_start3A_83 = tpu.memref_slice %arg3[%add3A, %run_scoped3A_40, %dma_start3A_81, %dma_start3A_82] : memref<32x2x40x128xi32, #tpu.memory_space<hbm>> -> memref<1x1x40x128xi32, #tpu.memory_space<hbm>>
      %dma_start3A_84 = tpu.memref_squeeze %dma_start3A_83 : memref<1x1x40x128xi32, #tpu.memory_space<hbm>> -> memref<40x128xi32, #tpu.memory_space<hbm>>
      tpu.enqueue_dma source(%dma_start3A_84 : memref<40x128xi32, #tpu.memory_space<hbm>>) target(%arg6 : memref<40x128xi32, #tpu.memory_space<vmem>>) target_semaphore(%run_scoped3A_76 : memref<!tpu.dma_semaphore, #tpu.memory_space<semaphore_mem>>)
      %dma_wait3A = arith.constant 0 : i32
      %dma_wait3A_85 = arith.constant 0 : i32
      %dma_wait3A_86 = tpu.memref_slice %arg3[%add3A, %run_scoped3A_40, %dma_wait3A, %dma_wait3A_85] : memref<32x2x40x128xi32, #tpu.memory_space<hbm>> -> memref<1x1x40x128xi32, #tpu.memory_space<hbm>>
      %dma_wait3A_87 = tpu.memref_squeeze %dma_wait3A_86 : memref<1x1x40x128xi32, #tpu.memory_space<hbm>> -> memref<40x128xi32, #tpu.memory_space<hbm>>
      %dma_wait3A_88 = arith.constant 0 : i32
      %dma_wait3A_89 = arith.constant 0 : i32
      %dma_wait3A_90 = tpu.memref_slice %arg3[%add3A, %run_scoped3A_40, %dma_wait3A_88, %dma_wait3A_89] : memref<32x2x40x128xi32, #tpu.memory_space<hbm>> -> memref<1x1x40x128xi32, #tpu.memory_space<hbm>>
      %dma_wait3A_91 = tpu.memref_squeeze %dma_wait3A_90 : memref<1x1x40x128xi32, #tpu.memory_space<hbm>> -> memref<40x128xi32, #tpu.memory_space<hbm>>
      tpu.wait_dma2 semaphore(%run_scoped3A_76 : memref<!tpu.dma_semaphore, #tpu.memory_space<semaphore_mem>>) src(%dma_wait3A_91 : memref<40x128xi32, #tpu.memory_space<hbm>>) dst(%arg6 : memref<40x128xi32, #tpu.memory_space<vmem>>)
      tpu.yield
    }) : () -> ()
    %run_scoped3A_41 = arith.constant 1 : i32
    "tpu.region"() ({
      %run_scoped3A_76 = tpu.sem_alloc : memref<!tpu.dma_semaphore, #tpu.memory_space<semaphore_mem>>
      %dma_start3A_77 = arith.constant 0 : i32
      %dma_start3A_78 = arith.constant 0 : i32
      %dma_start3A_79 = tpu.memref_slice %arg4[%add3A, %run_scoped3A_41, %dma_start3A_77, %dma_start3A_78] : memref<32x2x40x128xi32, #tpu.memory_space<hbm>> -> memref<1x1x40x128xi32, #tpu.memory_space<hbm>>
      %dma_start3A_80 = tpu.memref_squeeze %dma_start3A_79 : memref<1x1x40x128xi32, #tpu.memory_space<hbm>> -> memref<40x128xi32, #tpu.memory_space<hbm>>
      %dma_start3A_81 = arith.constant 0 : i32
      %dma_start3A_82 = arith.constant 0 : i32
      %dma_start3A_83 = tpu.memref_slice %arg4[%add3A, %run_scoped3A_41, %dma_start3A_81, %dma_start3A_82] : memref<32x2x40x128xi32, #tpu.memory_space<hbm>> -> memref<1x1x40x128xi32, #tpu.memory_space<hbm>>
      %dma_start3A_84 = tpu.memref_squeeze %dma_start3A_83 : memref<1x1x40x128xi32, #tpu.memory_space<hbm>> -> memref<40x128xi32, #tpu.memory_space<hbm>>
      tpu.enqueue_dma source(%dma_start3A_84 : memref<40x128xi32, #tpu.memory_space<hbm>>) target(%arg7 : memref<40x128xi32, #tpu.memory_space<vmem>>) target_semaphore(%run_scoped3A_76 : memref<!tpu.dma_semaphore, #tpu.memory_space<semaphore_mem>>)
      %dma_wait3A = arith.constant 0 : i32
      %dma_wait3A_85 = arith.constant 0 : i32
      %dma_wait3A_86 = tpu.memref_slice %arg4[%add3A, %run_scoped3A_41, %dma_wait3A, %dma_wait3A_85] : memref<32x2x40x128xi32, #tpu.memory_space<hbm>> -> memref<1x1x40x128xi32, #tpu.memory_space<hbm>>
      %dma_wait3A_87 = tpu.memref_squeeze %dma_wait3A_86 : memref<1x1x40x128xi32, #tpu.memory_space<hbm>> -> memref<40x128xi32, #tpu.memory_space<hbm>>
      %dma_wait3A_88 = arith.constant 0 : i32
      %dma_wait3A_89 = arith.constant 0 : i32
      %dma_wait3A_90 = tpu.memref_slice %arg4[%add3A, %run_scoped3A_41, %dma_wait3A_88, %dma_wait3A_89] : memref<32x2x40x128xi32, #tpu.memory_space<hbm>> -> memref<1x1x40x128xi32, #tpu.memory_space<hbm>>
      %dma_wait3A_91 = tpu.memref_squeeze %dma_wait3A_90 : memref<1x1x40x128xi32, #tpu.memory_space<hbm>> -> memref<40x128xi32, #tpu.memory_space<hbm>>
      tpu.wait_dma2 semaphore(%run_scoped3A_76 : memref<!tpu.dma_semaphore, #tpu.memory_space<semaphore_mem>>) src(%dma_wait3A_91 : memref<40x128xi32, #tpu.memory_space<hbm>>) dst(%arg7 : memref<40x128xi32, #tpu.memory_space<vmem>>)
      tpu.yield
    }) : () -> ()
    %dma_start3A_42 = arith.constant 0 : i32
    %dma_start3A_43 = arith.constant 0 : i32
    %dma_start3A_44 = tpu.memref_slice %arg6[%dma_start3A_42, %dma_start3A_43] : memref<40x128xi32, #tpu.memory_space<vmem>> -> memref<1x128xi32, #tpu.memory_space<vmem>>
    %dma_start3A_45 = tpu.memref_squeeze %dma_start3A_44 : memref<1x128xi32, #tpu.memory_space<vmem>> -> memref<128xi32, #tpu.memory_space<vmem>>
    %dma_start3A_46 = arith.constant 0 : i32
    %dma_start3A_47 = arith.constant 0 : i32
    %dma_start3A_48 = tpu.memref_slice %arg2[%dma_start3A_46, %dma_start3A_47] : memref<10112x128xf32, #tpu.memory_space<hbm>> -> memref<10112x128xf32, #tpu.memory_space<hbm>>
    tpu.enqueue_indirect_dma source(%dma_start3A_48 : memref<10112x128xf32, #tpu.memory_space<hbm>>) target(%arg8 : memref<128x128xf32, #tpu.memory_space<vmem>>) offsets(%dma_start3A_45 : memref<128xi32, #tpu.memory_space<vmem>>) semaphore(%arg11 : memref<!tpu.dma_semaphore, #tpu.memory_space<semaphore_mem>>)
    %scan3A_49 = arith.constant 0 : i32
    %scan3A_50 = arith.constant 0 : i32
    %scan3A_51 = arith.constant 20 : i32
    %scan3A_52 = arith.addi %scan3A_50, %scan3A_51 : i32
    %scan3A_53 = arith.constant 1 : i32
    scf.for %scan3A_76 = %scan3A_50 to %scan3A_52 step %scan3A_53  : i32 {
      %mul3A_77 = arith.constant 2 : i32
      %mul3A_78 = arith.muli %scan3A_76, %mul3A_77 : i32
      %dma_wait3A = arith.constant 0 : i32
      %dma_wait3A_79 = tpu.memref_slice %arg6[%mul3A_78, %dma_wait3A] : memref<40x128xi32, #tpu.memory_space<vmem>> -> memref<1x128xi32, #tpu.memory_space<vmem>>
      %dma_wait3A_80 = tpu.memref_squeeze %dma_wait3A_79 : memref<1x128xi32, #tpu.memory_space<vmem>> -> memref<128xi32, #tpu.memory_space<vmem>>
      %dma_wait3A_81 = arith.constant 0 : i32
      %dma_wait3A_82 = arith.constant 0 : i32
      %dma_wait3A_83 = tpu.memref_slice %arg2[%dma_wait3A_81, %dma_wait3A_82] : memref<10112x128xf32, #tpu.memory_space<hbm>> -> memref<10112x128xf32, #tpu.memory_space<hbm>>
      tpu.wait_indirect_dma semaphore(%arg11 : memref<!tpu.dma_semaphore, #tpu.memory_space<semaphore_mem>>) src(%dma_wait3A_83 : memref<10112x128xf32, #tpu.memory_space<hbm>>) dst(%arg8 : memref<128x128xf32, #tpu.memory_space<vmem>>)
      %add3A_84 = arith.constant 1 : i32
      %add3A_85 = arith.addi %mul3A_78, %add3A_84 : i32
      %dma_start3A_86 = arith.constant 0 : i32
      %dma_start3A_87 = tpu.memref_slice %arg6[%add3A_85, %dma_start3A_86] : memref<40x128xi32, #tpu.memory_space<vmem>> -> memref<1x128xi32, #tpu.memory_space<vmem>>
      %dma_start3A_88 = tpu.memref_squeeze %dma_start3A_87 : memref<1x128xi32, #tpu.memory_space<vmem>> -> memref<128xi32, #tpu.memory_space<vmem>>
      %dma_start3A_89 = arith.constant 0 : i32
      %dma_start3A_90 = arith.constant 0 : i32
      %dma_start3A_91 = tpu.memref_slice %arg2[%dma_start3A_89, %dma_start3A_90] : memref<10112x128xf32, #tpu.memory_space<hbm>> -> memref<10112x128xf32, #tpu.memory_space<hbm>>
      tpu.enqueue_indirect_dma source(%dma_start3A_91 : memref<10112x128xf32, #tpu.memory_space<hbm>>) target(%arg9 : memref<128x128xf32, #tpu.memory_space<vmem>>) offsets(%dma_start3A_88 : memref<128xi32, #tpu.memory_space<vmem>>) semaphore(%arg12 : memref<!tpu.dma_semaphore, #tpu.memory_space<semaphore_mem>>)
      "tpu.region"() ({
        %run_scoped3A_104 = tpu.sem_alloc : memref<!tpu.dma_semaphore, #tpu.memory_space<semaphore_mem>>
        %dma_start3A_105 = arith.constant 0 : i32
        %dma_start3A_106 = tpu.memref_slice %arg7[%mul3A_78, %dma_start3A_105] : memref<40x128xi32, #tpu.memory_space<vmem>> -> memref<1x128xi32, #tpu.memory_space<vmem>>
        %dma_start3A_107 = tpu.memref_squeeze %dma_start3A_106 : memref<1x128xi32, #tpu.memory_space<vmem>> -> memref<128xi32, #tpu.memory_space<vmem>>
        %dma_start3A_108 = arith.constant 0 : i32
        %dma_start3A_109 = arith.constant 0 : i32
        %dma_start3A_110 = tpu.memref_slice %arg10[%dma_start3A_108, %dma_start3A_109] : memref<10112x128xf32, #tpu.memory_space<vmem_shared>> -> memref<10112x128xf32, #tpu.memory_space<vmem_shared>>
        tpu.enqueue_indirect_dma source(%arg8 : memref<128x128xf32, #tpu.memory_space<vmem>>) target(%dma_start3A_110 : memref<10112x128xf32, #tpu.memory_space<vmem_shared>>) offsets(%dma_start3A_107 : memref<128xi32, #tpu.memory_space<vmem>>) semaphore(%run_scoped3A_104 : memref<!tpu.dma_semaphore, #tpu.memory_space<semaphore_mem>>) {add = true}
        %dma_wait3A_111 = arith.constant 0 : i32
        %dma_wait3A_112 = tpu.memref_slice %arg7[%mul3A_78, %dma_wait3A_111] : memref<40x128xi32, #tpu.memory_space<vmem>> -> memref<1x128xi32, #tpu.memory_space<vmem>>
        %dma_wait3A_113 = tpu.memref_squeeze %dma_wait3A_112 : memref<1x128xi32, #tpu.memory_space<vmem>> -> memref<128xi32, #tpu.memory_space<vmem>>
        %dma_wait3A_114 = arith.constant 0 : i32
        %dma_wait3A_115 = arith.constant 0 : i32
        %dma_wait3A_116 = tpu.memref_slice %arg10[%dma_wait3A_114, %dma_wait3A_115] : memref<10112x128xf32, #tpu.memory_space<vmem_shared>> -> memref<10112x128xf32, #tpu.memory_space<vmem_shared>>
        tpu.wait_indirect_dma semaphore(%run_scoped3A_104 : memref<!tpu.dma_semaphore, #tpu.memory_space<semaphore_mem>>) src(%arg8 : memref<128x128xf32, #tpu.memory_space<vmem>>) dst(%dma_wait3A_116 : memref<10112x128xf32, #tpu.memory_space<vmem_shared>>)
        tpu.yield
      }) : () -> ()
      %add3A_92 = arith.constant 1 : i32
      %add3A_93 = arith.addi %mul3A_78, %add3A_92 : i32
      %dma_wait3A_94 = arith.constant 0 : i32
      %dma_wait3A_95 = tpu.memref_slice %arg6[%add3A_93, %dma_wait3A_94] : memref<40x128xi32, #tpu.memory_space<vmem>> -> memref<1x128xi32, #tpu.memory_space<vmem>>
      %dma_wait3A_96 = tpu.memref_squeeze %dma_wait3A_95 : memref<1x128xi32, #tpu.memory_space<vmem>> -> memref<128xi32, #tpu.memory_space<vmem>>
      %dma_wait3A_97 = arith.constant 0 : i32
      %dma_wait3A_98 = arith.constant 0 : i32
      %dma_wait3A_99 = tpu.memref_slice %arg2[%dma_wait3A_97, %dma_wait3A_98] : memref<10112x128xf32, #tpu.memory_space<hbm>> -> memref<10112x128xf32, #tpu.memory_space<hbm>>
      tpu.wait_indirect_dma semaphore(%arg12 : memref<!tpu.dma_semaphore, #tpu.memory_space<semaphore_mem>>) src(%dma_wait3A_99 : memref<10112x128xf32, #tpu.memory_space<hbm>>) dst(%arg9 : memref<128x128xf32, #tpu.memory_space<vmem>>)
      %lt3A = arith.constant 19 : i32
      %lt3A_100 = arith.cmpi slt, %scan3A_76, %lt3A : i32
      %convert_element_type3A = arith.extui %lt3A_100 : i1 to i32
      %cond3A = arith.constant 0 : i32
      %cond3A_101 = arith.cmpi ne, %convert_element_type3A, %cond3A : i32
      scf.if %cond3A_101 {
        %add3A_104 = arith.constant 2 : i32
        %add3A_105 = arith.addi %mul3A_78, %add3A_104 : i32
        %dma_start3A_106 = arith.constant 0 : i32
        %dma_start3A_107 = tpu.memref_slice %arg6[%add3A_105, %dma_start3A_106] : memref<40x128xi32, #tpu.memory_space<vmem>> -> memref<1x128xi32, #tpu.memory_space<vmem>>
        %dma_start3A_108 = tpu.memref_squeeze %dma_start3A_107 : memref<1x128xi32, #tpu.memory_space<vmem>> -> memref<128xi32, #tpu.memory_space<vmem>>
        %dma_start3A_109 = arith.constant 0 : i32
        %dma_start3A_110 = arith.constant 0 : i32
        %dma_start3A_111 = tpu.memref_slice %arg2[%dma_start3A_109, %dma_start3A_110] : memref<10112x128xf32, #tpu.memory_space<hbm>> -> memref<10112x128xf32, #tpu.memory_space<hbm>>
        tpu.enqueue_indirect_dma source(%dma_start3A_111 : memref<10112x128xf32, #tpu.memory_space<hbm>>) target(%arg8 : memref<128x128xf32, #tpu.memory_space<vmem>>) offsets(%dma_start3A_108 : memref<128xi32, #tpu.memory_space<vmem>>) semaphore(%arg11 : memref<!tpu.dma_semaphore, #tpu.memory_space<semaphore_mem>>)
      } else {
      }
      %add3A_102 = arith.constant 1 : i32
      %add3A_103 = arith.addi %mul3A_78, %add3A_102 : i32
      "tpu.region"() ({
        %run_scoped3A_104 = tpu.sem_alloc : memref<!tpu.dma_semaphore, #tpu.memory_space<semaphore_mem>>
        %dma_start3A_105 = arith.constant 0 : i32
        %dma_start3A_106 = tpu.memref_slice %arg7[%add3A_103, %dma_start3A_105] : memref<40x128xi32, #tpu.memory_space<vmem>> -> memref<1x128xi32, #tpu.memory_space<vmem>>
        %dma_start3A_107 = tpu.memref_squeeze %dma_start3A_106 : memref<1x128xi32, #tpu.memory_space<vmem>> -> memref<128xi32, #tpu.memory_space<vmem>>
        %dma_start3A_108 = arith.constant 0 : i32
        %dma_start3A_109 = arith.constant 0 : i32
        %dma_start3A_110 = tpu.memref_slice %arg10[%dma_start3A_108, %dma_start3A_109] : memref<10112x128xf32, #tpu.memory_space<vmem_shared>> -> memref<10112x128xf32, #tpu.memory_space<vmem_shared>>
        tpu.enqueue_indirect_dma source(%arg9 : memref<128x128xf32, #tpu.memory_space<vmem>>) target(%dma_start3A_110 : memref<10112x128xf32, #tpu.memory_space<vmem_shared>>) offsets(%dma_start3A_107 : memref<128xi32, #tpu.memory_space<vmem>>) semaphore(%run_scoped3A_104 : memref<!tpu.dma_semaphore, #tpu.memory_space<semaphore_mem>>) {add = true}
        %dma_wait3A_111 = arith.constant 0 : i32
        %dma_wait3A_112 = tpu.memref_slice %arg7[%add3A_103, %dma_wait3A_111] : memref<40x128xi32, #tpu.memory_space<vmem>> -> memref<1x128xi32, #tpu.memory_space<vmem>>
        %dma_wait3A_113 = tpu.memref_squeeze %dma_wait3A_112 : memref<1x128xi32, #tpu.memory_space<vmem>> -> memref<128xi32, #tpu.memory_space<vmem>>
        %dma_wait3A_114 = arith.constant 0 : i32
        %dma_wait3A_115 = arith.constant 0 : i32
        %dma_wait3A_116 = tpu.memref_slice %arg10[%dma_wait3A_114, %dma_wait3A_115] : memref<10112x128xf32, #tpu.memory_space<vmem_shared>> -> memref<10112x128xf32, #tpu.memory_space<vmem_shared>>
        tpu.wait_indirect_dma semaphore(%run_scoped3A_104 : memref<!tpu.dma_semaphore, #tpu.memory_space<semaphore_mem>>) src(%arg9 : memref<128x128xf32, #tpu.memory_space<vmem>>) dst(%dma_wait3A_116 : memref<10112x128xf32, #tpu.memory_space<vmem_shared>>)
        tpu.yield
      }) : () -> ()
    }
    %scan3A_54 = arith.constant 20 : i32
    %barrier3A_55 = arith.constant 0 : index
    tpu.barrier barrier_id(%barrier3A_55)
    %mul3A_56 = arith.constant 632 : i32
    %mul3A_57 = arith.muli %arg1, %mul3A_56 : i32
    %add3A_58 = arith.constant 0 : i32
    %add3A_59 = arith.addi %mul3A_57, %add3A_58 : i32
    "tpu.region"() ({
      %run_scoped3A_76 = tpu.sem_alloc : memref<!tpu.dma_semaphore, #tpu.memory_space<semaphore_mem>>
      %dma_start3A_77 = arith.constant 0 : i32
      %dma_start3A_78 = tpu.memref_slice %arg10[%add3A_59, %dma_start3A_77] : memref<10112x128xf32, #tpu.memory_space<vmem_shared>> -> memref<128x128xf32, #tpu.memory_space<vmem_shared>>
      %dma_start3A_79 = arith.constant 0 : i32
      %dma_start3A_80 = tpu.memref_slice %arg10[%add3A_59, %dma_start3A_79] : memref<10112x128xf32, #tpu.memory_space<vmem_shared>> -> memref<128x128xf32, #tpu.memory_space<vmem_shared>>
      tpu.enqueue_dma source(%dma_start3A_80 : memref<128x128xf32, #tpu.memory_space<vmem_shared>>) target(%arg8 : memref<128x128xf32, #tpu.memory_space<vmem>>) target_semaphore(%run_scoped3A_76 : memref<!tpu.dma_semaphore, #tpu.memory_space<semaphore_mem>>)
      %dma_wait3A = arith.constant 0 : i32
      %dma_wait3A_81 = tpu.memref_slice %arg10[%add3A_59, %dma_wait3A] : memref<10112x128xf32, #tpu.memory_space<vmem_shared>> -> memref<128x128xf32, #tpu.memory_space<vmem_shared>>
      %dma_wait3A_82 = arith.constant 0 : i32
      %dma_wait3A_83 = tpu.memref_slice %arg10[%add3A_59, %dma_wait3A_82] : memref<10112x128xf32, #tpu.memory_space<vmem_shared>> -> memref<128x128xf32, #tpu.memory_space<vmem_shared>>
      tpu.wait_dma2 semaphore(%run_scoped3A_76 : memref<!tpu.dma_semaphore, #tpu.memory_space<semaphore_mem>>) src(%dma_wait3A_83 : memref<128x128xf32, #tpu.memory_space<vmem_shared>>) dst(%arg8 : memref<128x128xf32, #tpu.memory_space<vmem>>)
      tpu.yield
    }) : () -> ()
    "tpu.region"() ({
      %run_scoped3A_76 = tpu.sem_alloc : memref<!tpu.dma_semaphore, #tpu.memory_space<semaphore_mem>>
      %dma_start3A_77 = arith.constant 0 : i32
      %dma_start3A_78 = arith.constant 0 : i32
      %dma_start3A_79 = tpu.memref_slice %arg5[%arg0, %dma_start3A_77, %dma_start3A_78] : memref<2x10112x128xf32, #tpu.memory_space<hbm>> -> memref<1x10112x128xf32, #tpu.memory_space<hbm>>
      %dma_start3A_80 = tpu.memref_squeeze %dma_start3A_79 : memref<1x10112x128xf32, #tpu.memory_space<hbm>> -> memref<10112x128xf32, #tpu.memory_space<hbm>>
      %dma_start3A_81 = arith.constant 0 : i32
      %dma_start3A_82 = tpu.memref_slice %dma_start3A_80[%add3A_59, %dma_start3A_81] : memref<10112x128xf32, #tpu.memory_space<hbm>> -> memref<128x128xf32, #tpu.memory_space<hbm>>
      %dma_start3A_83 = arith.constant 0 : i32
      %dma_start3A_84 = arith.constant 0 : i32
      %dma_start3A_85 = tpu.memref_slice %arg5[%arg0, %dma_start3A_83, %dma_start3A_84] : memref<2x10112x128xf32, #tpu.memory_space<hbm>> -> memref<1x10112x128xf32, #tpu.memory_space<hbm>>
      %dma_start3A_86 = tpu.memref_squeeze %dma_start3A_85 : memref<1x10112x128xf32, #tpu.memory_space<hbm>> -> memref<10112x128xf32, #tpu.memory_space<hbm>>
      %dma_start3A_87 = arith.constant 0 : i32
      %dma_start3A_88 = tpu.memref_slice %dma_start3A_86[%add3A_59, %dma_start3A_87] : memref<10112x128xf32, #tpu.memory_space<hbm>> -> memref<128x128xf32, #tpu.memory_space<hbm>>
      tpu.enqueue_dma source(%arg8 : memref<128x128xf32, #tpu.memory_space<vmem>>) target(%dma_start3A_88 : memref<128x128xf32, #tpu.memory_space<hbm>>) target_semaphore(%run_scoped3A_76 : memref<!tpu.dma_semaphore, #tpu.memory_space<semaphore_mem>>)
      %dma_wait3A = arith.constant 0 : i32
      %dma_wait3A_89 = arith.constant 0 : i32
      %dma_wait3A_90 = tpu.memref_slice %arg5[%arg0, %dma_wait3A, %dma_wait3A_89] : memref<2x10112x128xf32, #tpu.memory_space<hbm>> -> memref<1x10112x128xf32, #tpu.memory_space<hbm>>
      %dma_wait3A_91 = tpu.memref_squeeze %dma_wait3A_90 : memref<1x10112x128xf32, #tpu.memory_space<hbm>> -> memref<10112x128xf32, #tpu.memory_space<hbm>>
      %dma_wait3A_92 = arith.constant 0 : i32
      %dma_wait3A_93 = tpu.memref_slice %dma_wait3A_91[%add3A_59, %dma_wait3A_92] : memref<10112x128xf32, #tpu.memory_space<hbm>> -> memref<128x128xf32, #tpu.memory_space<hbm>>
      %dma_wait3A_94 = arith.constant 0 : i32
      %dma_wait3A_95 = arith.constant 0 : i32
      %dma_wait3A_96 = tpu.memref_slice %arg5[%arg0, %dma_wait3A_94, %dma_wait3A_95] : memref<2x10112x128xf32, #tpu.memory_space<hbm>> -> memref<1x10112x128xf32, #tpu.memory_space<hbm>>
      %dma_wait3A_97 = tpu.memref_squeeze %dma_wait3A_96 : memref<1x10112x128xf32, #tpu.memory_space<hbm>> -> memref<10112x128xf32, #tpu.memory_space<hbm>>
      %dma_wait3A_98 = arith.constant 0 : i32
      %dma_wait3A_99 = tpu.memref_slice %dma_wait3A_97[%add3A_59, %dma_wait3A_98] : memref<10112x128xf32, #tpu.memory_space<hbm>> -> memref<128x128xf32, #tpu.memory_space<hbm>>
      tpu.wait_dma2 semaphore(%run_scoped3A_76 : memref<!tpu.dma_semaphore, #tpu.memory_space<semaphore_mem>>) src(%arg8 : memref<128x128xf32, #tpu.memory_space<vmem>>) dst(%dma_wait3A_99 : memref<128x128xf32, #tpu.memory_space<hbm>>)
      tpu.yield
    }) : () -> ()
    %mul3A_60 = arith.constant 632 : i32
    %mul3A_61 = arith.muli %arg1, %mul3A_60 : i32
    %add3A_62 = arith.constant 128 : i32
    %add3A_63 = arith.addi %mul3A_61, %add3A_62 : i32
    "tpu.region"() ({
      %run_scoped3A_76 = tpu.sem_alloc : memref<!tpu.dma_semaphore, #tpu.memory_space<semaphore_mem>>
      %dma_start3A_77 = arith.constant 0 : i32
      %dma_start3A_78 = tpu.memref_slice %arg10[%add3A_63, %dma_start3A_77] : memref<10112x128xf32, #tpu.memory_space<vmem_shared>> -> memref<128x128xf32, #tpu.memory_space<vmem_shared>>
      %dma_start3A_79 = arith.constant 0 : i32
      %dma_start3A_80 = tpu.memref_slice %arg10[%add3A_63, %dma_start3A_79] : memref<10112x128xf32, #tpu.memory_space<vmem_shared>> -> memref<128x128xf32, #tpu.memory_space<vmem_shared>>
      tpu.enqueue_dma source(%dma_start3A_80 : memref<128x128xf32, #tpu.memory_space<vmem_shared>>) target(%arg8 : memref<128x128xf32, #tpu.memory_space<vmem>>) target_semaphore(%run_scoped3A_76 : memref<!tpu.dma_semaphore, #tpu.memory_space<semaphore_mem>>)
      %dma_wait3A = arith.constant 0 : i32
      %dma_wait3A_81 = tpu.memref_slice %arg10[%add3A_63, %dma_wait3A] : memref<10112x128xf32, #tpu.memory_space<vmem_shared>> -> memref<128x128xf32, #tpu.memory_space<vmem_shared>>
      %dma_wait3A_82 = arith.constant 0 : i32
      %dma_wait3A_83 = tpu.memref_slice %arg10[%add3A_63, %dma_wait3A_82] : memref<10112x128xf32, #tpu.memory_space<vmem_shared>> -> memref<128x128xf32, #tpu.memory_space<vmem_shared>>
      tpu.wait_dma2 semaphore(%run_scoped3A_76 : memref<!tpu.dma_semaphore, #tpu.memory_space<semaphore_mem>>) src(%dma_wait3A_83 : memref<128x128xf32, #tpu.memory_space<vmem_shared>>) dst(%arg8 : memref<128x128xf32, #tpu.memory_space<vmem>>)
      tpu.yield
    }) : () -> ()
    "tpu.region"() ({
      %run_scoped3A_76 = tpu.sem_alloc : memref<!tpu.dma_semaphore, #tpu.memory_space<semaphore_mem>>
      %dma_start3A_77 = arith.constant 0 : i32
      %dma_start3A_78 = arith.constant 0 : i32
      %dma_start3A_79 = tpu.memref_slice %arg5[%arg0, %dma_start3A_77, %dma_start3A_78] : memref<2x10112x128xf32, #tpu.memory_space<hbm>> -> memref<1x10112x128xf32, #tpu.memory_space<hbm>>
      %dma_start3A_80 = tpu.memref_squeeze %dma_start3A_79 : memref<1x10112x128xf32, #tpu.memory_space<hbm>> -> memref<10112x128xf32, #tpu.memory_space<hbm>>
      %dma_start3A_81 = arith.constant 0 : i32
      %dma_start3A_82 = tpu.memref_slice %dma_start3A_80[%add3A_63, %dma_start3A_81] : memref<10112x128xf32, #tpu.memory_space<hbm>> -> memref<128x128xf32, #tpu.memory_space<hbm>>
      %dma_start3A_83 = arith.constant 0 : i32
      %dma_start3A_84 = arith.constant 0 : i32
      %dma_start3A_85 = tpu.memref_slice %arg5[%arg0, %dma_start3A_83, %dma_start3A_84] : memref<2x10112x128xf32, #tpu.memory_space<hbm>> -> memref<1x10112x128xf32, #tpu.memory_space<hbm>>
      %dma_start3A_86 = tpu.memref_squeeze %dma_start3A_85 : memref<1x10112x128xf32, #tpu.memory_space<hbm>> -> memref<10112x128xf32, #tpu.memory_space<hbm>>
      %dma_start3A_87 = arith.constant 0 : i32
      %dma_start3A_88 = tpu.memref_slice %dma_start3A_86[%add3A_63, %dma_start3A_87] : memref<10112x128xf32, #tpu.memory_space<hbm>> -> memref<128x128xf32, #tpu.memory_space<hbm>>
      tpu.enqueue_dma source(%arg8 : memref<128x128xf32, #tpu.memory_space<vmem>>) target(%dma_start3A_88 : memref<128x128xf32, #tpu.memory_space<hbm>>) target_semaphore(%run_scoped3A_76 : memref<!tpu.dma_semaphore, #tpu.memory_space<semaphore_mem>>)
      %dma_wait3A = arith.constant 0 : i32
      %dma_wait3A_89 = arith.constant 0 : i32
      %dma_wait3A_90 = tpu.memref_slice %arg5[%arg0, %dma_wait3A, %dma_wait3A_89] : memref<2x10112x128xf32, #tpu.memory_space<hbm>> -> memref<1x10112x128xf32, #tpu.memory_space<hbm>>
      %dma_wait3A_91 = tpu.memref_squeeze %dma_wait3A_90 : memref<1x10112x128xf32, #tpu.memory_space<hbm>> -> memref<10112x128xf32, #tpu.memory_space<hbm>>
      %dma_wait3A_92 = arith.constant 0 : i32
      %dma_wait3A_93 = tpu.memref_slice %dma_wait3A_91[%add3A_63, %dma_wait3A_92] : memref<10112x128xf32, #tpu.memory_space<hbm>> -> memref<128x128xf32, #tpu.memory_space<hbm>>
      %dma_wait3A_94 = arith.constant 0 : i32
      %dma_wait3A_95 = arith.constant 0 : i32
      %dma_wait3A_96 = tpu.memref_slice %arg5[%arg0, %dma_wait3A_94, %dma_wait3A_95] : memref<2x10112x128xf32, #tpu.memory_space<hbm>> -> memref<1x10112x128xf32, #tpu.memory_space<hbm>>
      %dma_wait3A_97 = tpu.memref_squeeze %dma_wait3A_96 : memref<1x10112x128xf32, #tpu.memory_space<hbm>> -> memref<10112x128xf32, #tpu.memory_space<hbm>>
      %dma_wait3A_98 = arith.constant 0 : i32
      %dma_wait3A_99 = tpu.memref_slice %dma_wait3A_97[%add3A_63, %dma_wait3A_98] : memref<10112x128xf32, #tpu.memory_space<hbm>> -> memref<128x128xf32, #tpu.memory_space<hbm>>
      tpu.wait_dma2 semaphore(%run_scoped3A_76 : memref<!tpu.dma_semaphore, #tpu.memory_space<semaphore_mem>>) src(%arg8 : memref<128x128xf32, #tpu.memory_space<vmem>>) dst(%dma_wait3A_99 : memref<128x128xf32, #tpu.memory_space<hbm>>)
      tpu.yield
    }) : () -> ()
    %mul3A_64 = arith.constant 632 : i32
    %mul3A_65 = arith.muli %arg1, %mul3A_64 : i32
    %add3A_66 = arith.constant 256 : i32
    %add3A_67 = arith.addi %mul3A_65, %add3A_66 : i32
    "tpu.region"() ({
      %run_scoped3A_76 = tpu.sem_alloc : memref<!tpu.dma_semaphore, #tpu.memory_space<semaphore_mem>>
      %dma_start3A_77 = arith.constant 0 : i32
      %dma_start3A_78 = tpu.memref_slice %arg10[%add3A_67, %dma_start3A_77] : memref<10112x128xf32, #tpu.memory_space<vmem_shared>> -> memref<128x128xf32, #tpu.memory_space<vmem_shared>>
      %dma_start3A_79 = arith.constant 0 : i32
      %dma_start3A_80 = tpu.memref_slice %arg10[%add3A_67, %dma_start3A_79] : memref<10112x128xf32, #tpu.memory_space<vmem_shared>> -> memref<128x128xf32, #tpu.memory_space<vmem_shared>>
      tpu.enqueue_dma source(%dma_start3A_80 : memref<128x128xf32, #tpu.memory_space<vmem_shared>>) target(%arg8 : memref<128x128xf32, #tpu.memory_space<vmem>>) target_semaphore(%run_scoped3A_76 : memref<!tpu.dma_semaphore, #tpu.memory_space<semaphore_mem>>)
      %dma_wait3A = arith.constant 0 : i32
      %dma_wait3A_81 = tpu.memref_slice %arg10[%add3A_67, %dma_wait3A] : memref<10112x128xf32, #tpu.memory_space<vmem_shared>> -> memref<128x128xf32, #tpu.memory_space<vmem_shared>>
      %dma_wait3A_82 = arith.constant 0 : i32
      %dma_wait3A_83 = tpu.memref_slice %arg10[%add3A_67, %dma_wait3A_82] : memref<10112x128xf32, #tpu.memory_space<vmem_shared>> -> memref<128x128xf32, #tpu.memory_space<vmem_shared>>
      tpu.wait_dma2 semaphore(%run_scoped3A_76 : memref<!tpu.dma_semaphore, #tpu.memory_space<semaphore_mem>>) src(%dma_wait3A_83 : memref<128x128xf32, #tpu.memory_space<vmem_shared>>) dst(%arg8 : memref<128x128xf32, #tpu.memory_space<vmem>>)
      tpu.yield
    }) : () -> ()
    "tpu.region"() ({
      %run_scoped3A_76 = tpu.sem_alloc : memref<!tpu.dma_semaphore, #tpu.memory_space<semaphore_mem>>
      %dma_start3A_77 = arith.constant 0 : i32
      %dma_start3A_78 = arith.constant 0 : i32
      %dma_start3A_79 = tpu.memref_slice %arg5[%arg0, %dma_start3A_77, %dma_start3A_78] : memref<2x10112x128xf32, #tpu.memory_space<hbm>> -> memref<1x10112x128xf32, #tpu.memory_space<hbm>>
      %dma_start3A_80 = tpu.memref_squeeze %dma_start3A_79 : memref<1x10112x128xf32, #tpu.memory_space<hbm>> -> memref<10112x128xf32, #tpu.memory_space<hbm>>
      %dma_start3A_81 = arith.constant 0 : i32
      %dma_start3A_82 = tpu.memref_slice %dma_start3A_80[%add3A_67, %dma_start3A_81] : memref<10112x128xf32, #tpu.memory_space<hbm>> -> memref<128x128xf32, #tpu.memory_space<hbm>>
      %dma_start3A_83 = arith.constant 0 : i32
      %dma_start3A_84 = arith.constant 0 : i32
      %dma_start3A_85 = tpu.memref_slice %arg5[%arg0, %dma_start3A_83, %dma_start3A_84] : memref<2x10112x128xf32, #tpu.memory_space<hbm>> -> memref<1x10112x128xf32, #tpu.memory_space<hbm>>
      %dma_start3A_86 = tpu.memref_squeeze %dma_start3A_85 : memref<1x10112x128xf32, #tpu.memory_space<hbm>> -> memref<10112x128xf32, #tpu.memory_space<hbm>>
      %dma_start3A_87 = arith.constant 0 : i32
      %dma_start3A_88 = tpu.memref_slice %dma_start3A_86[%add3A_67, %dma_start3A_87] : memref<10112x128xf32, #tpu.memory_space<hbm>> -> memref<128x128xf32, #tpu.memory_space<hbm>>
      tpu.enqueue_dma source(%arg8 : memref<128x128xf32, #tpu.memory_space<vmem>>) target(%dma_start3A_88 : memref<128x128xf32, #tpu.memory_space<hbm>>) target_semaphore(%run_scoped3A_76 : memref<!tpu.dma_semaphore, #tpu.memory_space<semaphore_mem>>)
      %dma_wait3A = arith.constant 0 : i32
      %dma_wait3A_89 = arith.constant 0 : i32
      %dma_wait3A_90 = tpu.memref_slice %arg5[%arg0, %dma_wait3A, %dma_wait3A_89] : memref<2x10112x128xf32, #tpu.memory_space<hbm>> -> memref<1x10112x128xf32, #tpu.memory_space<hbm>>
      %dma_wait3A_91 = tpu.memref_squeeze %dma_wait3A_90 : memref<1x10112x128xf32, #tpu.memory_space<hbm>> -> memref<10112x128xf32, #tpu.memory_space<hbm>>
      %dma_wait3A_92 = arith.constant 0 : i32
      %dma_wait3A_93 = tpu.memref_slice %dma_wait3A_91[%add3A_67, %dma_wait3A_92] : memref<10112x128xf32, #tpu.memory_space<hbm>> -> memref<128x128xf32, #tpu.memory_space<hbm>>
      %dma_wait3A_94 = arith.constant 0 : i32
      %dma_wait3A_95 = arith.constant 0 : i32
      %dma_wait3A_96 = tpu.memref_slice %arg5[%arg0, %dma_wait3A_94, %dma_wait3A_95] : memref<2x10112x128xf32, #tpu.memory_space<hbm>> -> memref<1x10112x128xf32, #tpu.memory_space<hbm>>
      %dma_wait3A_97 = tpu.memref_squeeze %dma_wait3A_96 : memref<1x10112x128xf32, #tpu.memory_space<hbm>> -> memref<10112x128xf32, #tpu.memory_space<hbm>>
      %dma_wait3A_98 = arith.constant 0 : i32
      %dma_wait3A_99 = tpu.memref_slice %dma_wait3A_97[%add3A_67, %dma_wait3A_98] : memref<10112x128xf32, #tpu.memory_space<hbm>> -> memref<128x128xf32, #tpu.memory_space<hbm>>
      tpu.wait_dma2 semaphore(%run_scoped3A_76 : memref<!tpu.dma_semaphore, #tpu.memory_space<semaphore_mem>>) src(%arg8 : memref<128x128xf32, #tpu.memory_space<vmem>>) dst(%dma_wait3A_99 : memref<128x128xf32, #tpu.memory_space<hbm>>)
      tpu.yield
    }) : () -> ()
    %mul3A_68 = arith.constant 632 : i32
    %mul3A_69 = arith.muli %arg1, %mul3A_68 : i32
    %add3A_70 = arith.constant 384 : i32
    %add3A_71 = arith.addi %mul3A_69, %add3A_70 : i32
    "tpu.region"() ({
      %run_scoped3A_76 = tpu.sem_alloc : memref<!tpu.dma_semaphore, #tpu.memory_space<semaphore_mem>>
      %dma_start3A_77 = arith.constant 0 : i32
      %dma_start3A_78 = tpu.memref_slice %arg10[%add3A_71, %dma_start3A_77] : memref<10112x128xf32, #tpu.memory_space<vmem_shared>> -> memref<128x128xf32, #tpu.memory_space<vmem_shared>>
      %dma_start3A_79 = arith.constant 0 : i32
      %dma_start3A_80 = tpu.memref_slice %arg10[%add3A_71, %dma_start3A_79] : memref<10112x128xf32, #tpu.memory_space<vmem_shared>> -> memref<128x128xf32, #tpu.memory_space<vmem_shared>>
      tpu.enqueue_dma source(%dma_start3A_80 : memref<128x128xf32, #tpu.memory_space<vmem_shared>>) target(%arg8 : memref<128x128xf32, #tpu.memory_space<vmem>>) target_semaphore(%run_scoped3A_76 : memref<!tpu.dma_semaphore, #tpu.memory_space<semaphore_mem>>)
      %dma_wait3A = arith.constant 0 : i32
      %dma_wait3A_81 = tpu.memref_slice %arg10[%add3A_71, %dma_wait3A] : memref<10112x128xf32, #tpu.memory_space<vmem_shared>> -> memref<128x128xf32, #tpu.memory_space<vmem_shared>>
      %dma_wait3A_82 = arith.constant 0 : i32
      %dma_wait3A_83 = tpu.memref_slice %arg10[%add3A_71, %dma_wait3A_82] : memref<10112x128xf32, #tpu.memory_space<vmem_shared>> -> memref<128x128xf32, #tpu.memory_space<vmem_shared>>
      tpu.wait_dma2 semaphore(%run_scoped3A_76 : memref<!tpu.dma_semaphore, #tpu.memory_space<semaphore_mem>>) src(%dma_wait3A_83 : memref<128x128xf32, #tpu.memory_space<vmem_shared>>) dst(%arg8 : memref<128x128xf32, #tpu.memory_space<vmem>>)
      tpu.yield
    }) : () -> ()
    "tpu.region"() ({
      %run_scoped3A_76 = tpu.sem_alloc : memref<!tpu.dma_semaphore, #tpu.memory_space<semaphore_mem>>
      %dma_start3A_77 = arith.constant 0 : i32
      %dma_start3A_78 = arith.constant 0 : i32
      %dma_start3A_79 = tpu.memref_slice %arg5[%arg0, %dma_start3A_77, %dma_start3A_78] : memref<2x10112x128xf32, #tpu.memory_space<hbm>> -> memref<1x10112x128xf32, #tpu.memory_space<hbm>>
      %dma_start3A_80 = tpu.memref_squeeze %dma_start3A_79 : memref<1x10112x128xf32, #tpu.memory_space<hbm>> -> memref<10112x128xf32, #tpu.memory_space<hbm>>
      %dma_start3A_81 = arith.constant 0 : i32
      %dma_start3A_82 = tpu.memref_slice %dma_start3A_80[%add3A_71, %dma_start3A_81] : memref<10112x128xf32, #tpu.memory_space<hbm>> -> memref<128x128xf32, #tpu.memory_space<hbm>>
      %dma_start3A_83 = arith.constant 0 : i32
      %dma_start3A_84 = arith.constant 0 : i32
      %dma_start3A_85 = tpu.memref_slice %arg5[%arg0, %dma_start3A_83, %dma_start3A_84] : memref<2x10112x128xf32, #tpu.memory_space<hbm>> -> memref<1x10112x128xf32, #tpu.memory_space<hbm>>
      %dma_start3A_86 = tpu.memref_squeeze %dma_start3A_85 : memref<1x10112x128xf32, #tpu.memory_space<hbm>> -> memref<10112x128xf32, #tpu.memory_space<hbm>>
      %dma_start3A_87 = arith.constant 0 : i32
      %dma_start3A_88 = tpu.memref_slice %dma_start3A_86[%add3A_71, %dma_start3A_87] : memref<10112x128xf32, #tpu.memory_space<hbm>> -> memref<128x128xf32, #tpu.memory_space<hbm>>
      tpu.enqueue_dma source(%arg8 : memref<128x128xf32, #tpu.memory_space<vmem>>) target(%dma_start3A_88 : memref<128x128xf32, #tpu.memory_space<hbm>>) target_semaphore(%run_scoped3A_76 : memref<!tpu.dma_semaphore, #tpu.memory_space<semaphore_mem>>)
      %dma_wait3A = arith.constant 0 : i32
      %dma_wait3A_89 = arith.constant 0 : i32
      %dma_wait3A_90 = tpu.memref_slice %arg5[%arg0, %dma_wait3A, %dma_wait3A_89] : memref<2x10112x128xf32, #tpu.memory_space<hbm>> -> memref<1x10112x128xf32, #tpu.memory_space<hbm>>
      %dma_wait3A_91 = tpu.memref_squeeze %dma_wait3A_90 : memref<1x10112x128xf32, #tpu.memory_space<hbm>> -> memref<10112x128xf32, #tpu.memory_space<hbm>>
      %dma_wait3A_92 = arith.constant 0 : i32
      %dma_wait3A_93 = tpu.memref_slice %dma_wait3A_91[%add3A_71, %dma_wait3A_92] : memref<10112x128xf32, #tpu.memory_space<hbm>> -> memref<128x128xf32, #tpu.memory_space<hbm>>
      %dma_wait3A_94 = arith.constant 0 : i32
      %dma_wait3A_95 = arith.constant 0 : i32
      %dma_wait3A_96 = tpu.memref_slice %arg5[%arg0, %dma_wait3A_94, %dma_wait3A_95] : memref<2x10112x128xf32, #tpu.memory_space<hbm>> -> memref<1x10112x128xf32, #tpu.memory_space<hbm>>
      %dma_wait3A_97 = tpu.memref_squeeze %dma_wait3A_96 : memref<1x10112x128xf32, #tpu.memory_space<hbm>> -> memref<10112x128xf32, #tpu.memory_space<hbm>>
      %dma_wait3A_98 = arith.constant 0 : i32
      %dma_wait3A_99 = tpu.memref_slice %dma_wait3A_97[%add3A_71, %dma_wait3A_98] : memref<10112x128xf32, #tpu.memory_space<hbm>> -> memref<128x128xf32, #tpu.memory_space<hbm>>
      tpu.wait_dma2 semaphore(%run_scoped3A_76 : memref<!tpu.dma_semaphore, #tpu.memory_space<semaphore_mem>>) src(%arg8 : memref<128x128xf32, #tpu.memory_space<vmem>>) dst(%dma_wait3A_99 : memref<128x128xf32, #tpu.memory_space<hbm>>)
      tpu.yield
    }) : () -> ()
    %mul3A_72 = arith.constant 632 : i32
    %mul3A_73 = arith.muli %arg1, %mul3A_72 : i32
    %add3A_74 = arith.constant 512 : i32
    %add3A_75 = arith.addi %mul3A_73, %add3A_74 : i32
    "tpu.region"() ({
      %run_scoped3A_76 = tpu.sem_alloc : memref<!tpu.dma_semaphore, #tpu.memory_space<semaphore_mem>>
      %dma_start3A_77 = arith.constant 0 : i32
      %dma_start3A_78 = arith.constant 0 : i32
      %dma_start3A_79 = tpu.memref_slice %arg8[%dma_start3A_77, %dma_start3A_78] : memref<128x128xf32, #tpu.memory_space<vmem>> -> memref<120x128xf32, #tpu.memory_space<vmem>>
      %dma_start3A_80 = arith.constant 0 : i32
      %dma_start3A_81 = tpu.memref_slice %arg10[%add3A_75, %dma_start3A_80] : memref<10112x128xf32, #tpu.memory_space<vmem_shared>> -> memref<120x128xf32, #tpu.memory_space<vmem_shared>>
      %dma_start3A_82 = arith.constant 0 : i32
      %dma_start3A_83 = arith.constant 0 : i32
      %dma_start3A_84 = tpu.memref_slice %arg8[%dma_start3A_82, %dma_start3A_83] : memref<128x128xf32, #tpu.memory_space<vmem>> -> memref<120x128xf32, #tpu.memory_space<vmem>>
      %dma_start3A_85 = arith.constant 0 : i32
      %dma_start3A_86 = tpu.memref_slice %arg10[%add3A_75, %dma_start3A_85] : memref<10112x128xf32, #tpu.memory_space<vmem_shared>> -> memref<120x128xf32, #tpu.memory_space<vmem_shared>>
      tpu.enqueue_dma source(%dma_start3A_86 : memref<120x128xf32, #tpu.memory_space<vmem_shared>>) target(%dma_start3A_84 : memref<120x128xf32, #tpu.memory_space<vmem>>) target_semaphore(%run_scoped3A_76 : memref<!tpu.dma_semaphore, #tpu.memory_space<semaphore_mem>>)
      %dma_wait3A = arith.constant 0 : i32
      %dma_wait3A_87 = arith.constant 0 : i32
      %dma_wait3A_88 = tpu.memref_slice %arg8[%dma_wait3A, %dma_wait3A_87] : memref<128x128xf32, #tpu.memory_space<vmem>> -> memref<120x128xf32, #tpu.memory_space<vmem>>
      %dma_wait3A_89 = arith.constant 0 : i32
      %dma_wait3A_90 = tpu.memref_slice %arg10[%add3A_75, %dma_wait3A_89] : memref<10112x128xf32, #tpu.memory_space<vmem_shared>> -> memref<120x128xf32, #tpu.memory_space<vmem_shared>>
      %dma_wait3A_91 = arith.constant 0 : i32
      %dma_wait3A_92 = arith.constant 0 : i32
      %dma_wait3A_93 = tpu.memref_slice %arg8[%dma_wait3A_91, %dma_wait3A_92] : memref<128x128xf32, #tpu.memory_space<vmem>> -> memref<120x128xf32, #tpu.memory_space<vmem>>
      %dma_wait3A_94 = arith.constant 0 : i32
      %dma_wait3A_95 = tpu.memref_slice %arg10[%add3A_75, %dma_wait3A_94] : memref<10112x128xf32, #tpu.memory_space<vmem_shared>> -> memref<120x128xf32, #tpu.memory_space<vmem_shared>>
      tpu.wait_dma2 semaphore(%run_scoped3A_76 : memref<!tpu.dma_semaphore, #tpu.memory_space<semaphore_mem>>) src(%dma_wait3A_95 : memref<120x128xf32, #tpu.memory_space<vmem_shared>>) dst(%dma_wait3A_93 : memref<120x128xf32, #tpu.memory_space<vmem>>)
      tpu.yield
    }) : () -> ()
    "tpu.region"() ({
      %run_scoped3A_76 = tpu.sem_alloc : memref<!tpu.dma_semaphore, #tpu.memory_space<semaphore_mem>>
      %dma_start3A_77 = arith.constant 0 : i32
      %dma_start3A_78 = arith.constant 0 : i32
      %dma_start3A_79 = tpu.memref_slice %arg8[%dma_start3A_77, %dma_start3A_78] : memref<128x128xf32, #tpu.memory_space<vmem>> -> memref<120x128xf32, #tpu.memory_space<vmem>>
      %dma_start3A_80 = arith.constant 0 : i32
      %dma_start3A_81 = arith.constant 0 : i32
      %dma_start3A_82 = tpu.memref_slice %arg5[%arg0, %dma_start3A_80, %dma_start3A_81] : memref<2x10112x128xf32, #tpu.memory_space<hbm>> -> memref<1x10112x128xf32, #tpu.memory_space<hbm>>
      %dma_start3A_83 = tpu.memref_squeeze %dma_start3A_82 : memref<1x10112x128xf32, #tpu.memory_space<hbm>> -> memref<10112x128xf32, #tpu.memory_space<hbm>>
      %dma_start3A_84 = arith.constant 0 : i32
      %dma_start3A_85 = tpu.memref_slice %dma_start3A_83[%add3A_75, %dma_start3A_84] : memref<10112x128xf32, #tpu.memory_space<hbm>> -> memref<120x128xf32, #tpu.memory_space<hbm>>
      %dma_start3A_86 = arith.constant 0 : i32
      %dma_start3A_87 = arith.constant 0 : i32
      %dma_start3A_88 = tpu.memref_slice %arg5[%arg0, %dma_start3A_86, %dma_start3A_87] : memref<2x10112x128xf32, #tpu.memory_space<hbm>> -> memref<1x10112x128xf32, #tpu.memory_space<hbm>>
      %dma_start3A_89 = tpu.memref_squeeze %dma_start3A_88 : memref<1x10112x128xf32, #tpu.memory_space<hbm>> -> memref<10112x128xf32, #tpu.memory_space<hbm>>
      %dma_start3A_90 = arith.constant 0 : i32
      %dma_start3A_91 = tpu.memref_slice %dma_start3A_89[%add3A_75, %dma_start3A_90] : memref<10112x128xf32, #tpu.memory_space<hbm>> -> memref<120x128xf32, #tpu.memory_space<hbm>>
      %dma_start3A_92 = arith.constant 0 : i32
      %dma_start3A_93 = arith.constant 0 : i32
      %dma_start3A_94 = tpu.memref_slice %arg8[%dma_start3A_92, %dma_start3A_93] : memref<128x128xf32, #tpu.memory_space<vmem>> -> memref<120x128xf32, #tpu.memory_space<vmem>>
      tpu.enqueue_dma source(%dma_start3A_94 : memref<120x128xf32, #tpu.memory_space<vmem>>) target(%dma_start3A_91 : memref<120x128xf32, #tpu.memory_space<hbm>>) target_semaphore(%run_scoped3A_76 : memref<!tpu.dma_semaphore, #tpu.memory_space<semaphore_mem>>)
      %dma_wait3A = arith.constant 0 : i32
      %dma_wait3A_95 = arith.constant 0 : i32
      %dma_wait3A_96 = tpu.memref_slice %arg8[%dma_wait3A, %dma_wait3A_95] : memref<128x128xf32, #tpu.memory_space<vmem>> -> memref<120x128xf32, #tpu.memory_space<vmem>>
      %dma_wait3A_97 = arith.constant 0 : i32
      %dma_wait3A_98 = arith.constant 0 : i32
      %dma_wait3A_99 = tpu.memref_slice %arg5[%arg0, %dma_wait3A_97, %dma_wait3A_98] : memref<2x10112x128xf32, #tpu.memory_space<hbm>> -> memref<1x10112x128xf32, #tpu.memory_space<hbm>>
      %dma_wait3A_100 = tpu.memref_squeeze %dma_wait3A_99 : memref<1x10112x128xf32, #tpu.memory_space<hbm>> -> memref<10112x128xf32, #tpu.memory_space<hbm>>
      %dma_wait3A_101 = arith.constant 0 : i32
      %dma_wait3A_102 = tpu.memref_slice %dma_wait3A_100[%add3A_75, %dma_wait3A_101] : memref<10112x128xf32, #tpu.memory_space<hbm>> -> memref<120x128xf32, #tpu.memory_space<hbm>>
      %dma_wait3A_103 = arith.constant 0 : i32
      %dma_wait3A_104 = arith.constant 0 : i32
      %dma_wait3A_105 = tpu.memref_slice %arg5[%arg0, %dma_wait3A_103, %dma_wait3A_104] : memref<2x10112x128xf32, #tpu.memory_space<hbm>> -> memref<1x10112x128xf32, #tpu.memory_space<hbm>>
      %dma_wait3A_106 = tpu.memref_squeeze %dma_wait3A_105 : memref<1x10112x128xf32, #tpu.memory_space<hbm>> -> memref<10112x128xf32, #tpu.memory_space<hbm>>
      %dma_wait3A_107 = arith.constant 0 : i32
      %dma_wait3A_108 = tpu.memref_slice %dma_wait3A_106[%add3A_75, %dma_wait3A_107] : memref<10112x128xf32, #tpu.memory_space<hbm>> -> memref<120x128xf32, #tpu.memory_space<hbm>>
      %dma_wait3A_109 = arith.constant 0 : i32
      %dma_wait3A_110 = arith.constant 0 : i32
      %dma_wait3A_111 = tpu.memref_slice %arg8[%dma_wait3A_109, %dma_wait3A_110] : memref<128x128xf32, #tpu.memory_space<vmem>> -> memref<120x128xf32, #tpu.memory_space<vmem>>
      tpu.wait_dma2 semaphore(%run_scoped3A_76 : memref<!tpu.dma_semaphore, #tpu.memory_space<semaphore_mem>>) src(%dma_wait3A_111 : memref<120x128xf32, #tpu.memory_space<vmem>>) dst(%dma_wait3A_108 : memref<120x128xf32, #tpu.memory_space<hbm>>)
      tpu.yield
    }) : () -> ()
    return
  }
}

#map = affine_map<(d0, d1) -> (0, 0)>
#map1 = affine_map<(d0, d1) -> (0, 0, 0, 0)>
#map2 = affine_map<(d0, d1) -> (0, 0, 0)>
module attributes {stable_mosaic.version = 14 : i64} {
  func.func @scatter_kernel(%arg0: i32, %arg1: i32, %arg2: memref<10112x128xf32, #tpu.memory_space<hbm>>, %arg3: memref<32x2x40x128xi32, #tpu.memory_space<hbm>>, %arg4: memref<32x2x40x128xi32, #tpu.memory_space<hbm>>, %arg5: memref<2x10112x128xf32, #tpu.memory_space<hbm>>, %arg6: memref<40x128xi32, #tpu.memory_space<vmem>>, %arg7: memref<40x128xi32, #tpu.memory_space<vmem>>, %arg8: memref<128x128xf32, #tpu.memory_space<vmem>>, %arg9: memref<128x128xf32, #tpu.memory_space<vmem>>, %arg10: memref<10112x128xf32, #tpu.memory_space<vmem_shared>>, %arg11: memref<!tpu.dma_semaphore, #tpu.memory_space<semaphore_mem>>, %arg12: memref<!tpu.dma_semaphore, #tpu.memory_space<semaphore_mem>>) attributes {dimension_semantics = [#tpu.dimension_semantics<core_parallel>, #tpu.dimension_semantics<subcore_parallel>], iteration_bounds = array<i64: 2, 16>, scalar_prefetch = 0 : i64, scratch_operands = 7 : i64, tpu.core_type = #tpu.core_type<sc_vector_subcore>, window_params = [{transform_indices = #map}, {transform_indices = #map1}, {transform_indices = #map1}, {transform_indices = #map2}]} {
    %mul3A = arith.constant 2 : i32
    %mul3A_0 = arith.muli %arg1, %mul3A : i32
    %add3A = arith.addi %mul3A_0, %arg0 : i32
    %broadcast_in_dim3A = arith.constant 0.000000e+00 : f32
    %broadcast_in_dim3A_1 = vector.broadcast %broadcast_in_dim3A : f32 to vector<16xf32>
    %scan3A = arith.constant 0 : i32
    %scan3A_2 = arith.constant 0 : i32
    %scan3A_3 = arith.constant 1024 : i32
    %scan3A_4 = arith.addi %scan3A_2, %scan3A_3 : i32
    %scan3A_5 = arith.constant 1 : i32
    scf.for %scan3A_76 = %scan3A_2 to %scan3A_4 step %scan3A_5  : i32 {
      %jit3A = arith.constant 8 : i32
      %div3A = arith.divsi %scan3A_76, %jit3A : i32
      %sign3A = arith.constant 0 : i32
      %sign3A_77 = arith.cmpi sgt, %scan3A_76, %sign3A : i32
      %sign3A_78 = arith.extui %sign3A_77 : i1 to i32
      %sign3A_79 = arith.constant 0 : i32
      %sign3A_80 = arith.cmpi slt, %scan3A_76, %sign3A_79 : i32
      %sign3A_81 = arith.extui %sign3A_80 : i1 to i32
      %sign3A_82 = arith.subi %sign3A_78, %sign3A_81 : i32
      %sign3A_83 = arith.constant 0 : i32
      %sign3A_84 = arith.cmpi sgt, %jit3A, %sign3A_83 : i32
      %sign3A_85 = arith.extui %sign3A_84 : i1 to i32
      %sign3A_86 = arith.constant 0 : i32
      %sign3A_87 = arith.cmpi slt, %jit3A, %sign3A_86 : i32
      %sign3A_88 = arith.extui %sign3A_87 : i1 to i32
      %sign3A_89 = arith.subi %sign3A_85, %sign3A_88 : i32
      %ne3A = arith.cmpi ne, %sign3A_82, %sign3A_89 : i32
      %rem3A = arith.remsi %scan3A_76, %jit3A : i32
      %ne3A_90 = arith.constant 0 : i32
      %ne3A_91 = arith.cmpi ne, %rem3A, %ne3A_90 : i32
      %and3A = arith.andi %ne3A, %ne3A_91 : i1
      %sub3A = arith.constant 1 : i32
      %sub3A_92 = arith.subi %div3A, %sub3A : i32
      %select_n3A = arith.select %and3A, %sub3A_92, %div3A : i32
      %jit3A_93 = arith.constant 8 : i32
      %eq3A = arith.constant 0 : i32
      %eq3A_94 = arith.cmpi eq, %jit3A_93, %eq3A : i32
      %jit3A_95 = arith.constant 1 : i32
      %select_n3A_96 = arith.select %eq3A_94, %jit3A_95, %jit3A_93 : i32
      %rem3A_97 = arith.remsi %scan3A_76, %select_n3A_96 : i32
      %ne3A_98 = arith.constant 0 : i32
      %ne3A_99 = arith.cmpi ne, %rem3A_97, %ne3A_98 : i32
      %lt3A = arith.constant 0 : i32
      %lt3A_100 = arith.cmpi slt, %rem3A_97, %lt3A : i32
      %lt3A_101 = arith.constant 0 : i32
      %lt3A_102 = arith.cmpi slt, %select_n3A_96, %lt3A_101 : i32
      %ne3A_103 = arith.xori %lt3A_100, %lt3A_102 : i1
      %and3A_104 = arith.andi %ne3A_103, %ne3A_99 : i1
      %add3A_105 = arith.addi %rem3A_97, %select_n3A_96 : i32
      %select_n3A_106 = arith.select %and3A_104, %add3A_105, %rem3A_97 : i32
      %mul3A_107 = arith.constant 16 : i32
      %mul3A_108 = arith.muli %select_n3A_106, %mul3A_107 : i32
      %swap3A = arith.index_cast %select_n3A : i32 to index
      %swap3A_109 = arith.index_cast %mul3A_108 : i32 to index
      %swap3A_110 = tpu.vector_load %arg8[%swap3A, %swap3A_109] {strides = array<i32>} : memref<128x128xf32, #tpu.memory_space<vmem>>, vector<16xf32>,
      tpu.vector_store %arg8[%swap3A, %swap3A_109], %broadcast_in_dim3A_1 {strides = array<i32>} : memref<128x128xf32, #tpu.memory_space<vmem>>, vector<16xf32>,
    }
    %scan3A_6 = arith.constant 1024 : i32
    %mul3A_7 = arith.constant 632 : i32
    %mul3A_8 = arith.muli %arg1, %mul3A_7 : i32
    %add3A_9 = arith.constant 0 : i32
    %add3A_10 = arith.addi %mul3A_8, %add3A_9 : i32
    "tpu.region"() ({
      %run_scoped3A_76 = tpu.sem_alloc : memref<!tpu.dma_semaphore, #tpu.memory_space<semaphore_mem>>
      %dma_start3A_77 = arith.constant 0 : i32
      %dma_start3A_78 = tpu.memref_slice %arg10[%add3A_10, %dma_start3A_77] : memref<10112x128xf32, #tpu.memory_space<vmem_shared>> -> memref<128x128xf32, #tpu.memory_space<vmem_shared>>
      %dma_start3A_79 = arith.constant 0 : i32
      %dma_start3A_80 = tpu.memref_slice %arg10[%add3A_10, %dma_start3A_79] : memref<10112x128xf32, #tpu.memory_space<vmem_shared>> -> memref<128x128xf32, #tpu.memory_space<vmem_shared>>
      tpu.enqueue_dma source(%arg8 : memref<128x128xf32, #tpu.memory_space<vmem>>) target(%dma_start3A_80 : memref<128x128xf32, #tpu.memory_space<vmem_shared>>) target_semaphore(%run_scoped3A_76 : memref<!tpu.dma_semaphore, #tpu.memory_space<semaphore_mem>>)
      %dma_wait3A = arith.constant 0 : i32
      %dma_wait3A_81 = tpu.memref_slice %arg10[%add3A_10, %dma_wait3A] : memref<10112x128xf32, #tpu.memory_space<vmem_shared>> -> memref<128x128xf32, #tpu.memory_space<vmem_shared>>
      %dma_wait3A_82 = arith.constant 0 : i32
      %dma_wait3A_83 = tpu.memref_slice %arg10[%add3A_10, %dma_wait3A_82] : memref<10112x128xf32, #tpu.memory_space<vmem_shared>> -> memref<128x128xf32, #tpu.memory_space<vmem_shared>>
      tpu.wait_dma2 semaphore(%run_scoped3A_76 : memref<!tpu.dma_semaphore, #tpu.memory_space<semaphore_mem>>) src(%arg8 : memref<128x128xf32, #tpu.memory_space<vmem>>) dst(%dma_wait3A_83 : memref<128x128xf32, #tpu.memory_space<vmem_shared>>)
      tpu.yield
    }) : () -> ()
    %mul3A_11 = arith.constant 632 : i32
    %mul3A_12 = arith.muli %arg1, %mul3A_11 : i32
    %add3A_13 = arith.constant 128 : i32
    %add3A_14 = arith.addi %mul3A_12, %add3A_13 : i32
    "tpu.region"() ({
      %run_scoped3A_76 = tpu.sem_alloc : memref<!tpu.dma_semaphore, #tpu.memory_space<semaphore_mem>>
      %dma_start3A_77 = arith.constant 0 : i32
      %dma_start3A_78 = tpu.memref_slice %arg10[%add3A_14, %dma_start3A_77] : memref<10112x128xf32, #tpu.memory_space<vmem_shared>> -> memref<128x128xf32, #tpu.memory_space<vmem_shared>>
      %dma_start3A_79 = arith.constant 0 : i32
      %dma_start3A_80 = tpu.memref_slice %arg10[%add3A_14, %dma_start3A_79] : memref<10112x128xf32, #tpu.memory_space<vmem_shared>> -> memref<128x128xf32, #tpu.memory_space<vmem_shared>>
      tpu.enqueue_dma source(%arg8 : memref<128x128xf32, #tpu.memory_space<vmem>>) target(%dma_start3A_80 : memref<128x128xf32, #tpu.memory_space<vmem_shared>>) target_semaphore(%run_scoped3A_76 : memref<!tpu.dma_semaphore, #tpu.memory_space<semaphore_mem>>)
      %dma_wait3A = arith.constant 0 : i32
      %dma_wait3A_81 = tpu.memref_slice %arg10[%add3A_14, %dma_wait3A] : memref<10112x128xf32, #tpu.memory_space<vmem_shared>> -> memref<128x128xf32, #tpu.memory_space<vmem_shared>>
      %dma_wait3A_82 = arith.constant 0 : i32
      %dma_wait3A_83 = tpu.memref_slice %arg10[%add3A_14, %dma_wait3A_82] : memref<10112x128xf32, #tpu.memory_space<vmem_shared>> -> memref<128x128xf32, #tpu.memory_space<vmem_shared>>
      tpu.wait_dma2 semaphore(%run_scoped3A_76 : memref<!tpu.dma_semaphore, #tpu.memory_space<semaphore_mem>>) src(%arg8 : memref<128x128xf32, #tpu.memory_space<vmem>>) dst(%dma_wait3A_83 : memref<128x128xf32, #tpu.memory_space<vmem_shared>>)
      tpu.yield
    }) : () -> ()
    %mul3A_15 = arith.constant 632 : i32
    %mul3A_16 = arith.muli %arg1, %mul3A_15 : i32
    %add3A_17 = arith.constant 256 : i32
    %add3A_18 = arith.addi %mul3A_16, %add3A_17 : i32
    "tpu.region"() ({
      %run_scoped3A_76 = tpu.sem_alloc : memref<!tpu.dma_semaphore, #tpu.memory_space<semaphore_mem>>
      %dma_start3A_77 = arith.constant 0 : i32
      %dma_start3A_78 = tpu.memref_slice %arg10[%add3A_18, %dma_start3A_77] : memref<10112x128xf32, #tpu.memory_space<vmem_shared>> -> memref<128x128xf32, #tpu.memory_space<vmem_shared>>
      %dma_start3A_79 = arith.constant 0 : i32
      %dma_start3A_80 = tpu.memref_slice %arg10[%add3A_18, %dma_start3A_79] : memref<10112x128xf32, #tpu.memory_space<vmem_shared>> -> memref<128x128xf32, #tpu.memory_space<vmem_shared>>
      tpu.enqueue_dma source(%arg8 : memref<128x128xf32, #tpu.memory_space<vmem>>) target(%dma_start3A_80 : memref<128x128xf32, #tpu.memory_space<vmem_shared>>) target_semaphore(%run_scoped3A_76 : memref<!tpu.dma_semaphore, #tpu.memory_space<semaphore_mem>>)
      %dma_wait3A = arith.constant 0 : i32
      %dma_wait3A_81 = tpu.memref_slice %arg10[%add3A_18, %dma_wait3A] : memref<10112x128xf32, #tpu.memory_space<vmem_shared>> -> memref<128x128xf32, #tpu.memory_space<vmem_shared>>
      %dma_wait3A_82 = arith.constant 0 : i32
      %dma_wait3A_83 = tpu.memref_slice %arg10[%add3A_18, %dma_wait3A_82] : memref<10112x128xf32, #tpu.memory_space<vmem_shared>> -> memref<128x128xf32, #tpu.memory_space<vmem_shared>>
      tpu.wait_dma2 semaphore(%run_scoped3A_76 : memref<!tpu.dma_semaphore, #tpu.memory_space<semaphore_mem>>) src(%arg8 : memref<128x128xf32, #tpu.memory_space<vmem>>) dst(%dma_wait3A_83 : memref<128x128xf32, #tpu.memory_space<vmem_shared>>)
      tpu.yield
    }) : () -> ()
    %mul3A_19 = arith.constant 632 : i32
    %mul3A_20 = arith.muli %arg1, %mul3A_19 : i32
    %add3A_21 = arith.constant 384 : i32
    %add3A_22 = arith.addi %mul3A_20, %add3A_21 : i32
    "tpu.region"() ({
      %run_scoped3A_76 = tpu.sem_alloc : memref<!tpu.dma_semaphore, #tpu.memory_space<semaphore_mem>>
      %dma_start3A_77 = arith.constant 0 : i32
      %dma_start3A_78 = tpu.memref_slice %arg10[%add3A_22, %dma_start3A_77] : memref<10112x128xf32, #tpu.memory_space<vmem_shared>> -> memref<128x128xf32, #tpu.memory_space<vmem_shared>>
      %dma_start3A_79 = arith.constant 0 : i32
      %dma_start3A_80 = tpu.memref_slice %arg10[%add3A_22, %dma_start3A_79] : memref<10112x128xf32, #tpu.memory_space<vmem_shared>> -> memref<128x128xf32, #tpu.memory_space<vmem_shared>>
      tpu.enqueue_dma source(%arg8 : memref<128x128xf32, #tpu.memory_space<vmem>>) target(%dma_start3A_80 : memref<128x128xf32, #tpu.memory_space<vmem_shared>>) target_semaphore(%run_scoped3A_76 : memref<!tpu.dma_semaphore, #tpu.memory_space<semaphore_mem>>)
      %dma_wait3A = arith.constant 0 : i32
      %dma_wait3A_81 = tpu.memref_slice %arg10[%add3A_22, %dma_wait3A] : memref<10112x128xf32, #tpu.memory_space<vmem_shared>> -> memref<128x128xf32, #tpu.memory_space<vmem_shared>>
      %dma_wait3A_82 = arith.constant 0 : i32
      %dma_wait3A_83 = tpu.memref_slice %arg10[%add3A_22, %dma_wait3A_82] : memref<10112x128xf32, #tpu.memory_space<vmem_shared>> -> memref<128x128xf32, #tpu.memory_space<vmem_shared>>
      tpu.wait_dma2 semaphore(%run_scoped3A_76 : memref<!tpu.dma_semaphore, #tpu.memory_space<semaphore_mem>>) src(%arg8 : memref<128x128xf32, #tpu.memory_space<vmem>>) dst(%dma_wait3A_83 : memref<128x128xf32, #tpu.memory_space<vmem_shared>>)
      tpu.yield
    }) : () -> ()
    %mul3A_23 = arith.constant 632 : i32
    %mul3A_24 = arith.muli %arg1, %mul3A_23 : i32
    %add3A_25 = arith.constant 512 : i32
    %add3A_26 = arith.addi %mul3A_24, %add3A_25 : i32
    "tpu.region"() ({
      %run_scoped3A_76 = tpu.sem_alloc : memref<!tpu.dma_semaphore, #tpu.memory_space<semaphore_mem>>
      %dma_start3A_77 = arith.constant 0 : i32
      %dma_start3A_78 = arith.constant 0 : i32
      %dma_start3A_79 = tpu.memref_slice %arg8[%dma_start3A_77, %dma_start3A_78] : memref<128x128xf32, #tpu.memory_space<vmem>> -> memref<120x128xf32, #tpu.memory_space<vmem>>
      %dma_start3A_80 = arith.constant 0 : i32
      %dma_start3A_81 = tpu.memref_slice %arg10[%add3A_26, %dma_start3A_80] : memref<10112x128xf32, #tpu.memory_space<vmem_shared>> -> memref<120x128xf32, #tpu.memory_space<vmem_shared>>
      %dma_start3A_82 = arith.constant 0 : i32
      %dma_start3A_83 = tpu.memref_slice %arg10[%add3A_26, %dma_start3A_82] : memref<10112x128xf32, #tpu.memory_space<vmem_shared>> -> memref<120x128xf32, #tpu.memory_space<vmem_shared>>
      %dma_start3A_84 = arith.constant 0 : i32
      %dma_start3A_85 = arith.constant 0 : i32
      %dma_start3A_86 = tpu.memref_slice %arg8[%dma_start3A_84, %dma_start3A_85] : memref<128x128xf32, #tpu.memory_space<vmem>> -> memref<120x128xf32, #tpu.memory_space<vmem>>
      tpu.enqueue_dma source(%dma_start3A_86 : memref<120x128xf32, #tpu.memory_space<vmem>>) target(%dma_start3A_83 : memref<120x128xf32, #tpu.memory_space<vmem_shared>>) target_semaphore(%run_scoped3A_76 : memref<!tpu.dma_semaphore, #tpu.memory_space<semaphore_mem>>)
      %dma_wait3A = arith.constant 0 : i32
      %dma_wait3A_87 = arith.constant 0 : i32
      %dma_wait3A_88 = tpu.memref_slice %arg8[%dma_wait3A, %dma_wait3A_87] : memref<128x128xf32, #tpu.memory_space<vmem>> -> memref<120x128xf32, #tpu.memory_space<vmem>>
      %dma_wait3A_89 = arith.constant 0 : i32
      %dma_wait3A_90 = tpu.memref_slice %arg10[%add3A_26, %dma_wait3A_89] : memref<10112x128xf32, #tpu.memory_space<vmem_shared>> -> memref<120x128xf32, #tpu.memory_space<vmem_shared>>
      %dma_wait3A_91 = arith.constant 0 : i32
      %dma_wait3A_92 = tpu.memref_slice %arg10[%add3A_26, %dma_wait3A_91] : memref<10112x128xf32, #tpu.memory_space<vmem_shared>> -> memref<120x128xf32, #tpu.memory_space<vmem_shared>>
      %dma_wait3A_93 = arith.constant 0 : i32
      %dma_wait3A_94 = arith.constant 0 : i32
      %dma_wait3A_95 = tpu.memref_slice %arg8[%dma_wait3A_93, %dma_wait3A_94] : memref<128x128xf32, #tpu.memory_space<vmem>> -> memref<120x128xf32, #tpu.memory_space<vmem>>
      tpu.wait_dma2 semaphore(%run_scoped3A_76 : memref<!tpu.dma_semaphore, #tpu.memory_space<semaphore_mem>>) src(%dma_wait3A_95 : memref<120x128xf32, #tpu.memory_space<vmem>>) dst(%dma_wait3A_92 : memref<120x128xf32, #tpu.memory_space<vmem_shared>>)
      tpu.yield
    }) : () -> ()
    %barrier3A = arith.constant 0 : index
    tpu.barrier barrier_id(%barrier3A)
    %run_scoped3A = arith.constant 0 : i32
    "tpu.region"() ({
      %run_scoped3A_76 = tpu.sem_alloc : memref<!tpu.dma_semaphore, #tpu.memory_space<semaphore_mem>>
      %dma_start3A_77 = arith.constant 0 : i32
      %dma_start3A_78 = arith.constant 0 : i32
      %dma_start3A_79 = tpu.memref_slice %arg3[%add3A, %run_scoped3A, %dma_start3A_77, %dma_start3A_78] : memref<32x2x40x128xi32, #tpu.memory_space<hbm>> -> memref<1x1x40x128xi32, #tpu.memory_space<hbm>>
      %dma_start3A_80 = tpu.memref_squeeze %dma_start3A_79 : memref<1x1x40x128xi32, #tpu.memory_space<hbm>> -> memref<40x128xi32, #tpu.memory_space<hbm>>
      %dma_start3A_81 = arith.constant 0 : i32
      %dma_start3A_82 = arith.constant 0 : i32
      %dma_start3A_83 = tpu.memref_slice %arg3[%add3A, %run_scoped3A, %dma_start3A_81, %dma_start3A_82] : memref<32x2x40x128xi32, #tpu.memory_space<hbm>> -> memref<1x1x40x128xi32, #tpu.memory_space<hbm>>
      %dma_start3A_84 = tpu.memref_squeeze %dma_start3A_83 : memref<1x1x40x128xi32, #tpu.memory_space<hbm>> -> memref<40x128xi32, #tpu.memory_space<hbm>>
      tpu.enqueue_dma source(%dma_start3A_84 : memref<40x128xi32, #tpu.memory_space<hbm>>) target(%arg6 : memref<40x128xi32, #tpu.memory_space<vmem>>) target_semaphore(%run_scoped3A_76 : memref<!tpu.dma_semaphore, #tpu.memory_space<semaphore_mem>>)
      %dma_wait3A = arith.constant 0 : i32
      %dma_wait3A_85 = arith.constant 0 : i32
      %dma_wait3A_86 = tpu.memref_slice %arg3[%add3A, %run_scoped3A, %dma_wait3A, %dma_wait3A_85] : memref<32x2x40x128xi32, #tpu.memory_space<hbm>> -> memref<1x1x40x128xi32, #tpu.memory_space<hbm>>
      %dma_wait3A_87 = tpu.memref_squeeze %dma_wait3A_86 : memref<1x1x40x128xi32, #tpu.memory_space<hbm>> -> memref<40x128xi32, #tpu.memory_space<hbm>>
      %dma_wait3A_88 = arith.constant 0 : i32
      %dma_wait3A_89 = arith.constant 0 : i32
      %dma_wait3A_90 = tpu.memref_slice %arg3[%add3A, %run_scoped3A, %dma_wait3A_88, %dma_wait3A_89] : memref<32x2x40x128xi32, #tpu.memory_space<hbm>> -> memref<1x1x40x128xi32, #tpu.memory_space<hbm>>
      %dma_wait3A_91 = tpu.memref_squeeze %dma_wait3A_90 : memref<1x1x40x128xi32, #tpu.memory_space<hbm>> -> memref<40x128xi32, #tpu.memory_space<hbm>>
      tpu.wait_dma2 semaphore(%run_scoped3A_76 : memref<!tpu.dma_semaphore, #tpu.memory_space<semaphore_mem>>) src(%dma_wait3A_91 : memref<40x128xi32, #tpu.memory_space<hbm>>) dst(%arg6 : memref<40x128xi32, #tpu.memory_space<vmem>>)
      tpu.yield
    }) : () -> ()
    %run_scoped3A_27 = arith.constant 0 : i32
    "tpu.region"() ({
      %run_scoped3A_76 = tpu.sem_alloc : memref<!tpu.dma_semaphore, #tpu.memory_space<semaphore_mem>>
      %dma_start3A_77 = arith.constant 0 : i32
      %dma_start3A_78 = arith.constant 0 : i32
      %dma_start3A_79 = tpu.memref_slice %arg4[%add3A, %run_scoped3A_27, %dma_start3A_77, %dma_start3A_78] : memref<32x2x40x128xi32, #tpu.memory_space<hbm>> -> memref<1x1x40x128xi32, #tpu.memory_space<hbm>>
      %dma_start3A_80 = tpu.memref_squeeze %dma_start3A_79 : memref<1x1x40x128xi32, #tpu.memory_space<hbm>> -> memref<40x128xi32, #tpu.memory_space<hbm>>
      %dma_start3A_81 = arith.constant 0 : i32
      %dma_start3A_82 = arith.constant 0 : i32
      %dma_start3A_83 = tpu.memref_slice %arg4[%add3A, %run_scoped3A_27, %dma_start3A_81, %dma_start3A_82] : memref<32x2x40x128xi32, #tpu.memory_space<hbm>> -> memref<1x1x40x128xi32, #tpu.memory_space<hbm>>
      %dma_start3A_84 = tpu.memref_squeeze %dma_start3A_83 : memref<1x1x40x128xi32, #tpu.memory_space<hbm>> -> memref<40x128xi32, #tpu.memory_space<hbm>>
      tpu.enqueue_dma source(%dma_start3A_84 : memref<40x128xi32, #tpu.memory_space<hbm>>) target(%arg7 : memref<40x128xi32, #tpu.memory_space<vmem>>) target_semaphore(%run_scoped3A_76 : memref<!tpu.dma_semaphore, #tpu.memory_space<semaphore_mem>>)
      %dma_wait3A = arith.constant 0 : i32
      %dma_wait3A_85 = arith.constant 0 : i32
      %dma_wait3A_86 = tpu.memref_slice %arg4[%add3A, %run_scoped3A_27, %dma_wait3A, %dma_wait3A_85] : memref<32x2x40x128xi32, #tpu.memory_space<hbm>> -> memref<1x1x40x128xi32, #tpu.memory_space<hbm>>
      %dma_wait3A_87 = tpu.memref_squeeze %dma_wait3A_86 : memref<1x1x40x128xi32, #tpu.memory_space<hbm>> -> memref<40x128xi32, #tpu.memory_space<hbm>>
      %dma_wait3A_88 = arith.constant 0 : i32
      %dma_wait3A_89 = arith.constant 0 : i32
      %dma_wait3A_90 = tpu.memref_slice %arg4[%add3A, %run_scoped3A_27, %dma_wait3A_88, %dma_wait3A_89] : memref<32x2x40x128xi32, #tpu.memory_space<hbm>> -> memref<1x1x40x128xi32, #tpu.memory_space<hbm>>
      %dma_wait3A_91 = tpu.memref_squeeze %dma_wait3A_90 : memref<1x1x40x128xi32, #tpu.memory_space<hbm>> -> memref<40x128xi32, #tpu.memory_space<hbm>>
      tpu.wait_dma2 semaphore(%run_scoped3A_76 : memref<!tpu.dma_semaphore, #tpu.memory_space<semaphore_mem>>) src(%dma_wait3A_91 : memref<40x128xi32, #tpu.memory_space<hbm>>) dst(%arg7 : memref<40x128xi32, #tpu.memory_space<vmem>>)
      tpu.yield
    }) : () -> ()
    %dma_start3A = arith.constant 0 : i32
    %dma_start3A_28 = arith.constant 0 : i32
    %dma_start3A_29 = tpu.memref_slice %arg6[%dma_start3A, %dma_start3A_28] : memref<40x128xi32, #tpu.memory_space<vmem>> -> memref<1x128xi32, #tpu.memory_space<vmem>>
    %dma_start3A_30 = tpu.memref_squeeze %dma_start3A_29 : memref<1x128xi32, #tpu.memory_space<vmem>> -> memref<128xi32, #tpu.memory_space<vmem>>
    %dma_start3A_31 = arith.constant 0 : i32
    %dma_start3A_32 = arith.constant 0 : i32
    %dma_start3A_33 = tpu.memref_slice %arg2[%dma_start3A_31, %dma_start3A_32] : memref<10112x128xf32, #tpu.memory_space<hbm>> -> memref<10112x128xf32, #tpu.memory_space<hbm>>
    tpu.enqueue_indirect_dma source(%dma_start3A_33 : memref<10112x128xf32, #tpu.memory_space<hbm>>) target(%arg8 : memref<128x128xf32, #tpu.memory_space<vmem>>) offsets(%dma_start3A_30 : memref<128xi32, #tpu.memory_space<vmem>>) semaphore(%arg11 : memref<!tpu.dma_semaphore, #tpu.memory_space<semaphore_mem>>)
    %scan3A_34 = arith.constant 0 : i32
    %scan3A_35 = arith.constant 0 : i32
    %scan3A_36 = arith.constant 20 : i32
    %scan3A_37 = arith.addi %scan3A_35, %scan3A_36 : i32
    %scan3A_38 = arith.constant 1 : i32
    scf.for %scan3A_76 = %scan3A_35 to %scan3A_37 step %scan3A_38  : i32 {
      %mul3A_77 = arith.constant 2 : i32
      %mul3A_78 = arith.muli %scan3A_76, %mul3A_77 : i32
      %dma_wait3A = arith.constant 0 : i32
      %dma_wait3A_79 = tpu.memref_slice %arg6[%mul3A_78, %dma_wait3A] : memref<40x128xi32, #tpu.memory_space<vmem>> -> memref<1x128xi32, #tpu.memory_space<vmem>>
      %dma_wait3A_80 = tpu.memref_squeeze %dma_wait3A_79 : memref<1x128xi32, #tpu.memory_space<vmem>> -> memref<128xi32, #tpu.memory_space<vmem>>
      %dma_wait3A_81 = arith.constant 0 : i32
      %dma_wait3A_82 = arith.constant 0 : i32
      %dma_wait3A_83 = tpu.memref_slice %arg2[%dma_wait3A_81, %dma_wait3A_82] : memref<10112x128xf32, #tpu.memory_space<hbm>> -> memref<10112x128xf32, #tpu.memory_space<hbm>>
      tpu.wait_indirect_dma semaphore(%arg11 : memref<!tpu.dma_semaphore, #tpu.memory_space<semaphore_mem>>) src(%dma_wait3A_83 : memref<10112x128xf32, #tpu.memory_space<hbm>>) dst(%arg8 : memref<128x128xf32, #tpu.memory_space<vmem>>)
      %add3A_84 = arith.constant 1 : i32
      %add3A_85 = arith.addi %mul3A_78, %add3A_84 : i32
      %dma_start3A_86 = arith.constant 0 : i32
      %dma_start3A_87 = tpu.memref_slice %arg6[%add3A_85, %dma_start3A_86] : memref<40x128xi32, #tpu.memory_space<vmem>> -> memref<1x128xi32, #tpu.memory_space<vmem>>
      %dma_start3A_88 = tpu.memref_squeeze %dma_start3A_87 : memref<1x128xi32, #tpu.memory_space<vmem>> -> memref<128xi32, #tpu.memory_space<vmem>>
      %dma_start3A_89 = arith.constant 0 : i32
      %dma_start3A_90 = arith.constant 0 : i32
      %dma_start3A_91 = tpu.memref_slice %arg2[%dma_start3A_89, %dma_start3A_90] : memref<10112x128xf32, #tpu.memory_space<hbm>> -> memref<10112x128xf32, #tpu.memory_space<hbm>>
      tpu.enqueue_indirect_dma source(%dma_start3A_91 : memref<10112x128xf32, #tpu.memory_space<hbm>>) target(%arg9 : memref<128x128xf32, #tpu.memory_space<vmem>>) offsets(%dma_start3A_88 : memref<128xi32, #tpu.memory_space<vmem>>) semaphore(%arg12 : memref<!tpu.dma_semaphore, #tpu.memory_space<semaphore_mem>>)
      "tpu.region"() ({
        %run_scoped3A_104 = tpu.sem_alloc : memref<!tpu.dma_semaphore, #tpu.memory_space<semaphore_mem>>
        %dma_start3A_105 = arith.constant 0 : i32
        %dma_start3A_106 = tpu.memref_slice %arg7[%mul3A_78, %dma_start3A_105] : memref<40x128xi32, #tpu.memory_space<vmem>> -> memref<1x128xi32, #tpu.memory_space<vmem>>
        %dma_start3A_107 = tpu.memref_squeeze %dma_start3A_106 : memref<1x128xi32, #tpu.memory_space<vmem>> -> memref<128xi32, #tpu.memory_space<vmem>>
        %dma_start3A_108 = arith.constant 0 : i32
        %dma_start3A_109 = arith.constant 0 : i32
        %dma_start3A_110 = tpu.memref_slice %arg10[%dma_start3A_108, %dma_start3A_109] : memref<10112x128xf32, #tpu.memory_space<vmem_shared>> -> memref<10112x128xf32, #tpu.memory_space<vmem_shared>>
        tpu.enqueue_indirect_dma source(%arg8 : memref<128x128xf32, #tpu.memory_space<vmem>>) target(%dma_start3A_110 : memref<10112x128xf32, #tpu.memory_space<vmem_shared>>) offsets(%dma_start3A_107 : memref<128xi32, #tpu.memory_space<vmem>>) semaphore(%run_scoped3A_104 : memref<!tpu.dma_semaphore, #tpu.memory_space<semaphore_mem>>) {add = true}
        %dma_wait3A_111 = arith.constant 0 : i32
        %dma_wait3A_112 = tpu.memref_slice %arg7[%mul3A_78, %dma_wait3A_111] : memref<40x128xi32, #tpu.memory_space<vmem>> -> memref<1x128xi32, #tpu.memory_space<vmem>>
        %dma_wait3A_113 = tpu.memref_squeeze %dma_wait3A_112 : memref<1x128xi32, #tpu.memory_space<vmem>> -> memref<128xi32, #tpu.memory_space<vmem>>
        %dma_wait3A_114 = arith.constant 0 : i32
        %dma_wait3A_115 = arith.constant 0 : i32
        %dma_wait3A_116 = tpu.memref_slice %arg10[%dma_wait3A_114, %dma_wait3A_115] : memref<10112x128xf32, #tpu.memory_space<vmem_shared>> -> memref<10112x128xf32, #tpu.memory_space<vmem_shared>>
        tpu.wait_indirect_dma semaphore(%run_scoped3A_104 : memref<!tpu.dma_semaphore, #tpu.memory_space<semaphore_mem>>) src(%arg8 : memref<128x128xf32, #tpu.memory_space<vmem>>) dst(%dma_wait3A_116 : memref<10112x128xf32, #tpu.memory_space<vmem_shared>>)
        tpu.yield
      }) : () -> ()
      %add3A_92 = arith.constant 1 : i32
      %add3A_93 = arith.addi %mul3A_78, %add3A_92 : i32
      %dma_wait3A_94 = arith.constant 0 : i32
      %dma_wait3A_95 = tpu.memref_slice %arg6[%add3A_93, %dma_wait3A_94] : memref<40x128xi32, #tpu.memory_space<vmem>> -> memref<1x128xi32, #tpu.memory_space<vmem>>
      %dma_wait3A_96 = tpu.memref_squeeze %dma_wait3A_95 : memref<1x128xi32, #tpu.memory_space<vmem>> -> memref<128xi32, #tpu.memory_space<vmem>>
      %dma_wait3A_97 = arith.constant 0 : i32
      %dma_wait3A_98 = arith.constant 0 : i32
      %dma_wait3A_99 = tpu.memref_slice %arg2[%dma_wait3A_97, %dma_wait3A_98] : memref<10112x128xf32, #tpu.memory_space<hbm>> -> memref<10112x128xf32, #tpu.memory_space<hbm>>
      tpu.wait_indirect_dma semaphore(%arg12 : memref<!tpu.dma_semaphore, #tpu.memory_space<semaphore_mem>>) src(%dma_wait3A_99 : memref<10112x128xf32, #tpu.memory_space<hbm>>) dst(%arg9 : memref<128x128xf32, #tpu.memory_space<vmem>>)
      %lt3A = arith.constant 19 : i32
      %lt3A_100 = arith.cmpi slt, %scan3A_76, %lt3A : i32
      %convert_element_type3A = arith.extui %lt3A_100 : i1 to i32
      %cond3A = arith.constant 0 : i32
      %cond3A_101 = arith.cmpi ne, %convert_element_type3A, %cond3A : i32
      scf.if %cond3A_101 {
        %add3A_104 = arith.constant 2 : i32
        %add3A_105 = arith.addi %mul3A_78, %add3A_104 : i32
        %dma_start3A_106 = arith.constant 0 : i32
        %dma_start3A_107 = tpu.memref_slice %arg6[%add3A_105, %dma_start3A_106] : memref<40x128xi32, #tpu.memory_space<vmem>> -> memref<1x128xi32, #tpu.memory_space<vmem>>
        %dma_start3A_108 = tpu.memref_squeeze %dma_start3A_107 : memref<1x128xi32, #tpu.memory_space<vmem>> -> memref<128xi32, #tpu.memory_space<vmem>>
        %dma_start3A_109 = arith.constant 0 : i32
        %dma_start3A_110 = arith.constant 0 : i32
        %dma_start3A_111 = tpu.memref_slice %arg2[%dma_start3A_109, %dma_start3A_110] : memref<10112x128xf32, #tpu.memory_space<hbm>> -> memref<10112x128xf32, #tpu.memory_space<hbm>>
        tpu.enqueue_indirect_dma source(%dma_start3A_111 : memref<10112x128xf32, #tpu.memory_space<hbm>>) target(%arg8 : memref<128x128xf32, #tpu.memory_space<vmem>>) offsets(%dma_start3A_108 : memref<128xi32, #tpu.memory_space<vmem>>) semaphore(%arg11 : memref<!tpu.dma_semaphore, #tpu.memory_space<semaphore_mem>>)
      } else {
      }
      %add3A_102 = arith.constant 1 : i32
      %add3A_103 = arith.addi %mul3A_78, %add3A_102 : i32
      "tpu.region"() ({
        %run_scoped3A_104 = tpu.sem_alloc : memref<!tpu.dma_semaphore, #tpu.memory_space<semaphore_mem>>
        %dma_start3A_105 = arith.constant 0 : i32
        %dma_start3A_106 = tpu.memref_slice %arg7[%add3A_103, %dma_start3A_105] : memref<40x128xi32, #tpu.memory_space<vmem>> -> memref<1x128xi32, #tpu.memory_space<vmem>>
        %dma_start3A_107 = tpu.memref_squeeze %dma_start3A_106 : memref<1x128xi32, #tpu.memory_space<vmem>> -> memref<128xi32, #tpu.memory_space<vmem>>
        %dma_start3A_108 = arith.constant 0 : i32
        %dma_start3A_109 = arith.constant 0 : i32
        %dma_start3A_110 = tpu.memref_slice %arg10[%dma_start3A_108, %dma_start3A_109] : memref<10112x128xf32, #tpu.memory_space<vmem_shared>> -> memref<10112x128xf32, #tpu.memory_space<vmem_shared>>
        tpu.enqueue_indirect_dma source(%arg9 : memref<128x128xf32, #tpu.memory_space<vmem>>) target(%dma_start3A_110 : memref<10112x128xf32, #tpu.memory_space<vmem_shared>>) offsets(%dma_start3A_107 : memref<128xi32, #tpu.memory_space<vmem>>) semaphore(%run_scoped3A_104 : memref<!tpu.dma_semaphore, #tpu.memory_space<semaphore_mem>>) {add = true}
        %dma_wait3A_111 = arith.constant 0 : i32
        %dma_wait3A_112 = tpu.memref_slice %arg7[%add3A_103, %dma_wait3A_111] : memref<40x128xi32, #tpu.memory_space<vmem>> -> memref<1x128xi32, #tpu.memory_space<vmem>>
        %dma_wait3A_113 = tpu.memref_squeeze %dma_wait3A_112 : memref<1x128xi32, #tpu.memory_space<vmem>> -> memref<128xi32, #tpu.memory_space<vmem>>
        %dma_wait3A_114 = arith.constant 0 : i32
        %dma_wait3A_115 = arith.constant 0 : i32
        %dma_wait3A_116 = tpu.memref_slice %arg10[%dma_wait3A_114, %dma_wait3A_115] : memref<10112x128xf32, #tpu.memory_space<vmem_shared>> -> memref<10112x128xf32, #tpu.memory_space<vmem_shared>>
        tpu.wait_indirect_dma semaphore(%run_scoped3A_104 : memref<!tpu.dma_semaphore, #tpu.memory_space<semaphore_mem>>) src(%arg9 : memref<128x128xf32, #tpu.memory_space<vmem>>) dst(%dma_wait3A_116 : memref<10112x128xf32, #tpu.memory_space<vmem_shared>>)
        tpu.yield
      }) : () -> ()
    }
    %scan3A_39 = arith.constant 20 : i32
    %run_scoped3A_40 = arith.constant 1 : i32
    "tpu.region"() ({
      %run_scoped3A_76 = tpu.sem_alloc : memref<!tpu.dma_semaphore, #tpu.memory_space<semaphore_mem>>
      %dma_start3A_77 = arith.constant 0 : i32
      %dma_start3A_78 = arith.constant 0 : i32
      %dma_start3A_79 = tpu.memref_slice %arg3[%add3A, %run_scoped3A_40, %dma_start3A_77, %dma_start3A_78] : memref<32x2x40x128xi32, #tpu.memory_space<hbm>> -> memref<1x1x40x128xi32, #tpu.memory_space<hbm>>
      %dma_start3A_80 = tpu.memref_squeeze %dma_start3A_79 : memref<1x1x40x128xi32, #tpu.memory_space<hbm>> -> memref<40x128xi32, #tpu.memory_space<hbm>>
      %dma_start3A_81 = arith.constant 0 : i32
      %dma_start3A_82 = arith.constant 0 : i32
      %dma_start3A_83 = tpu.memref_slice %arg3[%add3A, %run_scoped3A_40, %dma_start3A_81, %dma_start3A_82] : memref<32x2x40x128xi32, #tpu.memory_space<hbm>> -> memref<1x1x40x128xi32, #tpu.memory_space<hbm>>
      %dma_start3A_84 = tpu.memref_squeeze %dma_start3A_83 : memref<1x1x40x128xi32, #tpu.memory_space<hbm>> -> memref<40x128xi32, #tpu.memory_space<hbm>>
      tpu.enqueue_dma source(%dma_start3A_84 : memref<40x128xi32, #tpu.memory_space<hbm>>) target(%arg6 : memref<40x128xi32, #tpu.memory_space<vmem>>) target_semaphore(%run_scoped3A_76 : memref<!tpu.dma_semaphore, #tpu.memory_space<semaphore_mem>>)
      %dma_wait3A = arith.constant 0 : i32
      %dma_wait3A_85 = arith.constant 0 : i32
      %dma_wait3A_86 = tpu.memref_slice %arg3[%add3A, %run_scoped3A_40, %dma_wait3A, %dma_wait3A_85] : memref<32x2x40x128xi32, #tpu.memory_space<hbm>> -> memref<1x1x40x128xi32, #tpu.memory_space<hbm>>
      %dma_wait3A_87 = tpu.memref_squeeze %dma_wait3A_86 : memref<1x1x40x128xi32, #tpu.memory_space<hbm>> -> memref<40x128xi32, #tpu.memory_space<hbm>>
      %dma_wait3A_88 = arith.constant 0 : i32
      %dma_wait3A_89 = arith.constant 0 : i32
      %dma_wait3A_90 = tpu.memref_slice %arg3[%add3A, %run_scoped3A_40, %dma_wait3A_88, %dma_wait3A_89] : memref<32x2x40x128xi32, #tpu.memory_space<hbm>> -> memref<1x1x40x128xi32, #tpu.memory_space<hbm>>
      %dma_wait3A_91 = tpu.memref_squeeze %dma_wait3A_90 : memref<1x1x40x128xi32, #tpu.memory_space<hbm>> -> memref<40x128xi32, #tpu.memory_space<hbm>>
      tpu.wait_dma2 semaphore(%run_scoped3A_76 : memref<!tpu.dma_semaphore, #tpu.memory_space<semaphore_mem>>) src(%dma_wait3A_91 : memref<40x128xi32, #tpu.memory_space<hbm>>) dst(%arg6 : memref<40x128xi32, #tpu.memory_space<vmem>>)
      tpu.yield
    }) : () -> ()
    %run_scoped3A_41 = arith.constant 1 : i32
    "tpu.region"() ({
      %run_scoped3A_76 = tpu.sem_alloc : memref<!tpu.dma_semaphore, #tpu.memory_space<semaphore_mem>>
      %dma_start3A_77 = arith.constant 0 : i32
      %dma_start3A_78 = arith.constant 0 : i32
      %dma_start3A_79 = tpu.memref_slice %arg4[%add3A, %run_scoped3A_41, %dma_start3A_77, %dma_start3A_78] : memref<32x2x40x128xi32, #tpu.memory_space<hbm>> -> memref<1x1x40x128xi32, #tpu.memory_space<hbm>>
      %dma_start3A_80 = tpu.memref_squeeze %dma_start3A_79 : memref<1x1x40x128xi32, #tpu.memory_space<hbm>> -> memref<40x128xi32, #tpu.memory_space<hbm>>
      %dma_start3A_81 = arith.constant 0 : i32
      %dma_start3A_82 = arith.constant 0 : i32
      %dma_start3A_83 = tpu.memref_slice %arg4[%add3A, %run_scoped3A_41, %dma_start3A_81, %dma_start3A_82] : memref<32x2x40x128xi32, #tpu.memory_space<hbm>> -> memref<1x1x40x128xi32, #tpu.memory_space<hbm>>
      %dma_start3A_84 = tpu.memref_squeeze %dma_start3A_83 : memref<1x1x40x128xi32, #tpu.memory_space<hbm>> -> memref<40x128xi32, #tpu.memory_space<hbm>>
      tpu.enqueue_dma source(%dma_start3A_84 : memref<40x128xi32, #tpu.memory_space<hbm>>) target(%arg7 : memref<40x128xi32, #tpu.memory_space<vmem>>) target_semaphore(%run_scoped3A_76 : memref<!tpu.dma_semaphore, #tpu.memory_space<semaphore_mem>>)
      %dma_wait3A = arith.constant 0 : i32
      %dma_wait3A_85 = arith.constant 0 : i32
      %dma_wait3A_86 = tpu.memref_slice %arg4[%add3A, %run_scoped3A_41, %dma_wait3A, %dma_wait3A_85] : memref<32x2x40x128xi32, #tpu.memory_space<hbm>> -> memref<1x1x40x128xi32, #tpu.memory_space<hbm>>
      %dma_wait3A_87 = tpu.memref_squeeze %dma_wait3A_86 : memref<1x1x40x128xi32, #tpu.memory_space<hbm>> -> memref<40x128xi32, #tpu.memory_space<hbm>>
      %dma_wait3A_88 = arith.constant 0 : i32
      %dma_wait3A_89 = arith.constant 0 : i32
      %dma_wait3A_90 = tpu.memref_slice %arg4[%add3A, %run_scoped3A_41, %dma_wait3A_88, %dma_wait3A_89] : memref<32x2x40x128xi32, #tpu.memory_space<hbm>> -> memref<1x1x40x128xi32, #tpu.memory_space<hbm>>
      %dma_wait3A_91 = tpu.memref_squeeze %dma_wait3A_90 : memref<1x1x40x128xi32, #tpu.memory_space<hbm>> -> memref<40x128xi32, #tpu.memory_space<hbm>>
      tpu.wait_dma2 semaphore(%run_scoped3A_76 : memref<!tpu.dma_semaphore, #tpu.memory_space<semaphore_mem>>) src(%dma_wait3A_91 : memref<40x128xi32, #tpu.memory_space<hbm>>) dst(%arg7 : memref<40x128xi32, #tpu.memory_space<vmem>>)
      tpu.yield
    }) : () -> ()
    %dma_start3A_42 = arith.constant 0 : i32
    %dma_start3A_43 = arith.constant 0 : i32
    %dma_start3A_44 = tpu.memref_slice %arg6[%dma_start3A_42, %dma_start3A_43] : memref<40x128xi32, #tpu.memory_space<vmem>> -> memref<1x128xi32, #tpu.memory_space<vmem>>
    %dma_start3A_45 = tpu.memref_squeeze %dma_start3A_44 : memref<1x128xi32, #tpu.memory_space<vmem>> -> memref<128xi32, #tpu.memory_space<vmem>>
    %dma_start3A_46 = arith.constant 0 : i32
    %dma_start3A_47 = arith.constant 0 : i32
    %dma_start3A_48 = tpu.memref_slice %arg2[%dma_start3A_46, %dma_start3A_47] : memref<10112x128xf32, #tpu.memory_space<hbm>> -> memref<10112x128xf32, #tpu.memory_space<hbm>>
    tpu.enqueue_indirect_dma source(%dma_start3A_48 : memref<10112x128xf32, #tpu.memory_space<hbm>>) target(%arg8 : memref<128x128xf32, #tpu.memory_space<vmem>>) offsets(%dma_start3A_45 : memref<128xi32, #tpu.memory_space<vmem>>) semaphore(%arg11 : memref<!tpu.dma_semaphore, #tpu.memory_space<semaphore_mem>>)
    %scan3A_49 = arith.constant 0 : i32
    %scan3A_50 = arith.constant 0 : i32
    %scan3A_51 = arith.constant 20 : i32
    %scan3A_52 = arith.addi %scan3A_50, %scan3A_51 : i32
    %scan3A_53 = arith.constant 1 : i32
    scf.for %scan3A_76 = %scan3A_50 to %scan3A_52 step %scan3A_53  : i32 {
      %mul3A_77 = arith.constant 2 : i32
      %mul3A_78 = arith.muli %scan3A_76, %mul3A_77 : i32
      %dma_wait3A = arith.constant 0 : i32
      %dma_wait3A_79 = tpu.memref_slice %arg6[%mul3A_78, %dma_wait3A] : memref<40x128xi32, #tpu.memory_space<vmem>> -> memref<1x128xi32, #tpu.memory_space<vmem>>
      %dma_wait3A_80 = tpu.memref_squeeze %dma_wait3A_79 : memref<1x128xi32, #tpu.memory_space<vmem>> -> memref<128xi32, #tpu.memory_space<vmem>>
      %dma_wait3A_81 = arith.constant 0 : i32
      %dma_wait3A_82 = arith.constant 0 : i32
      %dma_wait3A_83 = tpu.memref_slice %arg2[%dma_wait3A_81, %dma_wait3A_82] : memref<10112x128xf32, #tpu.memory_space<hbm>> -> memref<10112x128xf32, #tpu.memory_space<hbm>>
      tpu.wait_indirect_dma semaphore(%arg11 : memref<!tpu.dma_semaphore, #tpu.memory_space<semaphore_mem>>) src(%dma_wait3A_83 : memref<10112x128xf32, #tpu.memory_space<hbm>>) dst(%arg8 : memref<128x128xf32, #tpu.memory_space<vmem>>)
      %add3A_84 = arith.constant 1 : i32
      %add3A_85 = arith.addi %mul3A_78, %add3A_84 : i32
      %dma_start3A_86 = arith.constant 0 : i32
      %dma_start3A_87 = tpu.memref_slice %arg6[%add3A_85, %dma_start3A_86] : memref<40x128xi32, #tpu.memory_space<vmem>> -> memref<1x128xi32, #tpu.memory_space<vmem>>
      %dma_start3A_88 = tpu.memref_squeeze %dma_start3A_87 : memref<1x128xi32, #tpu.memory_space<vmem>> -> memref<128xi32, #tpu.memory_space<vmem>>
      %dma_start3A_89 = arith.constant 0 : i32
      %dma_start3A_90 = arith.constant 0 : i32
      %dma_start3A_91 = tpu.memref_slice %arg2[%dma_start3A_89, %dma_start3A_90] : memref<10112x128xf32, #tpu.memory_space<hbm>> -> memref<10112x128xf32, #tpu.memory_space<hbm>>
      tpu.enqueue_indirect_dma source(%dma_start3A_91 : memref<10112x128xf32, #tpu.memory_space<hbm>>) target(%arg9 : memref<128x128xf32, #tpu.memory_space<vmem>>) offsets(%dma_start3A_88 : memref<128xi32, #tpu.memory_space<vmem>>) semaphore(%arg12 : memref<!tpu.dma_semaphore, #tpu.memory_space<semaphore_mem>>)
      "tpu.region"() ({
        %run_scoped3A_104 = tpu.sem_alloc : memref<!tpu.dma_semaphore, #tpu.memory_space<semaphore_mem>>
        %dma_start3A_105 = arith.constant 0 : i32
        %dma_start3A_106 = tpu.memref_slice %arg7[%mul3A_78, %dma_start3A_105] : memref<40x128xi32, #tpu.memory_space<vmem>> -> memref<1x128xi32, #tpu.memory_space<vmem>>
        %dma_start3A_107 = tpu.memref_squeeze %dma_start3A_106 : memref<1x128xi32, #tpu.memory_space<vmem>> -> memref<128xi32, #tpu.memory_space<vmem>>
        %dma_start3A_108 = arith.constant 0 : i32
        %dma_start3A_109 = arith.constant 0 : i32
        %dma_start3A_110 = tpu.memref_slice %arg10[%dma_start3A_108, %dma_start3A_109] : memref<10112x128xf32, #tpu.memory_space<vmem_shared>> -> memref<10112x128xf32, #tpu.memory_space<vmem_shared>>
        tpu.enqueue_indirect_dma source(%arg8 : memref<128x128xf32, #tpu.memory_space<vmem>>) target(%dma_start3A_110 : memref<10112x128xf32, #tpu.memory_space<vmem_shared>>) offsets(%dma_start3A_107 : memref<128xi32, #tpu.memory_space<vmem>>) semaphore(%run_scoped3A_104 : memref<!tpu.dma_semaphore, #tpu.memory_space<semaphore_mem>>) {add = true}
        %dma_wait3A_111 = arith.constant 0 : i32
        %dma_wait3A_112 = tpu.memref_slice %arg7[%mul3A_78, %dma_wait3A_111] : memref<40x128xi32, #tpu.memory_space<vmem>> -> memref<1x128xi32, #tpu.memory_space<vmem>>
        %dma_wait3A_113 = tpu.memref_squeeze %dma_wait3A_112 : memref<1x128xi32, #tpu.memory_space<vmem>> -> memref<128xi32, #tpu.memory_space<vmem>>
        %dma_wait3A_114 = arith.constant 0 : i32
        %dma_wait3A_115 = arith.constant 0 : i32
        %dma_wait3A_116 = tpu.memref_slice %arg10[%dma_wait3A_114, %dma_wait3A_115] : memref<10112x128xf32, #tpu.memory_space<vmem_shared>> -> memref<10112x128xf32, #tpu.memory_space<vmem_shared>>
        tpu.wait_indirect_dma semaphore(%run_scoped3A_104 : memref<!tpu.dma_semaphore, #tpu.memory_space<semaphore_mem>>) src(%arg8 : memref<128x128xf32, #tpu.memory_space<vmem>>) dst(%dma_wait3A_116 : memref<10112x128xf32, #tpu.memory_space<vmem_shared>>)
        tpu.yield
      }) : () -> ()
      %add3A_92 = arith.constant 1 : i32
      %add3A_93 = arith.addi %mul3A_78, %add3A_92 : i32
      %dma_wait3A_94 = arith.constant 0 : i32
      %dma_wait3A_95 = tpu.memref_slice %arg6[%add3A_93, %dma_wait3A_94] : memref<40x128xi32, #tpu.memory_space<vmem>> -> memref<1x128xi32, #tpu.memory_space<vmem>>
      %dma_wait3A_96 = tpu.memref_squeeze %dma_wait3A_95 : memref<1x128xi32, #tpu.memory_space<vmem>> -> memref<128xi32, #tpu.memory_space<vmem>>
      %dma_wait3A_97 = arith.constant 0 : i32
      %dma_wait3A_98 = arith.constant 0 : i32
      %dma_wait3A_99 = tpu.memref_slice %arg2[%dma_wait3A_97, %dma_wait3A_98] : memref<10112x128xf32, #tpu.memory_space<hbm>> -> memref<10112x128xf32, #tpu.memory_space<hbm>>
      tpu.wait_indirect_dma semaphore(%arg12 : memref<!tpu.dma_semaphore, #tpu.memory_space<semaphore_mem>>) src(%dma_wait3A_99 : memref<10112x128xf32, #tpu.memory_space<hbm>>) dst(%arg9 : memref<128x128xf32, #tpu.memory_space<vmem>>)
      %lt3A = arith.constant 19 : i32
      %lt3A_100 = arith.cmpi slt, %scan3A_76, %lt3A : i32
      %convert_element_type3A = arith.extui %lt3A_100 : i1 to i32
      %cond3A = arith.constant 0 : i32
      %cond3A_101 = arith.cmpi ne, %convert_element_type3A, %cond3A : i32
      scf.if %cond3A_101 {
        %add3A_104 = arith.constant 2 : i32
        %add3A_105 = arith.addi %mul3A_78, %add3A_104 : i32
        %dma_start3A_106 = arith.constant 0 : i32
        %dma_start3A_107 = tpu.memref_slice %arg6[%add3A_105, %dma_start3A_106] : memref<40x128xi32, #tpu.memory_space<vmem>> -> memref<1x128xi32, #tpu.memory_space<vmem>>
        %dma_start3A_108 = tpu.memref_squeeze %dma_start3A_107 : memref<1x128xi32, #tpu.memory_space<vmem>> -> memref<128xi32, #tpu.memory_space<vmem>>
        %dma_start3A_109 = arith.constant 0 : i32
        %dma_start3A_110 = arith.constant 0 : i32
        %dma_start3A_111 = tpu.memref_slice %arg2[%dma_start3A_109, %dma_start3A_110] : memref<10112x128xf32, #tpu.memory_space<hbm>> -> memref<10112x128xf32, #tpu.memory_space<hbm>>
        tpu.enqueue_indirect_dma source(%dma_start3A_111 : memref<10112x128xf32, #tpu.memory_space<hbm>>) target(%arg8 : memref<128x128xf32, #tpu.memory_space<vmem>>) offsets(%dma_start3A_108 : memref<128xi32, #tpu.memory_space<vmem>>) semaphore(%arg11 : memref<!tpu.dma_semaphore, #tpu.memory_space<semaphore_mem>>)
      } else {
      }
      %add3A_102 = arith.constant 1 : i32
      %add3A_103 = arith.addi %mul3A_78, %add3A_102 : i32
      "tpu.region"() ({
        %run_scoped3A_104 = tpu.sem_alloc : memref<!tpu.dma_semaphore, #tpu.memory_space<semaphore_mem>>
        %dma_start3A_105 = arith.constant 0 : i32
        %dma_start3A_106 = tpu.memref_slice %arg7[%add3A_103, %dma_start3A_105] : memref<40x128xi32, #tpu.memory_space<vmem>> -> memref<1x128xi32, #tpu.memory_space<vmem>>
        %dma_start3A_107 = tpu.memref_squeeze %dma_start3A_106 : memref<1x128xi32, #tpu.memory_space<vmem>> -> memref<128xi32, #tpu.memory_space<vmem>>
        %dma_start3A_108 = arith.constant 0 : i32
        %dma_start3A_109 = arith.constant 0 : i32
        %dma_start3A_110 = tpu.memref_slice %arg10[%dma_start3A_108, %dma_start3A_109] : memref<10112x128xf32, #tpu.memory_space<vmem_shared>> -> memref<10112x128xf32, #tpu.memory_space<vmem_shared>>
        tpu.enqueue_indirect_dma source(%arg9 : memref<128x128xf32, #tpu.memory_space<vmem>>) target(%dma_start3A_110 : memref<10112x128xf32, #tpu.memory_space<vmem_shared>>) offsets(%dma_start3A_107 : memref<128xi32, #tpu.memory_space<vmem>>) semaphore(%run_scoped3A_104 : memref<!tpu.dma_semaphore, #tpu.memory_space<semaphore_mem>>) {add = true}
        %dma_wait3A_111 = arith.constant 0 : i32
        %dma_wait3A_112 = tpu.memref_slice %arg7[%add3A_103, %dma_wait3A_111] : memref<40x128xi32, #tpu.memory_space<vmem>> -> memref<1x128xi32, #tpu.memory_space<vmem>>
        %dma_wait3A_113 = tpu.memref_squeeze %dma_wait3A_112 : memref<1x128xi32, #tpu.memory_space<vmem>> -> memref<128xi32, #tpu.memory_space<vmem>>
        %dma_wait3A_114 = arith.constant 0 : i32
        %dma_wait3A_115 = arith.constant 0 : i32
        %dma_wait3A_116 = tpu.memref_slice %arg10[%dma_wait3A_114, %dma_wait3A_115] : memref<10112x128xf32, #tpu.memory_space<vmem_shared>> -> memref<10112x128xf32, #tpu.memory_space<vmem_shared>>
        tpu.wait_indirect_dma semaphore(%run_scoped3A_104 : memref<!tpu.dma_semaphore, #tpu.memory_space<semaphore_mem>>) src(%arg9 : memref<128x128xf32, #tpu.memory_space<vmem>>) dst(%dma_wait3A_116 : memref<10112x128xf32, #tpu.memory_space<vmem_shared>>)
        tpu.yield
      }) : () -> ()
    }
    %scan3A_54 = arith.constant 20 : i32
    %barrier3A_55 = arith.constant 0 : index
    tpu.barrier barrier_id(%barrier3A_55)
    %mul3A_56 = arith.constant 632 : i32
    %mul3A_57 = arith.muli %arg1, %mul3A_56 : i32
    %add3A_58 = arith.constant 0 : i32
    %add3A_59 = arith.addi %mul3A_57, %add3A_58 : i32
    "tpu.region"() ({
      %run_scoped3A_76 = tpu.sem_alloc : memref<!tpu.dma_semaphore, #tpu.memory_space<semaphore_mem>>
      %dma_start3A_77 = arith.constant 0 : i32
      %dma_start3A_78 = tpu.memref_slice %arg10[%add3A_59, %dma_start3A_77] : memref<10112x128xf32, #tpu.memory_space<vmem_shared>> -> memref<128x128xf32, #tpu.memory_space<vmem_shared>>
      %dma_start3A_79 = arith.constant 0 : i32
      %dma_start3A_80 = tpu.memref_slice %arg10[%add3A_59, %dma_start3A_79] : memref<10112x128xf32, #tpu.memory_space<vmem_shared>> -> memref<128x128xf32, #tpu.memory_space<vmem_shared>>
      tpu.enqueue_dma source(%dma_start3A_80 : memref<128x128xf32, #tpu.memory_space<vmem_shared>>) target(%arg8 : memref<128x128xf32, #tpu.memory_space<vmem>>) target_semaphore(%run_scoped3A_76 : memref<!tpu.dma_semaphore, #tpu.memory_space<semaphore_mem>>)
      %dma_wait3A = arith.constant 0 : i32
      %dma_wait3A_81 = tpu.memref_slice %arg10[%add3A_59, %dma_wait3A] : memref<10112x128xf32, #tpu.memory_space<vmem_shared>> -> memref<128x128xf32, #tpu.memory_space<vmem_shared>>
      %dma_wait3A_82 = arith.constant 0 : i32
      %dma_wait3A_83 = tpu.memref_slice %arg10[%add3A_59, %dma_wait3A_82] : memref<10112x128xf32, #tpu.memory_space<vmem_shared>> -> memref<128x128xf32, #tpu.memory_space<vmem_shared>>
      tpu.wait_dma2 semaphore(%run_scoped3A_76 : memref<!tpu.dma_semaphore, #tpu.memory_space<semaphore_mem>>) src(%dma_wait3A_83 : memref<128x128xf32, #tpu.memory_space<vmem_shared>>) dst(%arg8 : memref<128x128xf32, #tpu.memory_space<vmem>>)
      tpu.yield
    }) : () -> ()
    "tpu.region"() ({
      %run_scoped3A_76 = tpu.sem_alloc : memref<!tpu.dma_semaphore, #tpu.memory_space<semaphore_mem>>
      %dma_start3A_77 = arith.constant 0 : i32
      %dma_start3A_78 = arith.constant 0 : i32
      %dma_start3A_79 = tpu.memref_slice %arg5[%arg0, %dma_start3A_77, %dma_start3A_78] : memref<2x10112x128xf32, #tpu.memory_space<hbm>> -> memref<1x10112x128xf32, #tpu.memory_space<hbm>>
      %dma_start3A_80 = tpu.memref_squeeze %dma_start3A_79 : memref<1x10112x128xf32, #tpu.memory_space<hbm>> -> memref<10112x128xf32, #tpu.memory_space<hbm>>
      %dma_start3A_81 = arith.constant 0 : i32
      %dma_start3A_82 = tpu.memref_slice %dma_start3A_80[%add3A_59, %dma_start3A_81] : memref<10112x128xf32, #tpu.memory_space<hbm>> -> memref<128x128xf32, #tpu.memory_space<hbm>>
      %dma_start3A_83 = arith.constant 0 : i32
      %dma_start3A_84 = arith.constant 0 : i32
      %dma_start3A_85 = tpu.memref_slice %arg5[%arg0, %dma_start3A_83, %dma_start3A_84] : memref<2x10112x128xf32, #tpu.memory_space<hbm>> -> memref<1x10112x128xf32, #tpu.memory_space<hbm>>
      %dma_start3A_86 = tpu.memref_squeeze %dma_start3A_85 : memref<1x10112x128xf32, #tpu.memory_space<hbm>> -> memref<10112x128xf32, #tpu.memory_space<hbm>>
      %dma_start3A_87 = arith.constant 0 : i32
      %dma_start3A_88 = tpu.memref_slice %dma_start3A_86[%add3A_59, %dma_start3A_87] : memref<10112x128xf32, #tpu.memory_space<hbm>> -> memref<128x128xf32, #tpu.memory_space<hbm>>
      tpu.enqueue_dma source(%arg8 : memref<128x128xf32, #tpu.memory_space<vmem>>) target(%dma_start3A_88 : memref<128x128xf32, #tpu.memory_space<hbm>>) target_semaphore(%run_scoped3A_76 : memref<!tpu.dma_semaphore, #tpu.memory_space<semaphore_mem>>)
      %dma_wait3A = arith.constant 0 : i32
      %dma_wait3A_89 = arith.constant 0 : i32
      %dma_wait3A_90 = tpu.memref_slice %arg5[%arg0, %dma_wait3A, %dma_wait3A_89] : memref<2x10112x128xf32, #tpu.memory_space<hbm>> -> memref<1x10112x128xf32, #tpu.memory_space<hbm>>
      %dma_wait3A_91 = tpu.memref_squeeze %dma_wait3A_90 : memref<1x10112x128xf32, #tpu.memory_space<hbm>> -> memref<10112x128xf32, #tpu.memory_space<hbm>>
      %dma_wait3A_92 = arith.constant 0 : i32
      %dma_wait3A_93 = tpu.memref_slice %dma_wait3A_91[%add3A_59, %dma_wait3A_92] : memref<10112x128xf32, #tpu.memory_space<hbm>> -> memref<128x128xf32, #tpu.memory_space<hbm>>
      %dma_wait3A_94 = arith.constant 0 : i32
      %dma_wait3A_95 = arith.constant 0 : i32
      %dma_wait3A_96 = tpu.memref_slice %arg5[%arg0, %dma_wait3A_94, %dma_wait3A_95] : memref<2x10112x128xf32, #tpu.memory_space<hbm>> -> memref<1x10112x128xf32, #tpu.memory_space<hbm>>
      %dma_wait3A_97 = tpu.memref_squeeze %dma_wait3A_96 : memref<1x10112x128xf32, #tpu.memory_space<hbm>> -> memref<10112x128xf32, #tpu.memory_space<hbm>>
      %dma_wait3A_98 = arith.constant 0 : i32
      %dma_wait3A_99 = tpu.memref_slice %dma_wait3A_97[%add3A_59, %dma_wait3A_98] : memref<10112x128xf32, #tpu.memory_space<hbm>> -> memref<128x128xf32, #tpu.memory_space<hbm>>
      tpu.wait_dma2 semaphore(%run_scoped3A_76 : memref<!tpu.dma_semaphore, #tpu.memory_space<semaphore_mem>>) src(%arg8 : memref<128x128xf32, #tpu.memory_space<vmem>>) dst(%dma_wait3A_99 : memref<128x128xf32, #tpu.memory_space<hbm>>)
      tpu.yield
    }) : () -> ()
    %mul3A_60 = arith.constant 632 : i32
    %mul3A_61 = arith.muli %arg1, %mul3A_60 : i32
    %add3A_62 = arith.constant 128 : i32
    %add3A_63 = arith.addi %mul3A_61, %add3A_62 : i32
    "tpu.region"() ({
      %run_scoped3A_76 = tpu.sem_alloc : memref<!tpu.dma_semaphore, #tpu.memory_space<semaphore_mem>>
      %dma_start3A_77 = arith.constant 0 : i32
      %dma_start3A_78 = tpu.memref_slice %arg10[%add3A_63, %dma_start3A_77] : memref<10112x128xf32, #tpu.memory_space<vmem_shared>> -> memref<128x128xf32, #tpu.memory_space<vmem_shared>>
      %dma_start3A_79 = arith.constant 0 : i32
      %dma_start3A_80 = tpu.memref_slice %arg10[%add3A_63, %dma_start3A_79] : memref<10112x128xf32, #tpu.memory_space<vmem_shared>> -> memref<128x128xf32, #tpu.memory_space<vmem_shared>>
      tpu.enqueue_dma source(%dma_start3A_80 : memref<128x128xf32, #tpu.memory_space<vmem_shared>>) target(%arg8 : memref<128x128xf32, #tpu.memory_space<vmem>>) target_semaphore(%run_scoped3A_76 : memref<!tpu.dma_semaphore, #tpu.memory_space<semaphore_mem>>)
      %dma_wait3A = arith.constant 0 : i32
      %dma_wait3A_81 = tpu.memref_slice %arg10[%add3A_63, %dma_wait3A] : memref<10112x128xf32, #tpu.memory_space<vmem_shared>> -> memref<128x128xf32, #tpu.memory_space<vmem_shared>>
      %dma_wait3A_82 = arith.constant 0 : i32
      %dma_wait3A_83 = tpu.memref_slice %arg10[%add3A_63, %dma_wait3A_82] : memref<10112x128xf32, #tpu.memory_space<vmem_shared>> -> memref<128x128xf32, #tpu.memory_space<vmem_shared>>
      tpu.wait_dma2 semaphore(%run_scoped3A_76 : memref<!tpu.dma_semaphore, #tpu.memory_space<semaphore_mem>>) src(%dma_wait3A_83 : memref<128x128xf32, #tpu.memory_space<vmem_shared>>) dst(%arg8 : memref<128x128xf32, #tpu.memory_space<vmem>>)
      tpu.yield
    }) : () -> ()
    "tpu.region"() ({
      %run_scoped3A_76 = tpu.sem_alloc : memref<!tpu.dma_semaphore, #tpu.memory_space<semaphore_mem>>
      %dma_start3A_77 = arith.constant 0 : i32
      %dma_start3A_78 = arith.constant 0 : i32
      %dma_start3A_79 = tpu.memref_slice %arg5[%arg0, %dma_start3A_77, %dma_start3A_78] : memref<2x10112x128xf32, #tpu.memory_space<hbm>> -> memref<1x10112x128xf32, #tpu.memory_space<hbm>>
      %dma_start3A_80 = tpu.memref_squeeze %dma_start3A_79 : memref<1x10112x128xf32, #tpu.memory_space<hbm>> -> memref<10112x128xf32, #tpu.memory_space<hbm>>
      %dma_start3A_81 = arith.constant 0 : i32
      %dma_start3A_82 = tpu.memref_slice %dma_start3A_80[%add3A_63, %dma_start3A_81] : memref<10112x128xf32, #tpu.memory_space<hbm>> -> memref<128x128xf32, #tpu.memory_space<hbm>>
      %dma_start3A_83 = arith.constant 0 : i32
      %dma_start3A_84 = arith.constant 0 : i32
      %dma_start3A_85 = tpu.memref_slice %arg5[%arg0, %dma_start3A_83, %dma_start3A_84] : memref<2x10112x128xf32, #tpu.memory_space<hbm>> -> memref<1x10112x128xf32, #tpu.memory_space<hbm>>
      %dma_start3A_86 = tpu.memref_squeeze %dma_start3A_85 : memref<1x10112x128xf32, #tpu.memory_space<hbm>> -> memref<10112x128xf32, #tpu.memory_space<hbm>>
      %dma_start3A_87 = arith.constant 0 : i32
      %dma_start3A_88 = tpu.memref_slice %dma_start3A_86[%add3A_63, %dma_start3A_87] : memref<10112x128xf32, #tpu.memory_space<hbm>> -> memref<128x128xf32, #tpu.memory_space<hbm>>
      tpu.enqueue_dma source(%arg8 : memref<128x128xf32, #tpu.memory_space<vmem>>) target(%dma_start3A_88 : memref<128x128xf32, #tpu.memory_space<hbm>>) target_semaphore(%run_scoped3A_76 : memref<!tpu.dma_semaphore, #tpu.memory_space<semaphore_mem>>)
      %dma_wait3A = arith.constant 0 : i32
      %dma_wait3A_89 = arith.constant 0 : i32
      %dma_wait3A_90 = tpu.memref_slice %arg5[%arg0, %dma_wait3A, %dma_wait3A_89] : memref<2x10112x128xf32, #tpu.memory_space<hbm>> -> memref<1x10112x128xf32, #tpu.memory_space<hbm>>
      %dma_wait3A_91 = tpu.memref_squeeze %dma_wait3A_90 : memref<1x10112x128xf32, #tpu.memory_space<hbm>> -> memref<10112x128xf32, #tpu.memory_space<hbm>>
      %dma_wait3A_92 = arith.constant 0 : i32
      %dma_wait3A_93 = tpu.memref_slice %dma_wait3A_91[%add3A_63, %dma_wait3A_92] : memref<10112x128xf32, #tpu.memory_space<hbm>> -> memref<128x128xf32, #tpu.memory_space<hbm>>
      %dma_wait3A_94 = arith.constant 0 : i32
      %dma_wait3A_95 = arith.constant 0 : i32
      %dma_wait3A_96 = tpu.memref_slice %arg5[%arg0, %dma_wait3A_94, %dma_wait3A_95] : memref<2x10112x128xf32, #tpu.memory_space<hbm>> -> memref<1x10112x128xf32, #tpu.memory_space<hbm>>
      %dma_wait3A_97 = tpu.memref_squeeze %dma_wait3A_96 : memref<1x10112x128xf32, #tpu.memory_space<hbm>> -> memref<10112x128xf32, #tpu.memory_space<hbm>>
      %dma_wait3A_98 = arith.constant 0 : i32
      %dma_wait3A_99 = tpu.memref_slice %dma_wait3A_97[%add3A_63, %dma_wait3A_98] : memref<10112x128xf32, #tpu.memory_space<hbm>> -> memref<128x128xf32, #tpu.memory_space<hbm>>
      tpu.wait_dma2 semaphore(%run_scoped3A_76 : memref<!tpu.dma_semaphore, #tpu.memory_space<semaphore_mem>>) src(%arg8 : memref<128x128xf32, #tpu.memory_space<vmem>>) dst(%dma_wait3A_99 : memref<128x128xf32, #tpu.memory_space<hbm>>)
      tpu.yield
    }) : () -> ()
    %mul3A_64 = arith.constant 632 : i32
    %mul3A_65 = arith.muli %arg1, %mul3A_64 : i32
    %add3A_66 = arith.constant 256 : i32
    %add3A_67 = arith.addi %mul3A_65, %add3A_66 : i32
    "tpu.region"() ({
      %run_scoped3A_76 = tpu.sem_alloc : memref<!tpu.dma_semaphore, #tpu.memory_space<semaphore_mem>>
      %dma_start3A_77 = arith.constant 0 : i32
      %dma_start3A_78 = tpu.memref_slice %arg10[%add3A_67, %dma_start3A_77] : memref<10112x128xf32, #tpu.memory_space<vmem_shared>> -> memref<128x128xf32, #tpu.memory_space<vmem_shared>>
      %dma_start3A_79 = arith.constant 0 : i32
      %dma_start3A_80 = tpu.memref_slice %arg10[%add3A_67, %dma_start3A_79] : memref<10112x128xf32, #tpu.memory_space<vmem_shared>> -> memref<128x128xf32, #tpu.memory_space<vmem_shared>>
      tpu.enqueue_dma source(%dma_start3A_80 : memref<128x128xf32, #tpu.memory_space<vmem_shared>>) target(%arg8 : memref<128x128xf32, #tpu.memory_space<vmem>>) target_semaphore(%run_scoped3A_76 : memref<!tpu.dma_semaphore, #tpu.memory_space<semaphore_mem>>)
      %dma_wait3A = arith.constant 0 : i32
      %dma_wait3A_81 = tpu.memref_slice %arg10[%add3A_67, %dma_wait3A] : memref<10112x128xf32, #tpu.memory_space<vmem_shared>> -> memref<128x128xf32, #tpu.memory_space<vmem_shared>>
      %dma_wait3A_82 = arith.constant 0 : i32
      %dma_wait3A_83 = tpu.memref_slice %arg10[%add3A_67, %dma_wait3A_82] : memref<10112x128xf32, #tpu.memory_space<vmem_shared>> -> memref<128x128xf32, #tpu.memory_space<vmem_shared>>
      tpu.wait_dma2 semaphore(%run_scoped3A_76 : memref<!tpu.dma_semaphore, #tpu.memory_space<semaphore_mem>>) src(%dma_wait3A_83 : memref<128x128xf32, #tpu.memory_space<vmem_shared>>) dst(%arg8 : memref<128x128xf32, #tpu.memory_space<vmem>>)
      tpu.yield
    }) : () -> ()
    "tpu.region"() ({
      %run_scoped3A_76 = tpu.sem_alloc : memref<!tpu.dma_semaphore, #tpu.memory_space<semaphore_mem>>
      %dma_start3A_77 = arith.constant 0 : i32
      %dma_start3A_78 = arith.constant 0 : i32
      %dma_start3A_79 = tpu.memref_slice %arg5[%arg0, %dma_start3A_77, %dma_start3A_78] : memref<2x10112x128xf32, #tpu.memory_space<hbm>> -> memref<1x10112x128xf32, #tpu.memory_space<hbm>>
      %dma_start3A_80 = tpu.memref_squeeze %dma_start3A_79 : memref<1x10112x128xf32, #tpu.memory_space<hbm>> -> memref<10112x128xf32, #tpu.memory_space<hbm>>
      %dma_start3A_81 = arith.constant 0 : i32
      %dma_start3A_82 = tpu.memref_slice %dma_start3A_80[%add3A_67, %dma_start3A_81] : memref<10112x128xf32, #tpu.memory_space<hbm>> -> memref<128x128xf32, #tpu.memory_space<hbm>>
      %dma_start3A_83 = arith.constant 0 : i32
      %dma_start3A_84 = arith.constant 0 : i32
      %dma_start3A_85 = tpu.memref_slice %arg5[%arg0, %dma_start3A_83, %dma_start3A_84] : memref<2x10112x128xf32, #tpu.memory_space<hbm>> -> memref<1x10112x128xf32, #tpu.memory_space<hbm>>
      %dma_start3A_86 = tpu.memref_squeeze %dma_start3A_85 : memref<1x10112x128xf32, #tpu.memory_space<hbm>> -> memref<10112x128xf32, #tpu.memory_space<hbm>>
      %dma_start3A_87 = arith.constant 0 : i32
      %dma_start3A_88 = tpu.memref_slice %dma_start3A_86[%add3A_67, %dma_start3A_87] : memref<10112x128xf32, #tpu.memory_space<hbm>> -> memref<128x128xf32, #tpu.memory_space<hbm>>
      tpu.enqueue_dma source(%arg8 : memref<128x128xf32, #tpu.memory_space<vmem>>) target(%dma_start3A_88 : memref<128x128xf32, #tpu.memory_space<hbm>>) target_semaphore(%run_scoped3A_76 : memref<!tpu.dma_semaphore, #tpu.memory_space<semaphore_mem>>)
      %dma_wait3A = arith.constant 0 : i32
      %dma_wait3A_89 = arith.constant 0 : i32
      %dma_wait3A_90 = tpu.memref_slice %arg5[%arg0, %dma_wait3A, %dma_wait3A_89] : memref<2x10112x128xf32, #tpu.memory_space<hbm>> -> memref<1x10112x128xf32, #tpu.memory_space<hbm>>
      %dma_wait3A_91 = tpu.memref_squeeze %dma_wait3A_90 : memref<1x10112x128xf32, #tpu.memory_space<hbm>> -> memref<10112x128xf32, #tpu.memory_space<hbm>>
      %dma_wait3A_92 = arith.constant 0 : i32
      %dma_wait3A_93 = tpu.memref_slice %dma_wait3A_91[%add3A_67, %dma_wait3A_92] : memref<10112x128xf32, #tpu.memory_space<hbm>> -> memref<128x128xf32, #tpu.memory_space<hbm>>
      %dma_wait3A_94 = arith.constant 0 : i32
      %dma_wait3A_95 = arith.constant 0 : i32
      %dma_wait3A_96 = tpu.memref_slice %arg5[%arg0, %dma_wait3A_94, %dma_wait3A_95] : memref<2x10112x128xf32, #tpu.memory_space<hbm>> -> memref<1x10112x128xf32, #tpu.memory_space<hbm>>
      %dma_wait3A_97 = tpu.memref_squeeze %dma_wait3A_96 : memref<1x10112x128xf32, #tpu.memory_space<hbm>> -> memref<10112x128xf32, #tpu.memory_space<hbm>>
      %dma_wait3A_98 = arith.constant 0 : i32
      %dma_wait3A_99 = tpu.memref_slice %dma_wait3A_97[%add3A_67, %dma_wait3A_98] : memref<10112x128xf32, #tpu.memory_space<hbm>> -> memref<128x128xf32, #tpu.memory_space<hbm>>
      tpu.wait_dma2 semaphore(%run_scoped3A_76 : memref<!tpu.dma_semaphore, #tpu.memory_space<semaphore_mem>>) src(%arg8 : memref<128x128xf32, #tpu.memory_space<vmem>>) dst(%dma_wait3A_99 : memref<128x128xf32, #tpu.memory_space<hbm>>)
      tpu.yield
    }) : () -> ()
    %mul3A_68 = arith.constant 632 : i32
    %mul3A_69 = arith.muli %arg1, %mul3A_68 : i32
    %add3A_70 = arith.constant 384 : i32
    %add3A_71 = arith.addi %mul3A_69, %add3A_70 : i32
    "tpu.region"() ({
      %run_scoped3A_76 = tpu.sem_alloc : memref<!tpu.dma_semaphore, #tpu.memory_space<semaphore_mem>>
      %dma_start3A_77 = arith.constant 0 : i32
      %dma_start3A_78 = tpu.memref_slice %arg10[%add3A_71, %dma_start3A_77] : memref<10112x128xf32, #tpu.memory_space<vmem_shared>> -> memref<128x128xf32, #tpu.memory_space<vmem_shared>>
      %dma_start3A_79 = arith.constant 0 : i32
      %dma_start3A_80 = tpu.memref_slice %arg10[%add3A_71, %dma_start3A_79] : memref<10112x128xf32, #tpu.memory_space<vmem_shared>> -> memref<128x128xf32, #tpu.memory_space<vmem_shared>>
      tpu.enqueue_dma source(%dma_start3A_80 : memref<128x128xf32, #tpu.memory_space<vmem_shared>>) target(%arg8 : memref<128x128xf32, #tpu.memory_space<vmem>>) target_semaphore(%run_scoped3A_76 : memref<!tpu.dma_semaphore, #tpu.memory_space<semaphore_mem>>)
      %dma_wait3A = arith.constant 0 : i32
      %dma_wait3A_81 = tpu.memref_slice %arg10[%add3A_71, %dma_wait3A] : memref<10112x128xf32, #tpu.memory_space<vmem_shared>> -> memref<128x128xf32, #tpu.memory_space<vmem_shared>>
      %dma_wait3A_82 = arith.constant 0 : i32
      %dma_wait3A_83 = tpu.memref_slice %arg10[%add3A_71, %dma_wait3A_82] : memref<10112x128xf32, #tpu.memory_space<vmem_shared>> -> memref<128x128xf32, #tpu.memory_space<vmem_shared>>
      tpu.wait_dma2 semaphore(%run_scoped3A_76 : memref<!tpu.dma_semaphore, #tpu.memory_space<semaphore_mem>>) src(%dma_wait3A_83 : memref<128x128xf32, #tpu.memory_space<vmem_shared>>) dst(%arg8 : memref<128x128xf32, #tpu.memory_space<vmem>>)
      tpu.yield
    }) : () -> ()
    "tpu.region"() ({
      %run_scoped3A_76 = tpu.sem_alloc : memref<!tpu.dma_semaphore, #tpu.memory_space<semaphore_mem>>
      %dma_start3A_77 = arith.constant 0 : i32
      %dma_start3A_78 = arith.constant 0 : i32
      %dma_start3A_79 = tpu.memref_slice %arg5[%arg0, %dma_start3A_77, %dma_start3A_78] : memref<2x10112x128xf32, #tpu.memory_space<hbm>> -> memref<1x10112x128xf32, #tpu.memory_space<hbm>>
      %dma_start3A_80 = tpu.memref_squeeze %dma_start3A_79 : memref<1x10112x128xf32, #tpu.memory_space<hbm>> -> memref<10112x128xf32, #tpu.memory_space<hbm>>
      %dma_start3A_81 = arith.constant 0 : i32
      %dma_start3A_82 = tpu.memref_slice %dma_start3A_80[%add3A_71, %dma_start3A_81] : memref<10112x128xf32, #tpu.memory_space<hbm>> -> memref<128x128xf32, #tpu.memory_space<hbm>>
      %dma_start3A_83 = arith.constant 0 : i32
      %dma_start3A_84 = arith.constant 0 : i32
      %dma_start3A_85 = tpu.memref_slice %arg5[%arg0, %dma_start3A_83, %dma_start3A_84] : memref<2x10112x128xf32, #tpu.memory_space<hbm>> -> memref<1x10112x128xf32, #tpu.memory_space<hbm>>
      %dma_start3A_86 = tpu.memref_squeeze %dma_start3A_85 : memref<1x10112x128xf32, #tpu.memory_space<hbm>> -> memref<10112x128xf32, #tpu.memory_space<hbm>>
      %dma_start3A_87 = arith.constant 0 : i32
      %dma_start3A_88 = tpu.memref_slice %dma_start3A_86[%add3A_71, %dma_start3A_87] : memref<10112x128xf32, #tpu.memory_space<hbm>> -> memref<128x128xf32, #tpu.memory_space<hbm>>
      tpu.enqueue_dma source(%arg8 : memref<128x128xf32, #tpu.memory_space<vmem>>) target(%dma_start3A_88 : memref<128x128xf32, #tpu.memory_space<hbm>>) target_semaphore(%run_scoped3A_76 : memref<!tpu.dma_semaphore, #tpu.memory_space<semaphore_mem>>)
      %dma_wait3A = arith.constant 0 : i32
      %dma_wait3A_89 = arith.constant 0 : i32
      %dma_wait3A_90 = tpu.memref_slice %arg5[%arg0, %dma_wait3A, %dma_wait3A_89] : memref<2x10112x128xf32, #tpu.memory_space<hbm>> -> memref<1x10112x128xf32, #tpu.memory_space<hbm>>
      %dma_wait3A_91 = tpu.memref_squeeze %dma_wait3A_90 : memref<1x10112x128xf32, #tpu.memory_space<hbm>> -> memref<10112x128xf32, #tpu.memory_space<hbm>>
      %dma_wait3A_92 = arith.constant 0 : i32
      %dma_wait3A_93 = tpu.memref_slice %dma_wait3A_91[%add3A_71, %dma_wait3A_92] : memref<10112x128xf32, #tpu.memory_space<hbm>> -> memref<128x128xf32, #tpu.memory_space<hbm>>
      %dma_wait3A_94 = arith.constant 0 : i32
      %dma_wait3A_95 = arith.constant 0 : i32
      %dma_wait3A_96 = tpu.memref_slice %arg5[%arg0, %dma_wait3A_94, %dma_wait3A_95] : memref<2x10112x128xf32, #tpu.memory_space<hbm>> -> memref<1x10112x128xf32, #tpu.memory_space<hbm>>
      %dma_wait3A_97 = tpu.memref_squeeze %dma_wait3A_96 : memref<1x10112x128xf32, #tpu.memory_space<hbm>> -> memref<10112x128xf32, #tpu.memory_space<hbm>>
      %dma_wait3A_98 = arith.constant 0 : i32
      %dma_wait3A_99 = tpu.memref_slice %dma_wait3A_97[%add3A_71, %dma_wait3A_98] : memref<10112x128xf32, #tpu.memory_space<hbm>> -> memref<128x128xf32, #tpu.memory_space<hbm>>
      tpu.wait_dma2 semaphore(%run_scoped3A_76 : memref<!tpu.dma_semaphore, #tpu.memory_space<semaphore_mem>>) src(%arg8 : memref<128x128xf32, #tpu.memory_space<vmem>>) dst(%dma_wait3A_99 : memref<128x128xf32, #tpu.memory_space<hbm>>)
      tpu.yield
    }) : () -> ()
    %mul3A_72 = arith.constant 632 : i32
    %mul3A_73 = arith.muli %arg1, %mul3A_72 : i32
    %add3A_74 = arith.constant 512 : i32
    %add3A_75 = arith.addi %mul3A_73, %add3A_74 : i32
    "tpu.region"() ({
      %run_scoped3A_76 = tpu.sem_alloc : memref<!tpu.dma_semaphore, #tpu.memory_space<semaphore_mem>>
      %dma_start3A_77 = arith.constant 0 : i32
      %dma_start3A_78 = arith.constant 0 : i32
      %dma_start3A_79 = tpu.memref_slice %arg8[%dma_start3A_77, %dma_start3A_78] : memref<128x128xf32, #tpu.memory_space<vmem>> -> memref<120x128xf32, #tpu.memory_space<vmem>>
      %dma_start3A_80 = arith.constant 0 : i32
      %dma_start3A_81 = tpu.memref_slice %arg10[%add3A_75, %dma_start3A_80] : memref<10112x128xf32, #tpu.memory_space<vmem_shared>> -> memref<120x128xf32, #tpu.memory_space<vmem_shared>>
      %dma_start3A_82 = arith.constant 0 : i32
      %dma_start3A_83 = arith.constant 0 : i32
      %dma_start3A_84 = tpu.memref_slice %arg8[%dma_start3A_82, %dma_start3A_83] : memref<128x128xf32, #tpu.memory_space<vmem>> -> memref<120x128xf32, #tpu.memory_space<vmem>>
      %dma_start3A_85 = arith.constant 0 : i32
      %dma_start3A_86 = tpu.memref_slice %arg10[%add3A_75, %dma_start3A_85] : memref<10112x128xf32, #tpu.memory_space<vmem_shared>> -> memref<120x128xf32, #tpu.memory_space<vmem_shared>>
      tpu.enqueue_dma source(%dma_start3A_86 : memref<120x128xf32, #tpu.memory_space<vmem_shared>>) target(%dma_start3A_84 : memref<120x128xf32, #tpu.memory_space<vmem>>) target_semaphore(%run_scoped3A_76 : memref<!tpu.dma_semaphore, #tpu.memory_space<semaphore_mem>>)
      %dma_wait3A = arith.constant 0 : i32
      %dma_wait3A_87 = arith.constant 0 : i32
      %dma_wait3A_88 = tpu.memref_slice %arg8[%dma_wait3A, %dma_wait3A_87] : memref<128x128xf32, #tpu.memory_space<vmem>> -> memref<120x128xf32, #tpu.memory_space<vmem>>
      %dma_wait3A_89 = arith.constant 0 : i32
      %dma_wait3A_90 = tpu.memref_slice %arg10[%add3A_75, %dma_wait3A_89] : memref<10112x128xf32, #tpu.memory_space<vmem_shared>> -> memref<120x128xf32, #tpu.memory_space<vmem_shared>>
      %dma_wait3A_91 = arith.constant 0 : i32
      %dma_wait3A_92 = arith.constant 0 : i32
      %dma_wait3A_93 = tpu.memref_slice %arg8[%dma_wait3A_91, %dma_wait3A_92] : memref<128x128xf32, #tpu.memory_space<vmem>> -> memref<120x128xf32, #tpu.memory_space<vmem>>
      %dma_wait3A_94 = arith.constant 0 : i32
      %dma_wait3A_95 = tpu.memref_slice %arg10[%add3A_75, %dma_wait3A_94] : memref<10112x128xf32, #tpu.memory_space<vmem_shared>> -> memref<120x128xf32, #tpu.memory_space<vmem_shared>>
      tpu.wait_dma2 semaphore(%run_scoped3A_76 : memref<!tpu.dma_semaphore, #tpu.memory_space<semaphore_mem>>) src(%dma_wait3A_95 : memref<120x128xf32, #tpu.memory_space<vmem_shared>>) dst(%dma_wait3A_93 : memref<120x128xf32, #tpu.memory_space<vmem>>)
      tpu.yield
    }) : () -> ()
    "tpu.region"() ({
      %run_scoped3A_76 = tpu.sem_alloc : memref<!tpu.dma_semaphore, #tpu.memory_space<semaphore_mem>>
      %dma_start3A_77 = arith.constant 0 : i32
      %dma_start3A_78 = arith.constant 0 : i32
      %dma_start3A_79 = tpu.memref_slice %arg8[%dma_start3A_77, %dma_start3A_78] : memref<128x128xf32, #tpu.memory_space<vmem>> -> memref<120x128xf32, #tpu.memory_space<vmem>>
      %dma_start3A_80 = arith.constant 0 : i32
      %dma_start3A_81 = arith.constant 0 : i32
      %dma_start3A_82 = tpu.memref_slice %arg5[%arg0, %dma_start3A_80, %dma_start3A_81] : memref<2x10112x128xf32, #tpu.memory_space<hbm>> -> memref<1x10112x128xf32, #tpu.memory_space<hbm>>
      %dma_start3A_83 = tpu.memref_squeeze %dma_start3A_82 : memref<1x10112x128xf32, #tpu.memory_space<hbm>> -> memref<10112x128xf32, #tpu.memory_space<hbm>>
      %dma_start3A_84 = arith.constant 0 : i32
      %dma_start3A_85 = tpu.memref_slice %dma_start3A_83[%add3A_75, %dma_start3A_84] : memref<10112x128xf32, #tpu.memory_space<hbm>> -> memref<120x128xf32, #tpu.memory_space<hbm>>
      %dma_start3A_86 = arith.constant 0 : i32
      %dma_start3A_87 = arith.constant 0 : i32
      %dma_start3A_88 = tpu.memref_slice %arg5[%arg0, %dma_start3A_86, %dma_start3A_87] : memref<2x10112x128xf32, #tpu.memory_space<hbm>> -> memref<1x10112x128xf32, #tpu.memory_space<hbm>>
      %dma_start3A_89 = tpu.memref_squeeze %dma_start3A_88 : memref<1x10112x128xf32, #tpu.memory_space<hbm>> -> memref<10112x128xf32, #tpu.memory_space<hbm>>
      %dma_start3A_90 = arith.constant 0 : i32
      %dma_start3A_91 = tpu.memref_slice %dma_start3A_89[%add3A_75, %dma_start3A_90] : memref<10112x128xf32, #tpu.memory_space<hbm>> -> memref<120x128xf32, #tpu.memory_space<hbm>>
      %dma_start3A_92 = arith.constant 0 : i32
      %dma_start3A_93 = arith.constant 0 : i32
      %dma_start3A_94 = tpu.memref_slice %arg8[%dma_start3A_92, %dma_start3A_93] : memref<128x128xf32, #tpu.memory_space<vmem>> -> memref<120x128xf32, #tpu.memory_space<vmem>>
      tpu.enqueue_dma source(%dma_start3A_94 : memref<120x128xf32, #tpu.memory_space<vmem>>) target(%dma_start3A_91 : memref<120x128xf32, #tpu.memory_space<hbm>>) target_semaphore(%run_scoped3A_76 : memref<!tpu.dma_semaphore, #tpu.memory_space<semaphore_mem>>)
      %dma_wait3A = arith.constant 0 : i32
      %dma_wait3A_95 = arith.constant 0 : i32
      %dma_wait3A_96 = tpu.memref_slice %arg8[%dma_wait3A, %dma_wait3A_95] : memref<128x128xf32, #tpu.memory_space<vmem>> -> memref<120x128xf32, #tpu.memory_space<vmem>>
      %dma_wait3A_97 = arith.constant 0 : i32
      %dma_wait3A_98 = arith.constant 0 : i32
      %dma_wait3A_99 = tpu.memref_slice %arg5[%arg0, %dma_wait3A_97, %dma_wait3A_98] : memref<2x10112x128xf32, #tpu.memory_space<hbm>> -> memref<1x10112x128xf32, #tpu.memory_space<hbm>>
      %dma_wait3A_100 = tpu.memref_squeeze %dma_wait3A_99 : memref<1x10112x128xf32, #tpu.memory_space<hbm>> -> memref<10112x128xf32, #tpu.memory_space<hbm>>
      %dma_wait3A_101 = arith.constant 0 : i32
      %dma_wait3A_102 = tpu.memref_slice %dma_wait3A_100[%add3A_75, %dma_wait3A_101] : memref<10112x128xf32, #tpu.memory_space<hbm>> -> memref<120x128xf32, #tpu.memory_space<hbm>>
      %dma_wait3A_103 = arith.constant 0 : i32
      %dma_wait3A_104 = arith.constant 0 : i32
      %dma_wait3A_105 = tpu.memref_slice %arg5[%arg0, %dma_wait3A_103, %dma_wait3A_104] : memref<2x10112x128xf32, #tpu.memory_space<hbm>> -> memref<1x10112x128xf32, #tpu.memory_space<hbm>>
      %dma_wait3A_106 = tpu.memref_squeeze %dma_wait3A_105 : memref<1x10112x128xf32, #tpu.memory_space<hbm>> -> memref<10112x128xf32, #tpu.memory_space<hbm>>
      %dma_wait3A_107 = arith.constant 0 : i32
      %dma_wait3A_108 = tpu.memref_slice %dma_wait3A_106[%add3A_75, %dma_wait3A_107] : memref<10112x128xf32, #tpu.memory_space<hbm>> -> memref<120x128xf32, #tpu.memory_space<hbm>>
      %dma_wait3A_109 = arith.constant 0 : i32
      %dma_wait3A_110 = arith.constant 0 : i32
      %dma_wait3A_111 = tpu.memref_slice %arg8[%dma_wait3A_109, %dma_wait3A_110] : memref<128x128xf32, #tpu.memory_space<vmem>> -> memref<120x128xf32, #tpu.memory_space<vmem>>
      tpu.wait_dma2 semaphore(%run_scoped3A_76 : memref<!tpu.dma_semaphore, #tpu.memory_space<semaphore_mem>>) src(%dma_wait3A_111 : memref<120x128xf32, #tpu.memory_space<vmem>>) dst(%dma_wait3A_108 : memref<120x128xf32, #tpu.memory_space<hbm>>)
      tpu.yield
    }) : () -> ()
    return
  }
}

module attributes {stable_mosaic.version = 14 : i64} {
  func.func @_prep_body(%arg0: i32, %arg1: memref<1264x32xf32, #tpu.memory_space<vmem>>, %arg2: memref<1264x128xf32, #tpu.memory_space<vmem>>, %arg3: memref<128x128xf32, #tpu.memory_space<vmem>>, %arg4: memref<1264x128xf32, #tpu.memory_space<vmem>>, %arg5: memref<1264x128xf32, #tpu.memory_space<vmem>>) attributes {dimension_semantics = [#tpu.dimension_semantics<arbitrary>], iteration_bounds = array<i64: 8>, scalar_prefetch = 0 : i64, scratch_operands = 0 : i64, tpu.core_type = #tpu.core_type<tc>, window_params = [{transform_indices = @transform_0, window_bounds = array<i64: 1264, 32>}, {transform_indices = @transform_1, window_bounds = array<i64: 1264, 128>}, {pipeline_mode = #tpu.pipeline_mode<synchronous>, transform_indices = @transform_2, window_bounds = array<i64: 128, 128>}, {transform_indices = @transform_3, window_bounds = array<i64: 1264, 128>}, {transform_indices = @transform_4, window_bounds = array<i64: 1264, 128>}]} {
    %get3A = arith.constant 0 : index
    %get3A_0 = arith.constant 0 : index
    %get3A_1 = vector.load %arg1[%get3A, %get3A_0] : memref<1264x32xf32, #tpu.memory_space<vmem>>, vector<1264x32xf32>
    %reduce_sum3A = arith.constant dense<0.000000e+00> : vector<1264xf32>
    %reduce_sum3A_2 = vector.multi_reduction <add>, %get3A_1, %reduce_sum3A [1] : vector<1264x32xf32> to vector<1264xf32>
    %broadcast_in_dim3A = vector.shape_cast %reduce_sum3A_2 : vector<1264xf32> to vector<1264x1xf32>
    %add3A = arith.constant 1.000000e+00 : f32
    %add3A_3 = vector.broadcast %add3A : f32 to vector<1264x1xf32>
    %add3A_4 = arith.addf %broadcast_in_dim3A, %add3A_3 : vector<1264x1xf32>
    %rsqrt3A = math.rsqrt %add3A_4 : vector<1264x1xf32>
    %get3A_5 = arith.constant 0 : index
    %get3A_6 = arith.constant 0 : index
    %get3A_7 = vector.load %arg2[%get3A_5, %get3A_6] : memref<1264x128xf32, #tpu.memory_space<vmem>>, vector<1264x128xf32>
    %get3A_8 = arith.constant 0 : index
    %get3A_9 = arith.constant 0 : index
    %get3A_10 = vector.load %arg3[%get3A_8, %get3A_9] : memref<128x128xf32, #tpu.memory_space<vmem>>, vector<128x128xf32>
    %dot_general3A = arith.constant dense<0.000000e+00> : vector<1264x128xf32>
    %dot_general3A_11 = tpu.matmul %get3A_7, %get3A_10, %dot_general3A {dimension_numbers = #tpu.dot_dimension_numbers<[1], [0], [0], [1], [0, 0, 1, 1], [], []>, transpose_lhs_hint = false} : vector<1264x128xf32>, vector<128x128xf32>, vector<1264x128xf32> -> vector<1264x128xf32>
    %mul3A = vector.broadcast %rsqrt3A : vector<1264x1xf32> to vector<1264x128xf32>
    %mul3A_12 = arith.mulf %mul3A, %dot_general3A_11 : vector<1264x128xf32>
    %swap3A = arith.constant 0 : index
    %swap3A_13 = arith.constant 0 : index
    %swap3A_14 = vector.load %arg4[%swap3A, %swap3A_13] : memref<1264x128xf32, #tpu.memory_space<vmem>>, vector<1264x128xf32>
    tpu.vector_store %arg4[%swap3A, %swap3A_13], %mul3A_12 {strides = array<i32>} : memref<1264x128xf32, #tpu.memory_space<vmem>>, vector<1264x128xf32>,
    %broadcast_in_dim3A_15 = vector.shape_cast %rsqrt3A : vector<1264x1xf32> to vector<1264x1xf32>
    %broadcast_in_dim3A_16 = vector.broadcast %broadcast_in_dim3A_15 : vector<1264x1xf32> to vector<1264x128xf32>
    %swap3A_17 = arith.constant 0 : index
    %swap3A_18 = arith.constant 0 : index
    %swap3A_19 = vector.load %arg5[%swap3A_17, %swap3A_18] : memref<1264x128xf32, #tpu.memory_space<vmem>>, vector<1264x128xf32>
    tpu.vector_store %arg5[%swap3A_17, %swap3A_18], %broadcast_in_dim3A_16 {strides = array<i32>} : memref<1264x128xf32, #tpu.memory_space<vmem>>, vector<1264x128xf32>,
    return
  }
  func.func @transform_0(%arg0: i32) -> (i32, i32) {
    %c0_i32 = arith.constant 0 : i32
    %c0_i32_0 = arith.constant 0 : i32
    return %arg0, %c0_i32 : i32, i32
  }
  func.func @transform_1(%arg0: i32) -> (i32, i32) {
    %c0_i32 = arith.constant 0 : i32
    %c0_i32_0 = arith.constant 0 : i32
    return %arg0, %c0_i32 : i32, i32
  }
  func.func @transform_2(%arg0: i32) -> (i32, i32) {
    %c0_i32 = arith.constant 0 : i32
    %c0_i32_0 = arith.constant 0 : i32
    %c0_i32_1 = arith.constant 0 : i32
    return %c0_i32, %c0_i32_0 : i32, i32
  }
  func.func @transform_3(%arg0: i32) -> (i32, i32) {
    %c0_i32 = arith.constant 0 : i32
    %c0_i32_0 = arith.constant 0 : i32
    return %arg0, %c0_i32 : i32, i32
  }
  func.func @transform_4(%arg0: i32) -> (i32, i32) {
    %c0_i32 = arith.constant 0 : i32
    %c0_i32_0 = arith.constant 0 : i32
    return %arg0, %c0_i32 : i32, i32
  }
}

module attributes {stable_mosaic.version = 14 : i64} {
  func.func @_mid_body(%arg0: i32, %arg1: memref<1264x128xf32, #tpu.memory_space<vmem>>, %arg2: memref<1264x128xf32, #tpu.memory_space<vmem>>, %arg3: memref<1264x128xf32, #tpu.memory_space<vmem>>, %arg4: memref<1264x128xf32, #tpu.memory_space<vmem>>, %arg5: memref<128x128xf32, #tpu.memory_space<vmem>>, %arg6: memref<1x128xf32, #tpu.memory_space<vmem>>, %arg7: memref<1264x128xf32, #tpu.memory_space<vmem>>) attributes {dimension_semantics = [#tpu.dimension_semantics<arbitrary>], iteration_bounds = array<i64: 8>, scalar_prefetch = 0 : i64, scratch_operands = 0 : i64, tpu.core_type = #tpu.core_type<tc>, window_params = [{transform_indices = @transform_0, window_bounds = array<i64: 1264, 128>}, {transform_indices = @transform_1, window_bounds = array<i64: 1264, 128>}, {transform_indices = @transform_2, window_bounds = array<i64: 1264, 128>}, {transform_indices = @transform_3, window_bounds = array<i64: 1264, 128>}, {pipeline_mode = #tpu.pipeline_mode<synchronous>, transform_indices = @transform_4, window_bounds = array<i64: 128, 128>}, {pipeline_mode = #tpu.pipeline_mode<synchronous>, transform_indices = @transform_5, window_bounds = array<i64: 1, 128>}, {transform_indices = @transform_6, window_bounds = array<i64: 1264, 128>}]} {
    %get3A = arith.constant 0 : index
    %get3A_0 = arith.constant 0 : index
    %get3A_1 = vector.load %arg4[%get3A, %get3A_0] : memref<1264x128xf32, #tpu.memory_space<vmem>>, vector<1264x128xf32>
    %get3A_2 = arith.constant 0 : index
    %get3A_3 = arith.constant 0 : index
    %get3A_4 = vector.load %arg1[%get3A_2, %get3A_3] : memref<1264x128xf32, #tpu.memory_space<vmem>>, vector<1264x128xf32>
    %get3A_5 = arith.constant 0 : index
    %get3A_6 = arith.constant 0 : index
    %get3A_7 = vector.load %arg2[%get3A_5, %get3A_6] : memref<1264x128xf32, #tpu.memory_space<vmem>>, vector<1264x128xf32>
    %add3A = arith.addf %get3A_4, %get3A_7 : vector<1264x128xf32>
    %get3A_8 = arith.constant 0 : index
    %get3A_9 = arith.constant 0 : index
    %get3A_10 = vector.load %arg3[%get3A_8, %get3A_9] : memref<1264x128xf32, #tpu.memory_space<vmem>>, vector<1264x128xf32>
    %add3A_11 = arith.addf %add3A, %get3A_10 : vector<1264x128xf32>
    %mul3A = arith.mulf %get3A_1, %add3A_11 : vector<1264x128xf32>
    %get3A_12 = arith.constant 0 : index
    %get3A_13 = arith.constant 0 : index
    %get3A_14 = vector.load %arg6[%get3A_12, %get3A_13] : memref<1x128xf32, #tpu.memory_space<vmem>>, vector<1x128xf32>
    %add3A_15 = vector.broadcast %get3A_14 : vector<1x128xf32> to vector<1264x128xf32>
    %add3A_16 = arith.addf %mul3A, %add3A_15 : vector<1264x128xf32>
    %max3A = arith.constant 0.000000e+00 : f32
    %max3A_17 = vector.broadcast %max3A : f32 to vector<1264x128xf32>
    %max3A_18 = arith.maximumf %add3A_16, %max3A_17 : vector<1264x128xf32>
    %get3A_19 = arith.constant 0 : index
    %get3A_20 = arith.constant 0 : index
    %get3A_21 = vector.load %arg5[%get3A_19, %get3A_20] : memref<128x128xf32, #tpu.memory_space<vmem>>, vector<128x128xf32>
    %dot_general3A = arith.constant dense<0.000000e+00> : vector<1264x128xf32>
    %dot_general3A_22 = tpu.matmul %max3A_18, %get3A_21, %dot_general3A {dimension_numbers = #tpu.dot_dimension_numbers<[1], [0], [0], [1], [0, 0, 1, 1], [], []>, transpose_lhs_hint = false} : vector<1264x128xf32>, vector<128x128xf32>, vector<1264x128xf32> -> vector<1264x128xf32>
    %mul3A_23 = arith.mulf %get3A_1, %dot_general3A_22 : vector<1264x128xf32>
    %swap3A = arith.constant 0 : index
    %swap3A_24 = arith.constant 0 : index
    %swap3A_25 = vector.load %arg7[%swap3A, %swap3A_24] : memref<1264x128xf32, #tpu.memory_space<vmem>>, vector<1264x128xf32>
    tpu.vector_store %arg7[%swap3A, %swap3A_24], %mul3A_23 {strides = array<i32>} : memref<1264x128xf32, #tpu.memory_space<vmem>>, vector<1264x128xf32>,
    return
  }
  func.func @transform_0(%arg0: i32) -> (i32, i32) {
    %c0_i32 = arith.constant 0 : i32
    %c0_i32_0 = arith.constant 0 : i32
    return %arg0, %c0_i32 : i32, i32
  }
  func.func @transform_1(%arg0: i32) -> (i32, i32) {
    %c0_i32 = arith.constant 0 : i32
    %c0_i32_0 = arith.constant 0 : i32
    return %arg0, %c0_i32 : i32, i32
  }
  func.func @transform_2(%arg0: i32) -> (i32, i32) {
    %c0_i32 = arith.constant 0 : i32
    %c0_i32_0 = arith.constant 0 : i32
    return %arg0, %c0_i32 : i32, i32
  }
  func.func @transform_3(%arg0: i32) -> (i32, i32) {
    %c0_i32 = arith.constant 0 : i32
    %c0_i32_0 = arith.constant 0 : i32
    return %arg0, %c0_i32 : i32, i32
  }
  func.func @transform_4(%arg0: i32) -> (i32, i32) {
    %c0_i32 = arith.constant 0 : i32
    %c0_i32_0 = arith.constant 0 : i32
    %c0_i32_1 = arith.constant 0 : i32
    return %c0_i32, %c0_i32_0 : i32, i32
  }
  func.func @transform_5(%arg0: i32) -> (i32, i32) {
    %c0_i32 = arith.constant 0 : i32
    %c0_i32_0 = arith.constant 0 : i32
    %c0_i32_1 = arith.constant 0 : i32
    return %c0_i32, %c0_i32_0 : i32, i32
  }
  func.func @transform_6(%arg0: i32) -> (i32, i32) {
    %c0_i32 = arith.constant 0 : i32
    %c0_i32_0 = arith.constant 0 : i32
    return %arg0, %c0_i32 : i32, i32
  }
}

module attributes {stable_mosaic.version = 14 : i64} {
  func.func @_final_body(%arg0: i32, %arg1: memref<1264x128xf32, #tpu.memory_space<vmem>>, %arg2: memref<1264x128xf32, #tpu.memory_space<vmem>>, %arg3: memref<1264x128xf32, #tpu.memory_space<vmem>>, %arg4: memref<1264x128xf32, #tpu.memory_space<vmem>>, %arg5: memref<1x128xf32, #tpu.memory_space<vmem>>, %arg6: memref<1264x1xi32, #tpu.memory_space<vmem>>, %arg7: memref<128x64xf32, #tpu.memory_space<vmem>>, %arg8: memref<1x64xf32, #tpu.memory_space<vmem>>, %arg9: memref<128x64xf32, #tpu.memory_space<vmem>>, %arg10: memref<1x64xf32, #tpu.memory_space<vmem>>, %arg11: memref<64x64xf32, #tpu.memory_space<vmem>>, %arg12: memref<64x64xf32, #tpu.memory_space<vmem>>, %arg13: memref<64x128xf32, #tpu.memory_space<vmem>>, %arg14: memref<64x128xf32, #tpu.memory_space<vmem>>) attributes {dimension_semantics = [#tpu.dimension_semantics<arbitrary>], iteration_bounds = array<i64: 8>, scalar_prefetch = 0 : i64, scratch_operands = 2 : i64, tpu.core_type = #tpu.core_type<tc>, window_params = [{transform_indices = @transform_0, window_bounds = array<i64: 1264, 128>}, {transform_indices = @transform_1, window_bounds = array<i64: 1264, 128>}, {transform_indices = @transform_2, window_bounds = array<i64: 1264, 128>}, {transform_indices = @transform_3, window_bounds = array<i64: 1264, 128>}, {pipeline_mode = #tpu.pipeline_mode<synchronous>, transform_indices = @transform_4, window_bounds = array<i64: 1, 128>}, {transform_indices = @transform_5, window_bounds = array<i64: 1264, 1>}, {pipeline_mode = #tpu.pipeline_mode<synchronous>, transform_indices = @transform_6, window_bounds = array<i64: 128, 64>}, {pipeline_mode = #tpu.pipeline_mode<synchronous>, transform_indices = @transform_7, window_bounds = array<i64: 1, 64>}, {pipeline_mode = #tpu.pipeline_mode<synchronous>, transform_indices = @transform_8, window_bounds = array<i64: 128, 64>}, {pipeline_mode = #tpu.pipeline_mode<synchronous>, transform_indices = @transform_9, window_bounds = array<i64: 1, 64>}, {pipeline_mode = #tpu.pipeline_mode<synchronous>, transform_indices = @transform_10, window_bounds = array<i64: 64, 64>}, {pipeline_mode = #tpu.pipeline_mode<synchronous>, transform_indices = @transform_11, window_bounds = array<i64: 64, 64>}]} {
    %get3A = arith.constant 0 : index
    %get3A_0 = arith.constant 0 : index
    %get3A_1 = vector.load %arg4[%get3A, %get3A_0] : memref<1264x128xf32, #tpu.memory_space<vmem>>, vector<1264x128xf32>
    %get3A_2 = arith.constant 0 : index
    %get3A_3 = arith.constant 0 : index
    %get3A_4 = vector.load %arg1[%get3A_2, %get3A_3] : memref<1264x128xf32, #tpu.memory_space<vmem>>, vector<1264x128xf32>
    %get3A_5 = arith.constant 0 : index
    %get3A_6 = arith.constant 0 : index
    %get3A_7 = vector.load %arg2[%get3A_5, %get3A_6] : memref<1264x128xf32, #tpu.memory_space<vmem>>, vector<1264x128xf32>
    %add3A = arith.addf %get3A_4, %get3A_7 : vector<1264x128xf32>
    %get3A_8 = arith.constant 0 : index
    %get3A_9 = arith.constant 0 : index
    %get3A_10 = vector.load %arg3[%get3A_8, %get3A_9] : memref<1264x128xf32, #tpu.memory_space<vmem>>, vector<1264x128xf32>
    %add3A_11 = arith.addf %add3A, %get3A_10 : vector<1264x128xf32>
    %mul3A = arith.mulf %get3A_1, %add3A_11 : vector<1264x128xf32>
    %get3A_12 = arith.constant 0 : index
    %get3A_13 = arith.constant 0 : index
    %get3A_14 = vector.load %arg5[%get3A_12, %get3A_13] : memref<1x128xf32, #tpu.memory_space<vmem>>, vector<1x128xf32>
    %add3A_15 = vector.broadcast %get3A_14 : vector<1x128xf32> to vector<1264x128xf32>
    %add3A_16 = arith.addf %mul3A, %add3A_15 : vector<1264x128xf32>
    %max3A = arith.constant 0.000000e+00 : f32
    %max3A_17 = vector.broadcast %max3A : f32 to vector<1264x128xf32>
    %max3A_18 = arith.maximumf %add3A_16, %max3A_17 : vector<1264x128xf32>
    %iota3A = tpu.iota {dimensions = array<i32: 1>} : vector<1x64xi32>
    %get3A_19 = arith.constant 0 : index
    %get3A_20 = arith.constant 0 : index
    %get3A_21 = vector.load %arg6[%get3A_19, %get3A_20] : memref<1264x1xi32, #tpu.memory_space<vmem>>, vector<1264x1xi32>
    %eq3A = vector.broadcast %get3A_21 : vector<1264x1xi32> to vector<1264x64xi32>
    %eq3A_22 = vector.broadcast %iota3A : vector<1x64xi32> to vector<1264x64xi32>
    %eq3A_23 = arith.cmpi eq, %eq3A, %eq3A_22 : vector<1264x64xi32>
    %convert_element_type3A = arith.extui %eq3A_23 : vector<1264x64xi1> to vector<1264x64xi32>
    %convert_element_type3A_24 = arith.sitofp %convert_element_type3A : vector<1264x64xi32> to vector<1264x64xf32>
    %dot_general3A = arith.constant dense<0.000000e+00> : vector<64x128xf32>
    %dot_general3A_25 = tpu.matmul %convert_element_type3A_24, %max3A_18, %dot_general3A {dimension_numbers = #tpu.dot_dimension_numbers<[0], [0], [1], [1], [0, 1, 1, 1], [], []>, transpose_lhs_hint = false} : vector<1264x64xf32>, vector<1264x128xf32>, vector<64x128xf32> -> vector<64x128xf32>
    %broadcast_in_dim3A = arith.constant 1.000000e+00 : f32
    %broadcast_in_dim3A_26 = vector.broadcast %broadcast_in_dim3A : f32 to vector<1264x128xf32>
    %dot_general3A_27 = arith.constant dense<0.000000e+00> : vector<64x128xf32>
    %dot_general3A_28 = tpu.matmul %convert_element_type3A_24, %broadcast_in_dim3A_26, %dot_general3A_27 {dimension_numbers = #tpu.dot_dimension_numbers<[0], [0], [1], [1], [0, 1, 1, 1], [], []>, transpose_lhs_hint = false} : vector<1264x64xf32>, vector<1264x128xf32>, vector<64x128xf32> -> vector<64x128xf32>
    %eq3A_29 = arith.constant 0 : i32
    %eq3A_30 = arith.cmpi eq, %arg0, %eq3A_29 : i32
    %convert_element_type3A_31 = arith.extui %eq3A_30 : i1 to i32
    %cond3A = arith.constant 0 : i32
    %cond3A_32 = arith.cmpi ne, %convert_element_type3A_31, %cond3A : i32
    scf.if %cond3A_32 {
      %broadcast_in_dim3A_51 = arith.constant 0.000000e+00 : f32
      %broadcast_in_dim3A_52 = vector.broadcast %broadcast_in_dim3A_51 : f32 to vector<64x128xf32>
      %swap3A_53 = arith.constant 0 : index
      %swap3A_54 = arith.constant 0 : index
      %swap3A_55 = vector.load %arg13[%swap3A_53, %swap3A_54] : memref<64x128xf32, #tpu.memory_space<vmem>>, vector<64x128xf32>
      tpu.vector_store %arg13[%swap3A_53, %swap3A_54], %broadcast_in_dim3A_52 {strides = array<i32>} : memref<64x128xf32, #tpu.memory_space<vmem>>, vector<64x128xf32>,
      %broadcast_in_dim3A_56 = arith.constant 0.000000e+00 : f32
      %broadcast_in_dim3A_57 = vector.broadcast %broadcast_in_dim3A_56 : f32 to vector<64x128xf32>
      %swap3A_58 = arith.constant 0 : index
      %swap3A_59 = arith.constant 0 : index
      %swap3A_60 = vector.load %arg14[%swap3A_58, %swap3A_59] : memref<64x128xf32, #tpu.memory_space<vmem>>, vector<64x128xf32>
      tpu.vector_store %arg14[%swap3A_58, %swap3A_59], %broadcast_in_dim3A_57 {strides = array<i32>} : memref<64x128xf32, #tpu.memory_space<vmem>>, vector<64x128xf32>,
    } else {
    }
    %get3A_33 = arith.constant 0 : index
    %get3A_34 = arith.constant 0 : index
    %get3A_35 = vector.load %arg13[%get3A_33, %get3A_34] : memref<64x128xf32, #tpu.memory_space<vmem>>, vector<64x128xf32>
    %add3A_36 = arith.addf %get3A_35, %dot_general3A_25 : vector<64x128xf32>
    %swap3A = arith.constant 0 : index
    %swap3A_37 = arith.constant 0 : index
    %swap3A_38 = vector.load %arg13[%swap3A, %swap3A_37] : memref<64x128xf32, #tpu.memory_space<vmem>>, vector<64x128xf32>
    tpu.vector_store %arg13[%swap3A, %swap3A_37], %add3A_36 {strides = array<i32>} : memref<64x128xf32, #tpu.memory_space<vmem>>, vector<64x128xf32>,
    %get3A_39 = arith.constant 0 : index
    %get3A_40 = arith.constant 0 : index
    %get3A_41 = vector.load %arg14[%get3A_39, %get3A_40] : memref<64x128xf32, #tpu.memory_space<vmem>>, vector<64x128xf32>
    %add3A_42 = arith.addf %get3A_41, %dot_general3A_28 : vector<64x128xf32>
    %swap3A_43 = arith.constant 0 : index
    %swap3A_44 = arith.constant 0 : index
    %swap3A_45 = vector.load %arg14[%swap3A_43, %swap3A_44] : memref<64x128xf32, #tpu.memory_space<vmem>>, vector<64x128xf32>
    tpu.vector_store %arg14[%swap3A_43, %swap3A_44], %add3A_42 {strides = array<i32>} : memref<64x128xf32, #tpu.memory_space<vmem>>, vector<64x128xf32>,
    %eq3A_46 = arith.constant 7 : i32
    %eq3A_47 = arith.cmpi eq, %arg0, %eq3A_46 : i32
    %convert_element_type3A_48 = arith.extui %eq3A_47 : i1 to i32
    %cond3A_49 = arith.constant 0 : i32
    %cond3A_50 = arith.cmpi ne, %convert_element_type3A_48, %cond3A_49 : i32
    scf.if %cond3A_50 {
      %get3A_51 = arith.constant 0 : index
      %get3A_52 = arith.constant 0 : index
      %get3A_53 = vector.load %arg13[%get3A_51, %get3A_52] : memref<64x128xf32, #tpu.memory_space<vmem>>, vector<64x128xf32>
      %get3A_54 = arith.constant 0 : index
      %get3A_55 = arith.constant 0 : index
      %get3A_56 = vector.load %arg14[%get3A_54, %get3A_55] : memref<64x128xf32, #tpu.memory_space<vmem>>, vector<64x128xf32>
      %max3A_57 = arith.constant 1.000000e+00 : f32
      %max3A_58 = vector.broadcast %max3A_57 : f32 to vector<64x128xf32>
      %max3A_59 = arith.maximumf %get3A_56, %max3A_58 : vector<64x128xf32>
      %div3A = arith.divf %get3A_53, %max3A_59 : vector<64x128xf32>
      %get3A_60 = arith.constant 0 : index
      %get3A_61 = arith.constant 0 : index
      %get3A_62 = vector.load %arg7[%get3A_60, %get3A_61] : memref<128x64xf32, #tpu.memory_space<vmem>>, vector<128x64xf32>
      %dot_general3A_63 = arith.constant dense<0.000000e+00> : vector<64x64xf32>
      %dot_general3A_64 = tpu.matmul %div3A, %get3A_62, %dot_general3A_63 {dimension_numbers = #tpu.dot_dimension_numbers<[1], [0], [0], [1], [0, 0, 1, 1], [], []>, transpose_lhs_hint = false} : vector<64x128xf32>, vector<128x64xf32>, vector<64x64xf32> -> vector<64x64xf32>
      %get3A_65 = arith.constant 0 : index
      %get3A_66 = arith.constant 0 : index
      %get3A_67 = vector.load %arg8[%get3A_65, %get3A_66] : memref<1x64xf32, #tpu.memory_space<vmem>>, vector<1x64xf32>
      %add3A_68 = vector.broadcast %get3A_67 : vector<1x64xf32> to vector<64x64xf32>
      %add3A_69 = arith.addf %dot_general3A_64, %add3A_68 : vector<64x64xf32>
      %swap3A_70 = arith.constant 0 : index
      %swap3A_71 = arith.constant 0 : index
      %swap3A_72 = vector.load %arg11[%swap3A_70, %swap3A_71] : memref<64x64xf32, #tpu.memory_space<vmem>>, vector<64x64xf32>
      tpu.vector_store %arg11[%swap3A_70, %swap3A_71], %add3A_69 {strides = array<i32>} : memref<64x64xf32, #tpu.memory_space<vmem>>, vector<64x64xf32>,
      %get3A_73 = arith.constant 0 : index
      %get3A_74 = arith.constant 0 : index
      %get3A_75 = vector.load %arg9[%get3A_73, %get3A_74] : memref<128x64xf32, #tpu.memory_space<vmem>>, vector<128x64xf32>
      %dot_general3A_76 = arith.constant dense<0.000000e+00> : vector<64x64xf32>
      %dot_general3A_77 = tpu.matmul %div3A, %get3A_75, %dot_general3A_76 {dimension_numbers = #tpu.dot_dimension_numbers<[1], [0], [0], [1], [0, 0, 1, 1], [], []>, transpose_lhs_hint = false} : vector<64x128xf32>, vector<128x64xf32>, vector<64x64xf32> -> vector<64x64xf32>
      %get3A_78 = arith.constant 0 : index
      %get3A_79 = arith.constant 0 : index
      %get3A_80 = vector.load %arg10[%get3A_78, %get3A_79] : memref<1x64xf32, #tpu.memory_space<vmem>>, vector<1x64xf32>
      %add3A_81 = vector.broadcast %get3A_80 : vector<1x64xf32> to vector<64x64xf32>
      %add3A_82 = arith.addf %dot_general3A_77, %add3A_81 : vector<64x64xf32>
      %swap3A_83 = arith.constant 0 : index
      %swap3A_84 = arith.constant 0 : index
      %swap3A_85 = vector.load %arg12[%swap3A_83, %swap3A_84] : memref<64x64xf32, #tpu.memory_space<vmem>>, vector<64x64xf32>
      tpu.vector_store %arg12[%swap3A_83, %swap3A_84], %add3A_82 {strides = array<i32>} : memref<64x64xf32, #tpu.memory_space<vmem>>, vector<64x64xf32>,
    } else {
    }
    return
  }
  func.func @transform_0(%arg0: i32) -> (i32, i32) {
    %c0_i32 = arith.constant 0 : i32
    %c0_i32_0 = arith.constant 0 : i32
    return %arg0, %c0_i32 : i32, i32
  }
  func.func @transform_1(%arg0: i32) -> (i32, i32) {
    %c0_i32 = arith.constant 0 : i32
    %c0_i32_0 = arith.constant 0 : i32
    return %arg0, %c0_i32 : i32, i32
  }
  func.func @transform_2(%arg0: i32) -> (i32, i32) {
    %c0_i32 = arith.constant 0 : i32
    %c0_i32_0 = arith.constant 0 : i32
    return %arg0, %c0_i32 : i32, i32
  }
  func.func @transform_3(%arg0: i32) -> (i32, i32) {
    %c0_i32 = arith.constant 0 : i32
    %c0_i32_0 = arith.constant 0 : i32
    return %arg0, %c0_i32 : i32, i32
  }
  func.func @transform_4(%arg0: i32) -> (i32, i32) {
    %c0_i32 = arith.constant 0 : i32
    %c0_i32_0 = arith.constant 0 : i32
    %c0_i32_1 = arith.constant 0 : i32
    return %c0_i32, %c0_i32_0 : i32, i32
  }
  func.func @transform_5(%arg0: i32) -> (i32, i32) {
    %c0_i32 = arith.constant 0 : i32
    %c0_i32_0 = arith.constant 0 : i32
    return %arg0, %c0_i32 : i32, i32
  }
  func.func @transform_6(%arg0: i32) -> (i32, i32) {
    %c0_i32 = arith.constant 0 : i32
    %c0_i32_0 = arith.constant 0 : i32
    %c0_i32_1 = arith.constant 0 : i32
    return %c0_i32, %c0_i32_0 : i32, i32
  }
  func.func @transform_7(%arg0: i32) -> (i32, i32) {
    %c0_i32 = arith.constant 0 : i32
    %c0_i32_0 = arith.constant 0 : i32
    %c0_i32_1 = arith.constant 0 : i32
    return %c0_i32, %c0_i32_0 : i32, i32
  }
  func.func @transform_8(%arg0: i32) -> (i32, i32) {
    %c0_i32 = arith.constant 0 : i32
    %c0_i32_0 = arith.constant 0 : i32
    %c0_i32_1 = arith.constant 0 : i32
    return %c0_i32, %c0_i32_0 : i32, i32
  }
  func.func @transform_9(%arg0: i32) -> (i32, i32) {
    %c0_i32 = arith.constant 0 : i32
    %c0_i32_0 = arith.constant 0 : i32
    %c0_i32_1 = arith.constant 0 : i32
    return %c0_i32, %c0_i32_0 : i32, i32
  }
  func.func @transform_10(%arg0: i32) -> (i32, i32) {
    %c0_i32 = arith.constant 0 : i32
    %c0_i32_0 = arith.constant 0 : i32
    %c0_i32_1 = arith.constant 0 : i32
    return %c0_i32, %c0_i32_0 : i32, i32
  }
  func.func @transform_11(%arg0: i32) -> (i32, i32) {
    %c0_i32 = arith.constant 0 : i32
    %c0_i32_0 = arith.constant 0 : i32
    %c0_i32_1 = arith.constant 0 : i32
    return %c0_i32, %c0_i32_0 : i32, i32
  }
}

</mosaic_0001>

<sc_bundles>
// kernel: kernel.11.cloned.1.call-start
scs
__scs_entry_jumppad:
0x0: {  	(pc) =	sbr.rel $0x88, $3  }
0x1: {  	(tag) =	ssettag $0x0;
	lr =	simm.s32 $0x1  }
0x2: {  	[smem:$0x3F96] =	sst lr;
	_ =	strace $0xD0000000  }
0x3: {  	_ = 	snop  }
0x4: {  	_ = 	snop  }
0x5: {  	_ = 	snop  }
0x6: {  	_ = 	snop  }
0x7: {  	_ = 	snop  }
__scs_overlays_trampoline_lowered:
0x8: {  	[smem:$0x3FA5] =	sst s0  }
0x9: {  	[smem:$0x3FA6] =	sst s1  }
0xa: {  	[smem:$0x3FA7] =	sst s2  }
0xb: {  	[smem:$0x3FA8] =	sst s3  }
0xc: {  	[smem:$0x3FA9] =	sst s4  }
0xd: {  	[smem:$0x3FAA] =	sst s5  }
0xe: {  	[smem:$0x3FAB] =	sst s6  }
0xf: {  	[smem:$0x3FAC] =	sst s7  }
0x10: {  	[smem:$0x3FAD] =	sst s8  }
0x11: {  	[smem:$0x3FAE] =	sst s9;
	s0 =	simm.s32 @!p0 $0x0  }
0x12: {  	s1 =	sld [smem:$0x3F94];
	s0 =	simm.s32 @p0 $0x1  }
0x13: {  	[smem:$0x3FAF] =	sst s0;
	s0 =	simm.s32 @!p1 $0x0  }
0x14: {  	s2 =	sld [smem:$0x3F93];
	s0 =	simm.s32 @p1 $0x1  }
0x15: {  	[smem:$0x3FB0] =	sst s0;
	s0 =	simm.s32 @!p2 $0x0  }
0x16: {  	s3 =	sld [smem:$0x3FDB];
	s0 =	simm.s32 @p2 $0x1  }
0x17: {  	s4 =	simm.s32 $0x1BF5;
	[smem:$0x3FB2] =	sst s0  }
0x18: {  	s0 =	sld [smem:$0x3F95];
	_ =	swait.ge [sflag:s4], $0x0  }
0x19: {  	s7 =	sld [smem:$0x3F96]  }
0x1a: {  	s8 =	sadd.s32 $0xFFFFE003, lr  }
0x1b: {  	s9 =	sadd.s32 $0xFFFFFEF7, lr;
	s5 =	simm.s32 $0xFFFFFFFF;
	p2 =	slt.u32 s8, $0xFFFFF086  }
0x1c: {  	p1 =	slt.u32 s9, $0xF7A;
	s5 =	simm.s32 @!p2 $0x0  }
0x1d: {  	s5 =	simm.s32 @p1 $0x1;
	p0 =	seq.s32 s7, s2  }
0x1e: {  	s7 =	smul.u32 @!p0 $0xF7A, s2;
	p2 =	seq.s32 @!p0 s5, $0x0  }
0x1f: {  	s9 =	smul.u32 $0xF7A, s1;
	s8 =	simm.s32 @!p0 $0x1BF5;
	p2 =	por !p2, p0  }
0x20: {  	[sflag:s8] =	ssyncset.s32 @!p0 $0xFFFFF086;
	s6 =	sadd.s32 @!p0 s3, s7;
	s7 =	simm.s32 @!p0 $0x108  }
0x21: {  	s3 =	sadd.s32 s3, s9;
	s6 =	sadd.s32 @!p0 $0x88, s6;
	s7 =	simm.s32 @p2 $0x1082  }
0x22: {  	[simem:s7], [sflag:s8] =	dma.local @!p0 [hbm:s6], $0xF7A  }
0x23: {  	s9 =	sor.u32 $0xD0000000, s2;
	s6 =	simm.s32 $0x108;
	_ =	swait.ge @!p0 [sflag:s8], $0x0  }
0x24: {  	s3 =	sadd.s32 $0x88, s3;
	s6 =	simm.s32 @!p1 $0x1082;
	[sflag:s4] =	ssyncset.s32 $0xFFFFF086  }
0x25: {  	[simem:s6], [sflag:s4] =	dma.local [hbm:s3], $0xF7A  }
0x26: {  	[smem:$0x3F96] =	sst s1;
	(tag) =	ssettag s2;
	_ =	strace s9  }
0x27: {  	s1 =	sld [smem:$0x3FA6]  }
0x28: {  	s2 =	sld [smem:$0x3FA7]  }
0x29: {  	s4 =	sld [smem:$0x3FA9]  }
0x2a: {  	p0 =	seq.s32 s5, $0x0;
	s5 =	sld [smem:$0x3FAA]  }
0x2b: {  	s6 =	sld [smem:$0x3FAB]  }
0x2c: {  	s7 =	sld [smem:$0x3FAC]  }
0x2d: {  	s3 =	simm.s32 $0x108;
	s8 =	sld [smem:$0x3FAD]  }
0x2e: {  	s3 =	simm.s32 @!p0 $0x1082;
	s9 =	sld [smem:$0x3FAE]  }
0x2f: {  	lr =	sadd.s32 s0, s3;
	s0 =	sld [smem:$0x3FA5]  }
0x30: {  	s3 =	sld [smem:$0x3FA8]  }
0x31: {  	[smem:$0x3FB1] =	sst s10  }
0x32: {  	s10 =	sld [smem:$0x3FAF];
	_ =	sdelay $0x3  }
0x33: {  	p0 =	seq.s32 s10, $0x1;
	s10 =	sld [smem:$0x3FB1];
	_ =	sdelay $0x3  }
0x34: {  	[smem:$0x3FB1] =	sst s10  }
0x35: {  	s10 =	sld [smem:$0x3FB0];
	_ =	sdelay $0x3  }
0x36: {  	p1 =	seq.s32 s10, $0x1;
	s10 =	sld [smem:$0x3FB1];
	_ =	sdelay $0x3  }
0x37: {  	[smem:$0x3FB1] =	sst s10  }
0x38: {  	s10 =	sld [smem:$0x3FB2]  }
0x39: {  	_ = 	snop;
	(pc) =	sbr.ind lr, $3  }
0x3a: {  	_ = 	snop  }
0x3b: {  	_ = 	snop  }
0x3c: {  	p2 =	seq.s32 s10, $0x1;
	s10 =	sld [smem:$0x3FB1]  }
0x3d: {  	_ =	shalt  }
0x3e: {  	_ =	shalt  }
0x3f: {  	_ =	shalt  }
0x40: {  	_ =	shalt  }
0x41: {  	_ =	shalt  }
0x42: {  	_ =	shalt  }
0x43: {  	_ =	shalt  }
0x44: {  	_ =	shalt  }
0x45: {  	_ =	shalt  }
0x46: {  	_ =	shalt  }
0x47: {  	_ =	shalt  }
0x48: {  	_ =	shalt  }
0x49: {  	_ =	shalt  }
0x4a: {  	_ =	shalt  }
0x4b: {  	_ =	shalt  }
0x4c: {  	_ =	shalt  }
0x4d: {  	_ =	shalt  }
0x4e: {  	_ =	shalt  }
0x4f: {  	_ =	shalt  }
0x50: {  	_ =	shalt  }
0x51: {  	_ =	shalt  }
0x52: {  	_ =	shalt  }
0x53: {  	_ =	shalt  }
0x54: {  	_ =	shalt  }
0x55: {  	_ =	shalt  }
0x56: {  	_ =	shalt  }
0x57: {  	_ =	shalt  }
0x58: {  	_ =	shalt  }
0x59: {  	_ =	shalt  }
0x5a: {  	_ =	shalt  }
0x5b: {  	_ =	shalt  }
0x5c: {  	_ =	shalt  }
0x5d: {  	_ =	shalt  }
0x5e: {  	_ =	shalt  }
0x5f: {  	_ =	shalt  }
0x60: {  	_ =	shalt  }
0x61: {  	_ =	shalt  }
0x62: {  	_ =	shalt  }
0x63: {  	_ =	shalt  }
0x64: {  	_ =	shalt  }
0x65: {  	_ =	shalt  }
0x66: {  	_ =	shalt  }
0x67: {  	_ =	shalt  }
0x68: {  	_ =	shalt  }
0x69: {  	_ =	shalt  }
0x6a: {  	_ =	shalt  }
0x6b: {  	_ =	shalt  }
0x6c: {  	_ =	shalt  }
0x6d: {  	_ =	shalt  }
0x6e: {  	_ =	shalt  }
0x6f: {  	_ =	shalt  }
0x70: {  	_ =	shalt  }
0x71: {  	_ =	shalt  }
0x72: {  	_ =	shalt  }
0x73: {  	_ =	shalt  }
0x74: {  	_ =	shalt  }
0x75: {  	_ =	shalt  }
0x76: {  	_ =	shalt  }
0x77: {  	_ =	shalt  }
0x78: {  	_ =	shalt  }
0x79: {  	_ =	shalt  }
0x7a: {  	_ =	shalt  }
0x7b: {  	_ =	shalt  }
0x7c: {  	_ =	shalt  }
0x7d: {  	_ =	shalt  }
0x7e: {  	_ =	shalt  }
0x7f: {  	_ =	shalt  }
0x80: {  	_ =	shalt  }
0x81: {  	_ =	shalt  }
0x82: {  	_ =	shalt  }
0x83: {  	_ =	shalt  }
0x84: {  	_ =	shalt  }
0x85: {  	_ =	shalt  }
0x86: {  	_ =	shalt  }
0x87: {  	_ =	shalt  }
.Lfunc_end0:
.L_simem_size_0:
called_computation.1_lowered:
.L_overlay_start_0:
0x88: {  	s2 =	sld [smem:$0x3FD9]  }
0x89: {  	s3 =	sld [smem:$0x3FFE];
	_ =	sdelay $0x1  }
0x8a: {  	s1 =	srdreg.scid  }
0x8b: {  	s0 =	sand.u32 $0x1, s1  }
0x8c: {  	s16 =	sshll.u32 s0, $0xA;
	s2 =	sadd.s32 s3, s2  }
0x8d: {  	s2 =	sadd.s32 s2, s16  }
0x8e: {  	[smem:$0x3FBD] =	sst s2  }
0x8f: {  	_ = 	snop  }
0x90: {  	(tm) =	ssettm $0x1  }
0x91: {  	s17 =	sld [smem:$0x3FFB];
	_ =	sdelay $0x3  }
0x92: {  	_ =	strace s17  }
0x93: {  	s2 =	sld [smem:$0x3FFC];
	_ =	sdelay $0x3  }
0x94: {  	_ =	strace s2  }
0x95: {  	s2 =	sld [smem:$0x3FFD];
	_ =	sdelay $0x3  }
0x96: {  	_ =	strace s2  }
0x97: {  	_ =	strace $0x8FFFFFFF  }
0x98: {  	s18 =	sld [smem:$0x3FDB];
	_ =	sdelay $0x1  }
0x99: {  	s19 =	simm.s32 $_scs_section_size  }
0x9a: {  	s4 =	simm.s32 $_size__tile_overlayer_lowered;
	s5 =	simm.s32 $_tile_overlayer_lowered  }
0x9b: {  	s22 =	simm.s32 $0x1BFF;
	s21 =	sshll.u32 s5, $0x1;
	s2 =	sadd.s32 s19, s18  }
0x9c: {  	s6 =	simm.s32 $0x0;
	s20 =	sshll.u32 s4, $0x1;
	s4 =	sadd.s32 s21, s2  }
0x9d: {  	[timem:s6], [sflag:s22] =	dma.local [hbm:s4], s20  }
0x9e: {  	_ =	swait.ge [sflag:s22], s20  }
0x9f: {  	s3 =	ssub.s32 $0x0, s20;
	[sflag:s22] =	ssyncset.done $0x0  }
0xa0: {  	[sflag:s22] =	ssyncadd.s32 s3;
	_ =	sdelay $0x1  }
0xa1: {  	s23 =	simm.s32 $0x1B8B  }
0xa2: {  	_ =	swait.ge [sflag:s23], $0x1  }
0xa3: {  	[sflag:s23] =	ssyncset.done $0x0  }
0xa4: {  	s25 =	simm.s32 $0x1B8E;
	s24 =	sld [smem:$0x3FFE];
	[sflag:s23] =	ssyncadd.s32 $0xFFFFFFFF  }
0xa5: {  	s26 =	simm.s32 $execute0_lowered;
	[smem:$0x3FD2] =	sst s25  }
0xa6: {  	s4 =	sshll.u32 s26, $0x1;
	_ =	strace $0x80000049;
	[dreg:$0x1] =	wrdreg $0xFFFFFFFF  }
0xa7: {  	s28 =	simm.s32 $_size_execute0_lowered;
	s2 =	sadd.s32 s2, s4;
	[dreg:$0x0] =	wrdreg $0x0  }
0xa8: {  	s4 =	sshll.u32 s28, $0x1;
	[dreg:$0x2] =	wrdreg s2  }
0xa9: {  	[dreg:$0x3] =	wrdreg s4  }
0xaa: {  	[dreg:$0x4] =	wrdreg $0xC0  }
0xab: {  	_ =	task [dreg:s6], $0x5FFFF  }
0xac: {  	[dreg:$0x1] =	wrdreg $0xFFFFFFFF  }
0xad: {  	[dreg:$0x0] =	wrdreg $0x60  }
0xae: {  	[dreg:$0x2] =	wrdreg s24  }
0xaf: {  	[dreg:$0x3] =	wrdreg $0xA8000  }
0xb0: {  	[dreg:$0x4] =	wrdreg $0x9  }
0xb1: {  	_ =	task.clear_ibuf [dreg:s6], $0x5FFFF;
	_ =	strace $0x90000049  }
0xb2: {  	s29 =	simm.s32 $0x9;
	_ =	strace $0x8000004B  }
0xb3: {  	_ =	swait.ge [sflag:s29], $0x1  }
0xb4: {  	[sflag:s29] =	ssyncadd.s32 $0xFFFFFFFF  }
0xb5: {  	_ =	strace $0x9000004B  }
0xb6: {  	_ =	sfence  }
0xb7: {  	s30 =	sld [smem:$0x0];
	_ =	sdelay $0x2  }
0xb8: {  	s31 =	sshll.u32 s1, $0xD;
	s1 =	sshrl.u32 s1, $0x2  }
0xb9: {  	s3 =	sand.u32 $0x4000, s31;
	s1 =	sadd.s32 s1, s30  }
0xba: {  	s0 =	sor.u32 s3, s0;
	s1 =	sshll.u32 s1, $0x11  }
0xbb: {  	s0 =	sor.u32 s1, s0  }
0xbc: {  	s0 =	sadd.s32 $0x8F2B, s0  }
0xbd: {  	[sflag:s0] =	ssyncadd.remote.s32 $0x1  }
0xbe: {  	_ =	sfence.sel $0xFFFF  }
0xbf: {  	[dreg:$0x0] =	wrdreg $0xFFFFFFFF;
	(pc) =	sbr.abs _section_cstart, $3  }
0xc0: {  	[dreg:$0x1] =	wrdreg $0xFFFFFFFF  }
0xc1: {  	_ =	task.clear_ibuf [dreg:s6], $0x2FFFF;
	_ =	strace $0x9FFFFFFF  }
0xc2: {  	(tm) =	ssettm $0x7FFFFFFF  }
0xc3: {  	_ =	shalt  }
tec
execute0_lowered:
.L_overlay_start_1:
0x0: {  	(tag) =	ssettag $0x1  }
0x1: {  	s0 =	rddreg [dreg:$0x0]  }
0x2: {  	s1 =	rddreg [dreg:$0x1];
	s2 =	simm.s32 $0x0  }
0x3: {  	s3 =	srdreg.scid;
	s11 =	stileid.u32;
	s28 =	simm.s32 $0x1380  }
0x4: {  	s29 =	simm.s32 $0x2700;
	s30 =	simm.s32 $0x2780;
	s31 =	simm.s32 $0x0  }
0x5: {  	[smem:$0x7FF] =	sst s2;
	s3 =	sand.u32 $0x1, s3;
	s8 =	smul.u32 $0x278, s11  }
0x6: {  	s4 =	sadd.s32 $0x18400, s0;
	s10 =	sadd.s32 $0xE400, s0;
	s9 =	smul.u32 $0x4F000, s11  }
0x7: {  	s13 =	sadd.s32 $0x4400, s0;
	s19 =	sshll.u32 s11, $0x1;
	s25 =	smul.u32 $0x2780, s11  }
0x8: {  	_ =	strace $0x8000004A;
	s5 =	smul.u32 $0x27800, s3;
	s6 =	ssub.s32 $0x2, s3  }
0x9: {  	s3 =	sor.u32 s3, s19;
	s7 =	sshrl.u32 s6, $0x1;
	s20 =	sshrl.u32 s9, $0x2  }
0xa: {  	s15 =	sadd.s32 $0x80, s8;
	s16 =	sadd.s32 $0x100, s8;
	s3 =	smul.u32 $0x2800, s3  }
0xb: {  	s17 =	sadd.s32 $0x180, s8;
	s18 =	sadd.s32 $0x200, s8;
	s0 =	sadd.s32 s5, s0  }
0xc: {  	s14 =	ssub.s32 s6, s7;
	s5 =	sadd.s32 s20, s1;
	s21 =	sshll.u32 s15, $0x7  }
0xd: {  	s22 =	sshll.u32 s16, $0x7;
	s23 =	sshll.u32 s17, $0x7;
	s24 =	sshll.u32 s18, $0x7  }
0xe: {  	s26 =	sshll.u32 s15, $0x4;
	s15 =	simm.s32 $0x2800;
	s6 =	sadd.s32 s21, s1  }
0xf: {  	s7 =	sadd.s32 s22, s1;
	s3 =	sshrl.u32 s3, $0x3;
	s8 =	sadd.s32 s23, s1  }
0x10: {  	s9 =	sadd.s32 s24, s1;
	s0 =	sadd.s32 $0x67400, s0;
	s22 =	sshll.u32 s16, $0x4  }
0x11: {  	s23 =	sshll.u32 s17, $0x4;
	s24 =	sshll.u32 s18, $0x4;
	s14 =	smax.u32 s14, $0x1  }
0x12: {  	s16 =	simm.s32 $0x3;
	s17 =	simm.s32 $0x1400;
	s18 =	simm.s32 $0x80  }
0x13: {  	s19 =	sadd.s32 $0x280, s3;
	s12 =	sadd.s32 s10, s3;
	s3 =	sadd.s32 s13, s3  }
0x14: {  	s20 =	sadd.s32 s25, s0;
	s21 =	sadd.s32 s26, s0;
	s22 =	sadd.s32 s22, s0  }
0x15: {  	s23 =	sadd.s32 s23, s0;
	s24 =	sadd.s32 s24, s0;
	[dreg:$0x3] =	wrdreg s12  }
0x16: {  	s25 =	simm.s32 $0x6800;
	s26 =	simm.s32 $0x2;
	[dreg:$0x4] =	wrdreg s3  }
0x17: {  	v0 =	vimm.f32 $0.0e+00;
	s12 =	sadd.s32 s10, s19;
	s13 =	sadd.s32 s13, s19;
	s19 =	simm.s32 $0x1  }
.LBB2_1:
0x18: {  	s0 =	sand.u32 $0xFE00, s2  }
0x19: {  	s3 =	sand.u32 $0x70, s2;
	s10 =	sshrl.u32 s0, $0x2  }
0x1a: {  	s0 =	simm.s32 $0x40;
	s10 =	sor.u32 s3, s10;
	s3 =	simm.s32 $0x0  }
.LBB2_2:
0x1b: {  	p0 =	sne.s32 s0, $0xFFC0  }
0x1c: {  	[tilespmem:s10+$0x2800] =	vst v0;
	s3 =	sadd.s32 $0x10, s3;
	s10 =	smov.u32 s0;
	s0 =	sadd.s32 $0x40, s0  }
.Ltmp0:
0x1d: {  	(pc) =	sbr.rel @p0 .LBB2_2-.Ltmp0, $4  }
0x1e: {  	_ = 	snop  }
0x1f: {  	s10 =	sand.u32 $0xFE00, s10  }
0x20: {  	s11 =	sand.u32 $0x70, s3;
	s10 =	sshrl.u32 s10, $0x2  }
0x21: {  	s10 =	sor.u32 s11, s10  }
0x22: {  	[tilespmem:s10+$0x2800] =	vst v0  }
0x23: {  	[spmem:s5] =	stream.linear.scatter [tilespmem:s15], [sflag:$0x3], $0x4000, $0x38;
	[tilespmem:$0x1E400] =	vst v63  }
0x24: {  	_ =	swait.ge [sflag:s16], $0x4000  }
0x25: {  	[sflag:s16] =	ssyncset.done $0x0  }
0x26: {  	[sflag:s16] =	ssyncadd.s32 $0xFFFFC000  }
0x27: {  	[spmem:s6] =	stream.linear.scatter [tilespmem:s15], [sflag:$0x3], $0x4000, $0x38;
	[tilespmem:$0x1E400] =	vst v63  }
0x28: {  	_ =	swait.ge [sflag:s16], $0x4000  }
0x29: {  	[sflag:s16] =	ssyncset.done $0x0  }
0x2a: {  	[sflag:s16] =	ssyncadd.s32 $0xFFFFC000  }
0x2b: {  	[spmem:s7] =	stream.linear.scatter [tilespmem:s15], [sflag:$0x3], $0x4000, $0x38;
	[tilespmem:$0x1E400] =	vst v63  }
0x2c: {  	_ =	swait.ge [sflag:s16], $0x4000  }
0x2d: {  	[sflag:s16] =	ssyncset.done $0x0  }
0x2e: {  	[sflag:s16] =	ssyncadd.s32 $0xFFFFC000  }
0x2f: {  	[spmem:s8] =	stream.linear.scatter [tilespmem:s15], [sflag:$0x3], $0x4000, $0x38;
	[tilespmem:$0x1E400] =	vst v63  }
0x30: {  	_ =	swait.ge [sflag:s16], $0x4000  }
0x31: {  	[sflag:s16] =	ssyncset.done $0x0  }
0x32: {  	[sflag:s16] =	ssyncadd.s32 $0xFFFFC000  }
0x33: {  	[spmem:s9] =	stream.linear.scatter [tilespmem:s15], [sflag:$0x3], $0x3C00, $0x38;
	[tilespmem:$0x1E400] =	vst v63  }
0x34: {  	_ =	swait.ge [sflag:s16], $0x3C00  }
0x35: {  	[sflag:s16] =	ssyncset.done $0x0  }
0x36: {  	[sflag:s16] =	ssyncadd.s32 $0xFFFFC400  }
0x37: {  	[bflag:$0x0] =	sbarrier.arrive $0xFFFF  }
0x38: {  	s0 =	simm.s32 $0x0;
	s3 =	rddreg [dreg:$0x3]  }
0x39: {  	[tilespmem:s0], [sflag:$0x3] =	stream.linear.gather [hbm4b:s3+s0], $0x1400, $0x38;
	[tilespmem:$0x1E400] =	vst v63  }
0x3a: {  	_ =	swait.ge [sflag:s16], $0x1400  }
0x3b: {  	[sflag:s16] =	ssyncset.done $0x0  }
0x3c: {  	s10 =	rddreg [dreg:$0x4];
	[sflag:s16] =	ssyncadd.s32 $0xFFFFEC00  }
0x3d: {  	[tilespmem:s17], [sflag:$0x3] =	stream.linear.gather [hbm4b:s10+s0], $0x1400, $0x38;
	[tilespmem:$0x1E400] =	vst v63  }
0x3e: {  	_ =	swait.ge [sflag:s16], $0x1400  }
0x3f: {  	[sflag:s16] =	ssyncset.done $0x0  }
0x40: {  	[sflag:s16] =	ssyncadd.s32 $0xFFFFEC00  }
0x41: {  	[tilespmem:s15], [sflag:$0x1] =	stream.indirect.gather [hbm4b:s4+s18], $0x80, s0, s18, $0xb8;
	[tilespmem:$0x1E400] =	vst v63  }
0x42: {  	_ =	swait.ge [sflag:s19], $0x4000  }
0x43: {  	[sflag:s19] =	ssyncset.done $0x0  }
0x44: {  	s11 =	simm.s32 $0x80;
	[sflag:s19] =	ssyncadd.s32 $0xFFFFC000  }
0x45: {  	[tilespmem:s25], [sflag:$0x2] =	stream.indirect.gather [hbm4b:s4+s18], $0x80, s11, s18, $0xb8;
	[tilespmem:$0x1E400] =	vst v63  }
0x46: {  	s3 =	simm.s32 $0x1400  }
0x47: {  	[spmem:s1] =	stream.indirect.scatter.add.f32 [tilespmem:s15], [sflag:$0x3], $0x80, s3, s18, $0xb8;
	[tilespmem:$0x1E400] =	vst v63  }
0x48: {  	_ =	swait.ge [sflag:s16], $0x4000  }
0x49: {  	[sflag:s16] =	ssyncset.done $0x0  }
0x4a: {  	[sflag:s16] =	ssyncadd.s32 $0xFFFFC000  }
0x4b: {  	_ =	swait.ge [sflag:s26], $0x4000  }
0x4c: {  	[sflag:s26] =	ssyncset.done $0x0  }
0x4d: {  	s10 =	simm.s32 $0x100;
	[sflag:s26] =	ssyncadd.s32 $0xFFFFC000  }
0x4e: {  	[tilespmem:s15], [sflag:$0x1] =	stream.indirect.gather [hbm4b:s4+s18], $0x80, s10, s18, $0xb8;
	[tilespmem:$0x1E400] =	vst v63  }
0x4f: {  	s11 =	simm.s32 $0x1480  }
0x50: {  	[spmem:s1] =	stream.indirect.scatter.add.f32 [tilespmem:s25], [sflag:$0x3], $0x80, s11, s18, $0xb8;
	[tilespmem:$0x1E400] =	vst v63  }
0x51: {  	_ =	swait.ge [sflag:s16], $0x4000  }
0x52: {  	s0 =	simm.s32 $0x400;
	[sflag:s16] =	ssyncset.done $0x0  }
.LBB2_4:
0x53: {  	p0 =	sne.s32 s0, $0x4800  }
0x54: {  	[sflag:s16] =	ssyncadd.s32 $0xFFFFC000;
	s3 =	smov.u32 s0;
	s0 =	sadd.s32 $0x400, s0  }
0x55: {  	_ = 	snop  }
0x56: {  	_ =	swait.ge [sflag:s19], $0x4000  }
0x57: {  	s3 =	sshra.s32 s3, $0x2;
	[sflag:s19] =	ssyncset.done $0x0  }
0x58: {  	s10 =	sadd.s32 $0x80, s3;
	[sflag:s19] =	ssyncadd.s32 $0xFFFFC000  }
0x59: {  	[tilespmem:s25], [sflag:$0x2] =	stream.indirect.gather [hbm4b:s4+s18], $0x80, s10, s18, $0xb8;
	[tilespmem:$0x1E400] =	vst v63  }
0x5a: {  	s10 =	sadd.s32 $0x1400, s3  }
0x5b: {  	[spmem:s1] =	stream.indirect.scatter.add.f32 [tilespmem:s15], [sflag:$0x3], $0x80, s10, s18, $0xb8;
	[tilespmem:$0x1E400] =	vst v63  }
0x5c: {  	_ =	swait.ge [sflag:s16], $0x4000  }
0x5d: {  	[sflag:s16] =	ssyncset.done $0x0  }
0x5e: {  	[sflag:s16] =	ssyncadd.s32 $0xFFFFC000  }
0x5f: {  	_ =	swait.ge [sflag:s26], $0x4000  }
0x60: {  	[sflag:s26] =	ssyncset.done $0x0  }
0x61: {  	s10 =	sadd.s32 $0x100, s3;
	[sflag:s26] =	ssyncadd.s32 $0xFFFFC000  }
0x62: {  	[tilespmem:s15], [sflag:$0x1] =	stream.indirect.gather [hbm4b:s4+s18], $0x80, s10, s18, $0xb8;
	[tilespmem:$0x1E400] =	vst v63  }
.Ltmp1:
0x63: {  	_ = 	snop;
	(pc) =	sbr.rel @p0 .LBB2_4-.Ltmp1, $4  }
0x64: {  	s3 =	sadd.s32 $0x1480, s3  }
0x65: {  	[spmem:s1] =	stream.indirect.scatter.add.f32 [tilespmem:s25], [sflag:$0x3], $0x80, s3, s18, $0xb8;
	[tilespmem:$0x1E400] =	vst v63  }
0x66: {  	_ =	swait.ge [sflag:s16], $0x4000  }
0x67: {  	[sflag:s16] =	ssyncset.done $0x0  }
0x68: {  	[sflag:s16] =	ssyncadd.s32 $0xFFFFC000  }
0x69: {  	_ =	swait.ge [sflag:s19], $0x4000  }
0x6a: {  	[sflag:s19] =	ssyncset.done $0x0  }
0x6b: {  	[sflag:s19] =	ssyncadd.s32 $0xFFFFC000  }
0x6c: {  	[tilespmem:s25], [sflag:$0x2] =	stream.indirect.gather [hbm4b:s4+s18], $0x80, s28, s18, $0xb8;
	[tilespmem:$0x1E400] =	vst v63  }
0x6d: {  	_ = 	snop  }
0x6e: {  	[spmem:s1] =	stream.indirect.scatter.add.f32 [tilespmem:s15], [sflag:$0x3], $0x80, s29, s18, $0xb8;
	[tilespmem:$0x1E400] =	vst v63  }
0x6f: {  	_ =	swait.ge [sflag:s16], $0x4000  }
0x70: {  	[sflag:s16] =	ssyncset.done $0x0  }
0x71: {  	[sflag:s16] =	ssyncadd.s32 $0xFFFFC000  }
0x72: {  	_ =	swait.ge [sflag:s26], $0x4000  }
0x73: {  	[sflag:s26] =	ssyncset.done $0x0  }
0x74: {  	[sflag:s26] =	ssyncadd.s32 $0xFFFFC000  }
0x75: {  	[spmem:s1] =	stream.indirect.scatter.add.f32 [tilespmem:s25], [sflag:$0x3], $0x80, s30, s18, $0xb8;
	[tilespmem:$0x1E400] =	vst v63  }
0x76: {  	_ =	swait.ge [sflag:s16], $0x4000  }
0x77: {  	[sflag:s16] =	ssyncset.done $0x0  }
0x78: {  	s0 =	simm.s32 $0x0;
	[sflag:s16] =	ssyncadd.s32 $0xFFFFC000  }
0x79: {  	[tilespmem:s0], [sflag:$0x3] =	stream.linear.gather [hbm4b:s12+s0], $0x1400, $0x38;
	[tilespmem:$0x1E400] =	vst v63  }
0x7a: {  	_ =	swait.ge [sflag:s16], $0x1400  }
0x7b: {  	[sflag:s16] =	ssyncset.done $0x0  }
0x7c: {  	[sflag:s16] =	ssyncadd.s32 $0xFFFFEC00  }
0x7d: {  	[tilespmem:s17], [sflag:$0x3] =	stream.linear.gather [hbm4b:s13+s0], $0x1400, $0x38;
	[tilespmem:$0x1E400] =	vst v63  }
0x7e: {  	_ =	swait.ge [sflag:s16], $0x1400  }
0x7f: {  	[sflag:s16] =	ssyncset.done $0x0  }
0x80: {  	[sflag:s16] =	ssyncadd.s32 $0xFFFFEC00  }
0x81: {  	[tilespmem:s15], [sflag:$0x1] =	stream.indirect.gather [hbm4b:s4+s18], $0x80, s0, s18, $0xb8;
	[tilespmem:$0x1E400] =	vst v63  }
0x82: {  	_ =	swait.ge [sflag:s19], $0x4000  }
0x83: {  	[sflag:s19] =	ssyncset.done $0x0  }
0x84: {  	s11 =	simm.s32 $0x80;
	[sflag:s19] =	ssyncadd.s32 $0xFFFFC000  }
0x85: {  	[tilespmem:s25], [sflag:$0x2] =	stream.indirect.gather [hbm4b:s4+s18], $0x80, s11, s18, $0xb8;
	[tilespmem:$0x1E400] =	vst v63  }
0x86: {  	s3 =	simm.s32 $0x1400  }
0x87: {  	[spmem:s1] =	stream.indirect.scatter.add.f32 [tilespmem:s15], [sflag:$0x3], $0x80, s3, s18, $0xb8;
	[tilespmem:$0x1E400] =	vst v63  }
0x88: {  	_ =	swait.ge [sflag:s16], $0x4000  }
0x89: {  	[sflag:s16] =	ssyncset.done $0x0  }
0x8a: {  	[sflag:s16] =	ssyncadd.s32 $0xFFFFC000  }
0x8b: {  	_ =	swait.ge [sflag:s26], $0x4000  }
0x8c: {  	[sflag:s26] =	ssyncset.done $0x0  }
0x8d: {  	s10 =	simm.s32 $0x100;
	[sflag:s26] =	ssyncadd.s32 $0xFFFFC000  }
0x8e: {  	[tilespmem:s15], [sflag:$0x1] =	stream.indirect.gather [hbm4b:s4+s18], $0x80, s10, s18, $0xb8;
	[tilespmem:$0x1E400] =	vst v63  }
0x8f: {  	s11 =	simm.s32 $0x1480  }
0x90: {  	[spmem:s1] =	stream.indirect.scatter.add.f32 [tilespmem:s25], [sflag:$0x3], $0x80, s11, s18, $0xb8;
	[tilespmem:$0x1E400] =	vst v63  }
0x91: {  	_ =	swait.ge [sflag:s16], $0x4000  }
0x92: {  	s0 =	simm.s32 $0x400;
	[sflag:s16] =	ssyncset.done $0x0  }
.LBB2_6:
0x93: {  	p0 =	sne.s32 s0, $0x4800  }
0x94: {  	[sflag:s16] =	ssyncadd.s32 $0xFFFFC000;
	s3 =	smov.u32 s0;
	s0 =	sadd.s32 $0x400, s0  }
0x95: {  	_ = 	snop  }
0x96: {  	_ =	swait.ge [sflag:s19], $0x4000  }
0x97: {  	s3 =	sshra.s32 s3, $0x2;
	[sflag:s19] =	ssyncset.done $0x0  }
0x98: {  	s10 =	sadd.s32 $0x80, s3;
	[sflag:s19] =	ssyncadd.s32 $0xFFFFC000  }
0x99: {  	[tilespmem:s25], [sflag:$0x2] =	stream.indirect.gather [hbm4b:s4+s18], $0x80, s10, s18, $0xb8;
	[tilespmem:$0x1E400] =	vst v63  }
0x9a: {  	s10 =	sadd.s32 $0x1400, s3  }
0x9b: {  	[spmem:s1] =	stream.indirect.scatter.add.f32 [tilespmem:s15], [sflag:$0x3], $0x80, s10, s18, $0xb8;
	[tilespmem:$0x1E400] =	vst v63  }
0x9c: {  	_ =	swait.ge [sflag:s16], $0x4000  }
0x9d: {  	[sflag:s16] =	ssyncset.done $0x0  }
0x9e: {  	[sflag:s16] =	ssyncadd.s32 $0xFFFFC000  }
0x9f: {  	_ =	swait.ge [sflag:s26], $0x4000  }
0xa0: {  	[sflag:s26] =	ssyncset.done $0x0  }
0xa1: {  	s10 =	sadd.s32 $0x100, s3;
	[sflag:s26] =	ssyncadd.s32 $0xFFFFC000  }
0xa2: {  	[tilespmem:s15], [sflag:$0x1] =	stream.indirect.gather [hbm4b:s4+s18], $0x80, s10, s18, $0xb8;
	[tilespmem:$0x1E400] =	vst v63  }
.Ltmp2:
0xa3: {  	_ = 	snop;
	(pc) =	sbr.rel @p0 .LBB2_6-.Ltmp2, $4  }
0xa4: {  	s3 =	sadd.s32 $0x1480, s3  }
0xa5: {  	[spmem:s1] =	stream.indirect.scatter.add.f32 [tilespmem:s25], [sflag:$0x3], $0x80, s3, s18, $0xb8;
	[tilespmem:$0x1E400] =	vst v63  }
0xa6: {  	_ =	swait.ge [sflag:s16], $0x4000  }
0xa7: {  	[sflag:s16] =	ssyncset.done $0x0  }
0xa8: {  	[sflag:s16] =	ssyncadd.s32 $0xFFFFC000  }
0xa9: {  	_ =	swait.ge [sflag:s19], $0x4000  }
0xaa: {  	[sflag:s19] =	ssyncset.done $0x0  }
0xab: {  	[sflag:s19] =	ssyncadd.s32 $0xFFFFC000  }
0xac: {  	[tilespmem:s25], [sflag:$0x2] =	stream.indirect.gather [hbm4b:s4+s18], $0x80, s28, s18, $0xb8;
	[tilespmem:$0x1E400] =	vst v63  }
0xad: {  	_ = 	snop  }
0xae: {  	[spmem:s1] =	stream.indirect.scatter.add.f32 [tilespmem:s15], [sflag:$0x3], $0x80, s29, s18, $0xb8;
	[tilespmem:$0x1E400] =	vst v63  }
0xaf: {  	_ =	swait.ge [sflag:s16], $0x4000  }
0xb0: {  	[sflag:s16] =	ssyncset.done $0x0  }
0xb1: {  	[sflag:s16] =	ssyncadd.s32 $0xFFFFC000  }
0xb2: {  	_ =	swait.ge [sflag:s26], $0x4000  }
0xb3: {  	[sflag:s26] =	ssyncset.done $0x0  }
0xb4: {  	[sflag:s26] =	ssyncadd.s32 $0xFFFFC000  }
0xb5: {  	[spmem:s1] =	stream.indirect.scatter.add.f32 [tilespmem:s25], [sflag:$0x3], $0x80, s30, s18, $0xb8;
	[tilespmem:$0x1E400] =	vst v63  }
0xb6: {  	_ =	swait.ge [sflag:s16], $0x4000  }
0xb7: {  	[sflag:s16] =	ssyncset.done $0x0  }
0xb8: {  	[sflag:s16] =	ssyncadd.s32 $0xFFFFC000  }
0xb9: {  	[bflag:$0x0] =	sbarrier.arrive $0xFFFF  }
0xba: {  	[tilespmem:s15], [sflag:$0x3] =	stream.linear.gather [spmem:s5], $0x4000, $0x38;
	[tilespmem:$0x1E400] =	vst v63  }
0xbb: {  	_ =	swait.ge [sflag:s16], $0x4000  }
0xbc: {  	[sflag:s16] =	ssyncset.done $0x0  }
0xbd: {  	[sflag:s16] =	ssyncadd.s32 $0xFFFFC000  }
0xbe: {  	[hbm4b:s20+s2] =	stream.linear.scatter [tilespmem:s15], [sflag:$0x3], $0x4000, $0x38;
	[tilespmem:$0x1E400] =	vst v63  }
0xbf: {  	_ =	swait.ge [sflag:s16], $0x4000  }
0xc0: {  	[sflag:s16] =	ssyncset.done $0x0  }
0xc1: {  	[sflag:s16] =	ssyncadd.s32 $0xFFFFC000  }
0xc2: {  	[tilespmem:s15], [sflag:$0x3] =	stream.linear.gather [spmem:s6], $0x4000, $0x38;
	[tilespmem:$0x1E400] =	vst v63  }
0xc3: {  	_ =	swait.ge [sflag:s16], $0x4000  }
0xc4: {  	[sflag:s16] =	ssyncset.done $0x0  }
0xc5: {  	[sflag:s16] =	ssyncadd.s32 $0xFFFFC000  }
0xc6: {  	[hbm4b:s21+s2] =	stream.linear.scatter [tilespmem:s15], [sflag:$0x3], $0x4000, $0x38;
	[tilespmem:$0x1E400] =	vst v63  }
0xc7: {  	_ =	swait.ge [sflag:s16], $0x4000  }
0xc8: {  	[sflag:s16] =	ssyncset.done $0x0  }
0xc9: {  	[sflag:s16] =	ssyncadd.s32 $0xFFFFC000  }
0xca: {  	[tilespmem:s15], [sflag:$0x3] =	stream.linear.gather [spmem:s7], $0x4000, $0x38;
	[tilespmem:$0x1E400] =	vst v63  }
0xcb: {  	_ =	swait.ge [sflag:s16], $0x4000  }
0xcc: {  	[sflag:s16] =	ssyncset.done $0x0  }
0xcd: {  	[sflag:s16] =	ssyncadd.s32 $0xFFFFC000  }
0xce: {  	[hbm4b:s22+s2] =	stream.linear.scatter [tilespmem:s15], [sflag:$0x3], $0x4000, $0x38;
	[tilespmem:$0x1E400] =	vst v63  }
0xcf: {  	_ =	swait.ge [sflag:s16], $0x4000  }
0xd0: {  	[sflag:s16] =	ssyncset.done $0x0  }
0xd1: {  	[sflag:s16] =	ssyncadd.s32 $0xFFFFC000  }
0xd2: {  	[tilespmem:s15], [sflag:$0x3] =	stream.linear.gather [spmem:s8], $0x4000, $0x38;
	[tilespmem:$0x1E400] =	vst v63  }
0xd3: {  	_ =	swait.ge [sflag:s16], $0x4000  }
0xd4: {  	[sflag:s16] =	ssyncset.done $0x0  }
0xd5: {  	[sflag:s16] =	ssyncadd.s32 $0xFFFFC000  }
0xd6: {  	[hbm4b:s23+s2] =	stream.linear.scatter [tilespmem:s15], [sflag:$0x3], $0x4000, $0x38;
	[tilespmem:$0x1E400] =	vst v63  }
0xd7: {  	_ =	swait.ge [sflag:s16], $0x4000  }
0xd8: {  	[sflag:s16] =	ssyncset.done $0x0  }
0xd9: {  	[sflag:s16] =	ssyncadd.s32 $0xFFFFC000  }
0xda: {  	[tilespmem:s15], [sflag:$0x3] =	stream.linear.gather [spmem:s9], $0x3C00, $0x38;
	[tilespmem:$0x1E400] =	vst v63  }
0xdb: {  	s31 =	sadd.s32 $0x1, s31;
	_ =	swait.ge [sflag:s16], $0x3C00  }
0xdc: {  	p0 =	sne.s32 s31, s14;
	[sflag:s16] =	ssyncset.done $0x0  }
.Ltmp3:
0xdd: {  	[sflag:s16] =	ssyncadd.s32 $0xFFFFC400;
	(pc) =	sbr.rel @p0 .LBB2_1-.Ltmp3, $4  }
0xde: {  	[hbm4b:s24+s2] =	stream.linear.scatter [tilespmem:s15], [sflag:$0x3], $0x3C00, $0x38;
	[tilespmem:$0x1E400] =	vst v63  }
0xdf: {  	_ =	swait.ge [sflag:s16], $0x3C00  }
0xe0: {  	[sflag:s16] =	ssyncset.done $0x0  }
0xe1: {  	[sflag:s16] =	ssyncadd.s32 $0xFFFFC400  }
0xe2: {  	_ =	sfence.sel $0x180000  }
0xe3: {  	[bflag:$0x0] =	sbarrier.arrive $0xFFFF  }
0xe4: {  	_ =	strace $0x9000004A  }
0xe5: {  	s0 =	stileid.u32;
	[bflag:$0x2] =	sbarrier.arrive $0xFFFF  }
0xe6: {  	p0 =	sne.s32 s0, $0x0;
	s0 =	rddreg [dreg:$0x2]  }
0xe7: {  	s0 =	sadd.s32 @!p0 $0x100000, s0  }
0xe8: {  	[sflag:s0] =	ssyncadd.tile.s32 @!p0 $0x1;
	_ =	shalt  }
.Lfunc_end2:
_tile_overlayer_lowered:
.L_overlay_start_2:
0xe9: {  	(tag) =	ssettag $0x2  }
0xea: {  	s0 =	rddreg [dreg:$0x0];
	s2 =	stileid.u32  }
0xeb: {  	s1 =	rddreg [dreg:$0x1];
	p0 =	sne.s32 s2, $0x0  }
0xec: {  	s3 =	rddreg [dreg:$0x2];
	[bflag:$0x3] =	sbarrier.arrive $0xFFFF;
	s2 =	simm.s32 @!p0 $0x1C03  }
0xed: {  	[timem:s3], [sflag:s2] =	dma.local @!p0 [hbm:s0], s1  }
0xee: {  	s0 =	simm.s32 @!p0 $0x3  }
0xef: {  	_ =	swait.ge @!p0 [sflag:s0], s1  }
0xf0: {  	s1 =	ssub.s32 @!p0 $0x0, s1;
	[sflag:s0] =	ssyncset.done @!p0 $0x0  }
0xf1: {  	[sflag:s0] =	ssyncadd.s32 @!p0 s1  }
0xf2: {  	[bflag:$0x3] =	sbarrier.arrive $0xFFFF  }
0xf3: {  	_ =	shalt  }

// kernel: kernel.14.cloned.1.call-start
scs
__scs_entry_jumppad:
0x0: {  	(pc) =	sbr.rel $0x88, $3  }
0x1: {  	(tag) =	ssettag $0x0;
	lr =	simm.s32 $0x1  }
0x2: {  	[smem:$0x3F96] =	sst lr;
	_ =	strace $0xD0000000  }
0x3: {  	_ = 	snop  }
0x4: {  	_ = 	snop  }
0x5: {  	_ = 	snop  }
0x6: {  	_ = 	snop  }
0x7: {  	_ = 	snop  }
__scs_overlays_trampoline_lowered:
0x8: {  	[smem:$0x3FA5] =	sst s0  }
0x9: {  	[smem:$0x3FA6] =	sst s1  }
0xa: {  	[smem:$0x3FA7] =	sst s2  }
0xb: {  	[smem:$0x3FA8] =	sst s3  }
0xc: {  	[smem:$0x3FA9] =	sst s4  }
0xd: {  	[smem:$0x3FAA] =	sst s5  }
0xe: {  	[smem:$0x3FAB] =	sst s6  }
0xf: {  	[smem:$0x3FAC] =	sst s7  }
0x10: {  	[smem:$0x3FAD] =	sst s8  }
0x11: {  	[smem:$0x3FAE] =	sst s9;
	s0 =	simm.s32 @!p0 $0x0  }
0x12: {  	s1 =	sld [smem:$0x3F94];
	s0 =	simm.s32 @p0 $0x1  }
0x13: {  	[smem:$0x3FAF] =	sst s0;
	s0 =	simm.s32 @!p1 $0x0  }
0x14: {  	s2 =	sld [smem:$0x3F93];
	s0 =	simm.s32 @p1 $0x1  }
0x15: {  	[smem:$0x3FB0] =	sst s0;
	s0 =	simm.s32 @!p2 $0x0  }
0x16: {  	s3 =	sld [smem:$0x3FDB];
	s0 =	simm.s32 @p2 $0x1  }
0x17: {  	s4 =	simm.s32 $0x1BF5;
	[smem:$0x3FB2] =	sst s0  }
0x18: {  	s0 =	sld [smem:$0x3F95];
	_ =	swait.ge [sflag:s4], $0x0  }
0x19: {  	s7 =	sld [smem:$0x3F96]  }
0x1a: {  	s8 =	sadd.s32 $0xFFFFE003, lr  }
0x1b: {  	s9 =	sadd.s32 $0xFFFFFEF7, lr;
	s5 =	simm.s32 $0xFFFFFFFF;
	p2 =	slt.u32 s8, $0xFFFFF086  }
0x1c: {  	p1 =	slt.u32 s9, $0xF7A;
	s5 =	simm.s32 @!p2 $0x0  }
0x1d: {  	s5 =	simm.s32 @p1 $0x1;
	p0 =	seq.s32 s7, s2  }
0x1e: {  	s7 =	smul.u32 @!p0 $0xF7A, s2;
	p2 =	seq.s32 @!p0 s5, $0x0  }
0x1f: {  	s9 =	smul.u32 $0xF7A, s1;
	s8 =	simm.s32 @!p0 $0x1BF5;
	p2 =	por !p2, p0  }
0x20: {  	[sflag:s8] =	ssyncset.s32 @!p0 $0xFFFFF086;
	s6 =	sadd.s32 @!p0 s3, s7;
	s7 =	simm.s32 @!p0 $0x108  }
0x21: {  	s3 =	sadd.s32 s3, s9;
	s6 =	sadd.s32 @!p0 $0x88, s6;
	s7 =	simm.s32 @p2 $0x1082  }
0x22: {  	[simem:s7], [sflag:s8] =	dma.local @!p0 [hbm:s6], $0xF7A  }
0x23: {  	s9 =	sor.u32 $0xD0000000, s2;
	s6 =	simm.s32 $0x108;
	_ =	swait.ge @!p0 [sflag:s8], $0x0  }
0x24: {  	s3 =	sadd.s32 $0x88, s3;
	s6 =	simm.s32 @!p1 $0x1082;
	[sflag:s4] =	ssyncset.s32 $0xFFFFF086  }
0x25: {  	[simem:s6], [sflag:s4] =	dma.local [hbm:s3], $0xF7A  }
0x26: {  	[smem:$0x3F96] =	sst s1;
	(tag) =	ssettag s2;
	_ =	strace s9  }
0x27: {  	s1 =	sld [smem:$0x3FA6]  }
0x28: {  	s2 =	sld [smem:$0x3FA7]  }
0x29: {  	s4 =	sld [smem:$0x3FA9]  }
0x2a: {  	p0 =	seq.s32 s5, $0x0;
	s5 =	sld [smem:$0x3FAA]  }
0x2b: {  	s6 =	sld [smem:$0x3FAB]  }
0x2c: {  	s7 =	sld [smem:$0x3FAC]  }
0x2d: {  	s3 =	simm.s32 $0x108;
	s8 =	sld [smem:$0x3FAD]  }
0x2e: {  	s3 =	simm.s32 @!p0 $0x1082;
	s9 =	sld [smem:$0x3FAE]  }
0x2f: {  	lr =	sadd.s32 s0, s3;
	s0 =	sld [smem:$0x3FA5]  }
0x30: {  	s3 =	sld [smem:$0x3FA8]  }
0x31: {  	[smem:$0x3FB1] =	sst s10  }
0x32: {  	s10 =	sld [smem:$0x3FAF];
	_ =	sdelay $0x3  }
0x33: {  	p0 =	seq.s32 s10, $0x1;
	s10 =	sld [smem:$0x3FB1];
	_ =	sdelay $0x3  }
0x34: {  	[smem:$0x3FB1] =	sst s10  }
0x35: {  	s10 =	sld [smem:$0x3FB0];
	_ =	sdelay $0x3  }
0x36: {  	p1 =	seq.s32 s10, $0x1;
	s10 =	sld [smem:$0x3FB1];
	_ =	sdelay $0x3  }
0x37: {  	[smem:$0x3FB1] =	sst s10  }
0x38: {  	s10 =	sld [smem:$0x3FB2]  }
0x39: {  	_ = 	snop;
	(pc) =	sbr.ind lr, $3  }
0x3a: {  	_ = 	snop  }
0x3b: {  	_ = 	snop  }
0x3c: {  	p2 =	seq.s32 s10, $0x1;
	s10 =	sld [smem:$0x3FB1]  }
0x3d: {  	_ =	shalt  }
0x3e: {  	_ =	shalt  }
0x3f: {  	_ =	shalt  }
0x40: {  	_ =	shalt  }
0x41: {  	_ =	shalt  }
0x42: {  	_ =	shalt  }
0x43: {  	_ =	shalt  }
0x44: {  	_ =	shalt  }
0x45: {  	_ =	shalt  }
0x46: {  	_ =	shalt  }
0x47: {  	_ =	shalt  }
0x48: {  	_ =	shalt  }
0x49: {  	_ =	shalt  }
0x4a: {  	_ =	shalt  }
0x4b: {  	_ =	shalt  }
0x4c: {  	_ =	shalt  }
0x4d: {  	_ =	shalt  }
0x4e: {  	_ =	shalt  }
0x4f: {  	_ =	shalt  }
0x50: {  	_ =	shalt  }
0x51: {  	_ =	shalt  }
0x52: {  	_ =	shalt  }
0x53: {  	_ =	shalt  }
0x54: {  	_ =	shalt  }
0x55: {  	_ =	shalt  }
0x56: {  	_ =	shalt  }
0x57: {  	_ =	shalt  }
0x58: {  	_ =	shalt  }
0x59: {  	_ =	shalt  }
0x5a: {  	_ =	shalt  }
0x5b: {  	_ =	shalt  }
0x5c: {  	_ =	shalt  }
0x5d: {  	_ =	shalt  }
0x5e: {  	_ =	shalt  }
0x5f: {  	_ =	shalt  }
0x60: {  	_ =	shalt  }
0x61: {  	_ =	shalt  }
0x62: {  	_ =	shalt  }
0x63: {  	_ =	shalt  }
0x64: {  	_ =	shalt  }
0x65: {  	_ =	shalt  }
0x66: {  	_ =	shalt  }
0x67: {  	_ =	shalt  }
0x68: {  	_ =	shalt  }
0x69: {  	_ =	shalt  }
0x6a: {  	_ =	shalt  }
0x6b: {  	_ =	shalt  }
0x6c: {  	_ =	shalt  }
0x6d: {  	_ =	shalt  }
0x6e: {  	_ =	shalt  }
0x6f: {  	_ =	shalt  }
0x70: {  	_ =	shalt  }
0x71: {  	_ =	shalt  }
0x72: {  	_ =	shalt  }
0x73: {  	_ =	shalt  }
0x74: {  	_ =	shalt  }
0x75: {  	_ =	shalt  }
0x76: {  	_ =	shalt  }
0x77: {  	_ =	shalt  }
0x78: {  	_ =	shalt  }
0x79: {  	_ =	shalt  }
0x7a: {  	_ =	shalt  }
0x7b: {  	_ =	shalt  }
0x7c: {  	_ =	shalt  }
0x7d: {  	_ =	shalt  }
0x7e: {  	_ =	shalt  }
0x7f: {  	_ =	shalt  }
0x80: {  	_ =	shalt  }
0x81: {  	_ =	shalt  }
0x82: {  	_ =	shalt  }
0x83: {  	_ =	shalt  }
0x84: {  	_ =	shalt  }
0x85: {  	_ =	shalt  }
0x86: {  	_ =	shalt  }
0x87: {  	_ =	shalt  }
.Lfunc_end0:
.L_simem_size_0:
called_computation.2_lowered:
.L_overlay_start_0:
0x88: {  	s2 =	sld [smem:$0x3FD9]  }
0x89: {  	s3 =	sld [smem:$0x3FFE];
	_ =	sdelay $0x1  }
0x8a: {  	s1 =	srdreg.scid  }
0x8b: {  	s0 =	sand.u32 $0x1, s1  }
0x8c: {  	s16 =	sshll.u32 s0, $0xA;
	s2 =	sadd.s32 s3, s2  }
0x8d: {  	s2 =	sadd.s32 s2, s16  }
0x8e: {  	[smem:$0x3FBD] =	sst s2  }
0x8f: {  	_ = 	snop  }
0x90: {  	(tm) =	ssettm $0x1  }
0x91: {  	s17 =	sld [smem:$0x3FFB];
	_ =	sdelay $0x3  }
0x92: {  	_ =	strace s17  }
0x93: {  	s2 =	sld [smem:$0x3FFC];
	_ =	sdelay $0x3  }
0x94: {  	_ =	strace s2  }
0x95: {  	s2 =	sld [smem:$0x3FFD];
	_ =	sdelay $0x3  }
0x96: {  	_ =	strace s2  }
0x97: {  	_ =	strace $0x8FFFFFFF  }
0x98: {  	s18 =	sld [smem:$0x3FDB];
	_ =	sdelay $0x1  }
0x99: {  	s19 =	simm.s32 $_scs_section_size  }
0x9a: {  	s4 =	simm.s32 $_size__tile_overlayer_lowered;
	s5 =	simm.s32 $_tile_overlayer_lowered  }
0x9b: {  	s22 =	simm.s32 $0x1BFF;
	s21 =	sshll.u32 s5, $0x1;
	s2 =	sadd.s32 s19, s18  }
0x9c: {  	s6 =	simm.s32 $0x0;
	s20 =	sshll.u32 s4, $0x1;
	s4 =	sadd.s32 s21, s2  }
0x9d: {  	[timem:s6], [sflag:s22] =	dma.local [hbm:s4], s20  }
0x9e: {  	_ =	swait.ge [sflag:s22], s20  }
0x9f: {  	s3 =	ssub.s32 $0x0, s20;
	[sflag:s22] =	ssyncset.done $0x0  }
0xa0: {  	[sflag:s22] =	ssyncadd.s32 s3;
	_ =	sdelay $0x1  }
0xa1: {  	s23 =	simm.s32 $0x1B8B  }
0xa2: {  	_ =	swait.ge [sflag:s23], $0x1  }
0xa3: {  	[sflag:s23] =	ssyncset.done $0x0  }
0xa4: {  	s25 =	simm.s32 $0x1B8E;
	s24 =	sld [smem:$0x3FFE];
	[sflag:s23] =	ssyncadd.s32 $0xFFFFFFFF  }
0xa5: {  	s26 =	simm.s32 $execute0_lowered;
	[smem:$0x3FD2] =	sst s25  }
0xa6: {  	s4 =	sshll.u32 s26, $0x1;
	_ =	strace $0x8000004C;
	[dreg:$0x1] =	wrdreg $0xFFFFFFFF  }
0xa7: {  	s28 =	simm.s32 $_size_execute0_lowered;
	s2 =	sadd.s32 s2, s4;
	[dreg:$0x0] =	wrdreg $0x0  }
0xa8: {  	s4 =	sshll.u32 s28, $0x1;
	[dreg:$0x2] =	wrdreg s2  }
0xa9: {  	[dreg:$0x3] =	wrdreg s4  }
0xaa: {  	[dreg:$0x4] =	wrdreg $0xC0  }
0xab: {  	_ =	task [dreg:s6], $0x5FFFF  }
0xac: {  	[dreg:$0x1] =	wrdreg $0xFFFFFFFF  }
0xad: {  	[dreg:$0x0] =	wrdreg $0x60  }
0xae: {  	[dreg:$0x2] =	wrdreg s24  }
0xaf: {  	[dreg:$0x3] =	wrdreg $0xA8000  }
0xb0: {  	[dreg:$0x4] =	wrdreg $0x9  }
0xb1: {  	_ =	task.clear_ibuf [dreg:s6], $0x5FFFF;
	_ =	strace $0x9000004C  }
0xb2: {  	s29 =	simm.s32 $0x9;
	_ =	strace $0x8000004E  }
0xb3: {  	_ =	swait.ge [sflag:s29], $0x1  }
0xb4: {  	[sflag:s29] =	ssyncadd.s32 $0xFFFFFFFF  }
0xb5: {  	_ =	strace $0x9000004E  }
0xb6: {  	_ =	sfence  }
0xb7: {  	s30 =	sld [smem:$0x0];
	_ =	sdelay $0x2  }
0xb8: {  	s31 =	sshll.u32 s1, $0xD;
	s1 =	sshrl.u32 s1, $0x2  }
0xb9: {  	s3 =	sand.u32 $0x4000, s31;
	s1 =	sadd.s32 s1, s30  }
0xba: {  	s0 =	sor.u32 s3, s0;
	s1 =	sshll.u32 s1, $0x11  }
0xbb: {  	s0 =	sor.u32 s1, s0  }
0xbc: {  	s0 =	sadd.s32 $0x8F2B, s0  }
0xbd: {  	[sflag:s0] =	ssyncadd.remote.s32 $0x1  }
0xbe: {  	_ =	sfence.sel $0xFFFF  }
0xbf: {  	[dreg:$0x0] =	wrdreg $0xFFFFFFFF;
	(pc) =	sbr.abs _section_cstart, $3  }
0xc0: {  	[dreg:$0x1] =	wrdreg $0xFFFFFFFF  }
0xc1: {  	_ =	task.clear_ibuf [dreg:s6], $0x2FFFF;
	_ =	strace $0x9FFFFFFF  }
0xc2: {  	(tm) =	ssettm $0x7FFFFFFF  }
0xc3: {  	_ =	shalt  }
tec
execute0_lowered:
.L_overlay_start_1:
0x0: {  	(tag) =	ssettag $0x1  }
0x1: {  	s0 =	rddreg [dreg:$0x0]  }
0x2: {  	s1 =	rddreg [dreg:$0x1];
	s2 =	simm.s32 $0x0  }
0x3: {  	s3 =	srdreg.scid;
	s11 =	stileid.u32;
	s28 =	simm.s32 $0x1380  }
0x4: {  	s29 =	simm.s32 $0x2700;
	s30 =	simm.s32 $0x2780;
	s31 =	simm.s32 $0x0  }
0x5: {  	[smem:$0x7FF] =	sst s2;
	s3 =	sand.u32 $0x1, s3;
	s8 =	smul.u32 $0x278, s11  }
0x6: {  	s4 =	sadd.s32 $0x18400, s0;
	s10 =	sadd.s32 $0xE400, s0;
	s9 =	smul.u32 $0x4F000, s11  }
0x7: {  	s13 =	sadd.s32 $0x4400, s0;
	s19 =	sshll.u32 s11, $0x1;
	s25 =	smul.u32 $0x2780, s11  }
0x8: {  	_ =	strace $0x8000004D;
	s5 =	smul.u32 $0x27800, s3;
	s6 =	ssub.s32 $0x2, s3  }
0x9: {  	s3 =	sor.u32 s3, s19;
	s7 =	sshrl.u32 s6, $0x1;
	s20 =	sshrl.u32 s9, $0x2  }
0xa: {  	s15 =	sadd.s32 $0x80, s8;
	s16 =	sadd.s32 $0x100, s8;
	s3 =	smul.u32 $0x2800, s3  }
0xb: {  	s17 =	sadd.s32 $0x180, s8;
	s18 =	sadd.s32 $0x200, s8;
	s0 =	sadd.s32 s5, s0  }
0xc: {  	s14 =	ssub.s32 s6, s7;
	s5 =	sadd.s32 s20, s1;
	s21 =	sshll.u32 s15, $0x7  }
0xd: {  	s22 =	sshll.u32 s16, $0x7;
	s23 =	sshll.u32 s17, $0x7;
	s24 =	sshll.u32 s18, $0x7  }
0xe: {  	s26 =	sshll.u32 s15, $0x4;
	s15 =	simm.s32 $0x2800;
	s6 =	sadd.s32 s21, s1  }
0xf: {  	s7 =	sadd.s32 s22, s1;
	s3 =	sshrl.u32 s3, $0x3;
	s8 =	sadd.s32 s23, s1  }
0x10: {  	s9 =	sadd.s32 s24, s1;
	s0 =	sadd.s32 $0x67400, s0;
	s22 =	sshll.u32 s16, $0x4  }
0x11: {  	s23 =	sshll.u32 s17, $0x4;
	s24 =	sshll.u32 s18, $0x4;
	s14 =	smax.u32 s14, $0x1  }
0x12: {  	s16 =	simm.s32 $0x3;
	s17 =	simm.s32 $0x1400;
	s18 =	simm.s32 $0x80  }
0x13: {  	s19 =	sadd.s32 $0x280, s3;
	s12 =	sadd.s32 s10, s3;
	s3 =	sadd.s32 s13, s3  }
0x14: {  	s20 =	sadd.s32 s25, s0;
	s21 =	sadd.s32 s26, s0;
	s22 =	sadd.s32 s22, s0  }
0x15: {  	s23 =	sadd.s32 s23, s0;
	s24 =	sadd.s32 s24, s0;
	[dreg:$0x3] =	wrdreg s12  }
0x16: {  	s25 =	simm.s32 $0x6800;
	s26 =	simm.s32 $0x2;
	[dreg:$0x4] =	wrdreg s3  }
0x17: {  	v0 =	vimm.f32 $0.0e+00;
	s12 =	sadd.s32 s10, s19;
	s13 =	sadd.s32 s13, s19;
	s19 =	simm.s32 $0x1  }
.LBB2_1:
0x18: {  	s0 =	sand.u32 $0xFE00, s2  }
0x19: {  	s3 =	sand.u32 $0x70, s2;
	s10 =	sshrl.u32 s0, $0x2  }
0x1a: {  	s0 =	simm.s32 $0x40;
	s10 =	sor.u32 s3, s10;
	s3 =	simm.s32 $0x0  }
.LBB2_2:
0x1b: {  	p0 =	sne.s32 s0, $0xFFC0  }
0x1c: {  	[tilespmem:s10+$0x2800] =	vst v0;
	s3 =	sadd.s32 $0x10, s3;
	s10 =	smov.u32 s0;
	s0 =	sadd.s32 $0x40, s0  }
.Ltmp0:
0x1d: {  	(pc) =	sbr.rel @p0 .LBB2_2-.Ltmp0, $4  }
0x1e: {  	_ = 	snop  }
0x1f: {  	s10 =	sand.u32 $0xFE00, s10  }
0x20: {  	s11 =	sand.u32 $0x70, s3;
	s10 =	sshrl.u32 s10, $0x2  }
0x21: {  	s10 =	sor.u32 s11, s10  }
0x22: {  	[tilespmem:s10+$0x2800] =	vst v0  }
0x23: {  	[spmem:s5] =	stream.linear.scatter [tilespmem:s15], [sflag:$0x3], $0x4000, $0x38;
	[tilespmem:$0x1E400] =	vst v63  }
0x24: {  	_ =	swait.ge [sflag:s16], $0x4000  }
0x25: {  	[sflag:s16] =	ssyncset.done $0x0  }
0x26: {  	[sflag:s16] =	ssyncadd.s32 $0xFFFFC000  }
0x27: {  	[spmem:s6] =	stream.linear.scatter [tilespmem:s15], [sflag:$0x3], $0x4000, $0x38;
	[tilespmem:$0x1E400] =	vst v63  }
0x28: {  	_ =	swait.ge [sflag:s16], $0x4000  }
0x29: {  	[sflag:s16] =	ssyncset.done $0x0  }
0x2a: {  	[sflag:s16] =	ssyncadd.s32 $0xFFFFC000  }
0x2b: {  	[spmem:s7] =	stream.linear.scatter [tilespmem:s15], [sflag:$0x3], $0x4000, $0x38;
	[tilespmem:$0x1E400] =	vst v63  }
0x2c: {  	_ =	swait.ge [sflag:s16], $0x4000  }
0x2d: {  	[sflag:s16] =	ssyncset.done $0x0  }
0x2e: {  	[sflag:s16] =	ssyncadd.s32 $0xFFFFC000  }
0x2f: {  	[spmem:s8] =	stream.linear.scatter [tilespmem:s15], [sflag:$0x3], $0x4000, $0x38;
	[tilespmem:$0x1E400] =	vst v63  }
0x30: {  	_ =	swait.ge [sflag:s16], $0x4000  }
0x31: {  	[sflag:s16] =	ssyncset.done $0x0  }
0x32: {  	[sflag:s16] =	ssyncadd.s32 $0xFFFFC000  }
0x33: {  	[spmem:s9] =	stream.linear.scatter [tilespmem:s15], [sflag:$0x3], $0x3C00, $0x38;
	[tilespmem:$0x1E400] =	vst v63  }
0x34: {  	_ =	swait.ge [sflag:s16], $0x3C00  }
0x35: {  	[sflag:s16] =	ssyncset.done $0x0  }
0x36: {  	[sflag:s16] =	ssyncadd.s32 $0xFFFFC400  }
0x37: {  	[bflag:$0x0] =	sbarrier.arrive $0xFFFF  }
0x38: {  	s0 =	simm.s32 $0x0;
	s3 =	rddreg [dreg:$0x3]  }
0x39: {  	[tilespmem:s0], [sflag:$0x3] =	stream.linear.gather [hbm4b:s3+s0], $0x1400, $0x38;
	[tilespmem:$0x1E400] =	vst v63  }
0x3a: {  	_ =	swait.ge [sflag:s16], $0x1400  }
0x3b: {  	[sflag:s16] =	ssyncset.done $0x0  }
0x3c: {  	s10 =	rddreg [dreg:$0x4];
	[sflag:s16] =	ssyncadd.s32 $0xFFFFEC00  }
0x3d: {  	[tilespmem:s17], [sflag:$0x3] =	stream.linear.gather [hbm4b:s10+s0], $0x1400, $0x38;
	[tilespmem:$0x1E400] =	vst v63  }
0x3e: {  	_ =	swait.ge [sflag:s16], $0x1400  }
0x3f: {  	[sflag:s16] =	ssyncset.done $0x0  }
0x40: {  	[sflag:s16] =	ssyncadd.s32 $0xFFFFEC00  }
0x41: {  	[tilespmem:s15], [sflag:$0x1] =	stream.indirect.gather [hbm4b:s4+s18], $0x80, s0, s18, $0xb8;
	[tilespmem:$0x1E400] =	vst v63  }
0x42: {  	_ =	swait.ge [sflag:s19], $0x4000  }
0x43: {  	[sflag:s19] =	ssyncset.done $0x0  }
0x44: {  	s11 =	simm.s32 $0x80;
	[sflag:s19] =	ssyncadd.s32 $0xFFFFC000  }
0x45: {  	[tilespmem:s25], [sflag:$0x2] =	stream.indirect.gather [hbm4b:s4+s18], $0x80, s11, s18, $0xb8;
	[tilespmem:$0x1E400] =	vst v63  }
0x46: {  	s3 =	simm.s32 $0x1400  }
0x47: {  	[spmem:s1] =	stream.indirect.scatter.add.f32 [tilespmem:s15], [sflag:$0x3], $0x80, s3, s18, $0xb8;
	[tilespmem:$0x1E400] =	vst v63  }
0x48: {  	_ =	swait.ge [sflag:s16], $0x4000  }
0x49: {  	[sflag:s16] =	ssyncset.done $0x0  }
0x4a: {  	[sflag:s16] =	ssyncadd.s32 $0xFFFFC000  }
0x4b: {  	_ =	swait.ge [sflag:s26], $0x4000  }
0x4c: {  	[sflag:s26] =	ssyncset.done $0x0  }
0x4d: {  	s10 =	simm.s32 $0x100;
	[sflag:s26] =	ssyncadd.s32 $0xFFFFC000  }
0x4e: {  	[tilespmem:s15], [sflag:$0x1] =	stream.indirect.gather [hbm4b:s4+s18], $0x80, s10, s18, $0xb8;
	[tilespmem:$0x1E400] =	vst v63  }
0x4f: {  	s11 =	simm.s32 $0x1480  }
0x50: {  	[spmem:s1] =	stream.indirect.scatter.add.f32 [tilespmem:s25], [sflag:$0x3], $0x80, s11, s18, $0xb8;
	[tilespmem:$0x1E400] =	vst v63  }
0x51: {  	_ =	swait.ge [sflag:s16], $0x4000  }
0x52: {  	s0 =	simm.s32 $0x400;
	[sflag:s16] =	ssyncset.done $0x0  }
.LBB2_4:
0x53: {  	p0 =	sne.s32 s0, $0x4800  }
0x54: {  	[sflag:s16] =	ssyncadd.s32 $0xFFFFC000;
	s3 =	smov.u32 s0;
	s0 =	sadd.s32 $0x400, s0  }
0x55: {  	_ = 	snop  }
0x56: {  	_ =	swait.ge [sflag:s19], $0x4000  }
0x57: {  	s3 =	sshra.s32 s3, $0x2;
	[sflag:s19] =	ssyncset.done $0x0  }
0x58: {  	s10 =	sadd.s32 $0x80, s3;
	[sflag:s19] =	ssyncadd.s32 $0xFFFFC000  }
0x59: {  	[tilespmem:s25], [sflag:$0x2] =	stream.indirect.gather [hbm4b:s4+s18], $0x80, s10, s18, $0xb8;
	[tilespmem:$0x1E400] =	vst v63  }
0x5a: {  	s10 =	sadd.s32 $0x1400, s3  }
0x5b: {  	[spmem:s1] =	stream.indirect.scatter.add.f32 [tilespmem:s15], [sflag:$0x3], $0x80, s10, s18, $0xb8;
	[tilespmem:$0x1E400] =	vst v63  }
0x5c: {  	_ =	swait.ge [sflag:s16], $0x4000  }
0x5d: {  	[sflag:s16] =	ssyncset.done $0x0  }
0x5e: {  	[sflag:s16] =	ssyncadd.s32 $0xFFFFC000  }
0x5f: {  	_ =	swait.ge [sflag:s26], $0x4000  }
0x60: {  	[sflag:s26] =	ssyncset.done $0x0  }
0x61: {  	s10 =	sadd.s32 $0x100, s3;
	[sflag:s26] =	ssyncadd.s32 $0xFFFFC000  }
0x62: {  	[tilespmem:s15], [sflag:$0x1] =	stream.indirect.gather [hbm4b:s4+s18], $0x80, s10, s18, $0xb8;
	[tilespmem:$0x1E400] =	vst v63  }
.Ltmp1:
0x63: {  	_ = 	snop;
	(pc) =	sbr.rel @p0 .LBB2_4-.Ltmp1, $4  }
0x64: {  	s3 =	sadd.s32 $0x1480, s3  }
0x65: {  	[spmem:s1] =	stream.indirect.scatter.add.f32 [tilespmem:s25], [sflag:$0x3], $0x80, s3, s18, $0xb8;
	[tilespmem:$0x1E400] =	vst v63  }
0x66: {  	_ =	swait.ge [sflag:s16], $0x4000  }
0x67: {  	[sflag:s16] =	ssyncset.done $0x0  }
0x68: {  	[sflag:s16] =	ssyncadd.s32 $0xFFFFC000  }
0x69: {  	_ =	swait.ge [sflag:s19], $0x4000  }
0x6a: {  	[sflag:s19] =	ssyncset.done $0x0  }
0x6b: {  	[sflag:s19] =	ssyncadd.s32 $0xFFFFC000  }
0x6c: {  	[tilespmem:s25], [sflag:$0x2] =	stream.indirect.gather [hbm4b:s4+s18], $0x80, s28, s18, $0xb8;
	[tilespmem:$0x1E400] =	vst v63  }
0x6d: {  	_ = 	snop  }
0x6e: {  	[spmem:s1] =	stream.indirect.scatter.add.f32 [tilespmem:s15], [sflag:$0x3], $0x80, s29, s18, $0xb8;
	[tilespmem:$0x1E400] =	vst v63  }
0x6f: {  	_ =	swait.ge [sflag:s16], $0x4000  }
0x70: {  	[sflag:s16] =	ssyncset.done $0x0  }
0x71: {  	[sflag:s16] =	ssyncadd.s32 $0xFFFFC000  }
0x72: {  	_ =	swait.ge [sflag:s26], $0x4000  }
0x73: {  	[sflag:s26] =	ssyncset.done $0x0  }
0x74: {  	[sflag:s26] =	ssyncadd.s32 $0xFFFFC000  }
0x75: {  	[spmem:s1] =	stream.indirect.scatter.add.f32 [tilespmem:s25], [sflag:$0x3], $0x80, s30, s18, $0xb8;
	[tilespmem:$0x1E400] =	vst v63  }
0x76: {  	_ =	swait.ge [sflag:s16], $0x4000  }
0x77: {  	[sflag:s16] =	ssyncset.done $0x0  }
0x78: {  	s0 =	simm.s32 $0x0;
	[sflag:s16] =	ssyncadd.s32 $0xFFFFC000  }
0x79: {  	[tilespmem:s0], [sflag:$0x3] =	stream.linear.gather [hbm4b:s12+s0], $0x1400, $0x38;
	[tilespmem:$0x1E400] =	vst v63  }
0x7a: {  	_ =	swait.ge [sflag:s16], $0x1400  }
0x7b: {  	[sflag:s16] =	ssyncset.done $0x0  }
0x7c: {  	[sflag:s16] =	ssyncadd.s32 $0xFFFFEC00  }
0x7d: {  	[tilespmem:s17], [sflag:$0x3] =	stream.linear.gather [hbm4b:s13+s0], $0x1400, $0x38;
	[tilespmem:$0x1E400] =	vst v63  }
0x7e: {  	_ =	swait.ge [sflag:s16], $0x1400  }
0x7f: {  	[sflag:s16] =	ssyncset.done $0x0  }
0x80: {  	[sflag:s16] =	ssyncadd.s32 $0xFFFFEC00  }
0x81: {  	[tilespmem:s15], [sflag:$0x1] =	stream.indirect.gather [hbm4b:s4+s18], $0x80, s0, s18, $0xb8;
	[tilespmem:$0x1E400] =	vst v63  }
0x82: {  	_ =	swait.ge [sflag:s19], $0x4000  }
0x83: {  	[sflag:s19] =	ssyncset.done $0x0  }
0x84: {  	s11 =	simm.s32 $0x80;
	[sflag:s19] =	ssyncadd.s32 $0xFFFFC000  }
0x85: {  	[tilespmem:s25], [sflag:$0x2] =	stream.indirect.gather [hbm4b:s4+s18], $0x80, s11, s18, $0xb8;
	[tilespmem:$0x1E400] =	vst v63  }
0x86: {  	s3 =	simm.s32 $0x1400  }
0x87: {  	[spmem:s1] =	stream.indirect.scatter.add.f32 [tilespmem:s15], [sflag:$0x3], $0x80, s3, s18, $0xb8;
	[tilespmem:$0x1E400] =	vst v63  }
0x88: {  	_ =	swait.ge [sflag:s16], $0x4000  }
0x89: {  	[sflag:s16] =	ssyncset.done $0x0  }
0x8a: {  	[sflag:s16] =	ssyncadd.s32 $0xFFFFC000  }
0x8b: {  	_ =	swait.ge [sflag:s26], $0x4000  }
0x8c: {  	[sflag:s26] =	ssyncset.done $0x0  }
0x8d: {  	s10 =	simm.s32 $0x100;
	[sflag:s26] =	ssyncadd.s32 $0xFFFFC000  }
0x8e: {  	[tilespmem:s15], [sflag:$0x1] =	stream.indirect.gather [hbm4b:s4+s18], $0x80, s10, s18, $0xb8;
	[tilespmem:$0x1E400] =	vst v63  }
0x8f: {  	s11 =	simm.s32 $0x1480  }
0x90: {  	[spmem:s1] =	stream.indirect.scatter.add.f32 [tilespmem:s25], [sflag:$0x3], $0x80, s11, s18, $0xb8;
	[tilespmem:$0x1E400] =	vst v63  }
0x91: {  	_ =	swait.ge [sflag:s16], $0x4000  }
0x92: {  	s0 =	simm.s32 $0x400;
	[sflag:s16] =	ssyncset.done $0x0  }
.LBB2_6:
0x93: {  	p0 =	sne.s32 s0, $0x4800  }
0x94: {  	[sflag:s16] =	ssyncadd.s32 $0xFFFFC000;
	s3 =	smov.u32 s0;
	s0 =	sadd.s32 $0x400, s0  }
0x95: {  	_ = 	snop  }
0x96: {  	_ =	swait.ge [sflag:s19], $0x4000  }
0x97: {  	s3 =	sshra.s32 s3, $0x2;
	[sflag:s19] =	ssyncset.done $0x0  }
0x98: {  	s10 =	sadd.s32 $0x80, s3;
	[sflag:s19] =	ssyncadd.s32 $0xFFFFC000  }
0x99: {  	[tilespmem:s25], [sflag:$0x2] =	stream.indirect.gather [hbm4b:s4+s18], $0x80, s10, s18, $0xb8;
	[tilespmem:$0x1E400] =	vst v63  }
0x9a: {  	s10 =	sadd.s32 $0x1400, s3  }
0x9b: {  	[spmem:s1] =	stream.indirect.scatter.add.f32 [tilespmem:s15], [sflag:$0x3], $0x80, s10, s18, $0xb8;
	[tilespmem:$0x1E400] =	vst v63  }
0x9c: {  	_ =	swait.ge [sflag:s16], $0x4000  }
0x9d: {  	[sflag:s16] =	ssyncset.done $0x0  }
0x9e: {  	[sflag:s16] =	ssyncadd.s32 $0xFFFFC000  }
0x9f: {  	_ =	swait.ge [sflag:s26], $0x4000  }
0xa0: {  	[sflag:s26] =	ssyncset.done $0x0  }
0xa1: {  	s10 =	sadd.s32 $0x100, s3;
	[sflag:s26] =	ssyncadd.s32 $0xFFFFC000  }
0xa2: {  	[tilespmem:s15], [sflag:$0x1] =	stream.indirect.gather [hbm4b:s4+s18], $0x80, s10, s18, $0xb8;
	[tilespmem:$0x1E400] =	vst v63  }
.Ltmp2:
0xa3: {  	_ = 	snop;
	(pc) =	sbr.rel @p0 .LBB2_6-.Ltmp2, $4  }
0xa4: {  	s3 =	sadd.s32 $0x1480, s3  }
0xa5: {  	[spmem:s1] =	stream.indirect.scatter.add.f32 [tilespmem:s25], [sflag:$0x3], $0x80, s3, s18, $0xb8;
	[tilespmem:$0x1E400] =	vst v63  }
0xa6: {  	_ =	swait.ge [sflag:s16], $0x4000  }
0xa7: {  	[sflag:s16] =	ssyncset.done $0x0  }
0xa8: {  	[sflag:s16] =	ssyncadd.s32 $0xFFFFC000  }
0xa9: {  	_ =	swait.ge [sflag:s19], $0x4000  }
0xaa: {  	[sflag:s19] =	ssyncset.done $0x0  }
0xab: {  	[sflag:s19] =	ssyncadd.s32 $0xFFFFC000  }
0xac: {  	[tilespmem:s25], [sflag:$0x2] =	stream.indirect.gather [hbm4b:s4+s18], $0x80, s28, s18, $0xb8;
	[tilespmem:$0x1E400] =	vst v63  }
0xad: {  	_ = 	snop  }
0xae: {  	[spmem:s1] =	stream.indirect.scatter.add.f32 [tilespmem:s15], [sflag:$0x3], $0x80, s29, s18, $0xb8;
	[tilespmem:$0x1E400] =	vst v63  }
0xaf: {  	_ =	swait.ge [sflag:s16], $0x4000  }
0xb0: {  	[sflag:s16] =	ssyncset.done $0x0  }
0xb1: {  	[sflag:s16] =	ssyncadd.s32 $0xFFFFC000  }
0xb2: {  	_ =	swait.ge [sflag:s26], $0x4000  }
0xb3: {  	[sflag:s26] =	ssyncset.done $0x0  }
0xb4: {  	[sflag:s26] =	ssyncadd.s32 $0xFFFFC000  }
0xb5: {  	[spmem:s1] =	stream.indirect.scatter.add.f32 [tilespmem:s25], [sflag:$0x3], $0x80, s30, s18, $0xb8;
	[tilespmem:$0x1E400] =	vst v63  }
0xb6: {  	_ =	swait.ge [sflag:s16], $0x4000  }
0xb7: {  	[sflag:s16] =	ssyncset.done $0x0  }
0xb8: {  	[sflag:s16] =	ssyncadd.s32 $0xFFFFC000  }
0xb9: {  	[bflag:$0x0] =	sbarrier.arrive $0xFFFF  }
0xba: {  	[tilespmem:s15], [sflag:$0x3] =	stream.linear.gather [spmem:s5], $0x4000, $0x38;
	[tilespmem:$0x1E400] =	vst v63  }
0xbb: {  	_ =	swait.ge [sflag:s16], $0x4000  }
0xbc: {  	[sflag:s16] =	ssyncset.done $0x0  }
0xbd: {  	[sflag:s16] =	ssyncadd.s32 $0xFFFFC000  }
0xbe: {  	[hbm4b:s20+s2] =	stream.linear.scatter [tilespmem:s15], [sflag:$0x3], $0x4000, $0x38;
	[tilespmem:$0x1E400] =	vst v63  }
0xbf: {  	_ =	swait.ge [sflag:s16], $0x4000  }
0xc0: {  	[sflag:s16] =	ssyncset.done $0x0  }
0xc1: {  	[sflag:s16] =	ssyncadd.s32 $0xFFFFC000  }
0xc2: {  	[tilespmem:s15], [sflag:$0x3] =	stream.linear.gather [spmem:s6], $0x4000, $0x38;
	[tilespmem:$0x1E400] =	vst v63  }
0xc3: {  	_ =	swait.ge [sflag:s16], $0x4000  }
0xc4: {  	[sflag:s16] =	ssyncset.done $0x0  }
0xc5: {  	[sflag:s16] =	ssyncadd.s32 $0xFFFFC000  }
0xc6: {  	[hbm4b:s21+s2] =	stream.linear.scatter [tilespmem:s15], [sflag:$0x3], $0x4000, $0x38;
	[tilespmem:$0x1E400] =	vst v63  }
0xc7: {  	_ =	swait.ge [sflag:s16], $0x4000  }
0xc8: {  	[sflag:s16] =	ssyncset.done $0x0  }
0xc9: {  	[sflag:s16] =	ssyncadd.s32 $0xFFFFC000  }
0xca: {  	[tilespmem:s15], [sflag:$0x3] =	stream.linear.gather [spmem:s7], $0x4000, $0x38;
	[tilespmem:$0x1E400] =	vst v63  }
0xcb: {  	_ =	swait.ge [sflag:s16], $0x4000  }
0xcc: {  	[sflag:s16] =	ssyncset.done $0x0  }
0xcd: {  	[sflag:s16] =	ssyncadd.s32 $0xFFFFC000  }
0xce: {  	[hbm4b:s22+s2] =	stream.linear.scatter [tilespmem:s15], [sflag:$0x3], $0x4000, $0x38;
	[tilespmem:$0x1E400] =	vst v63  }
0xcf: {  	_ =	swait.ge [sflag:s16], $0x4000  }
0xd0: {  	[sflag:s16] =	ssyncset.done $0x0  }
0xd1: {  	[sflag:s16] =	ssyncadd.s32 $0xFFFFC000  }
0xd2: {  	[tilespmem:s15], [sflag:$0x3] =	stream.linear.gather [spmem:s8], $0x4000, $0x38;
	[tilespmem:$0x1E400] =	vst v63  }
0xd3: {  	_ =	swait.ge [sflag:s16], $0x4000  }
0xd4: {  	[sflag:s16] =	ssyncset.done $0x0  }
0xd5: {  	[sflag:s16] =	ssyncadd.s32 $0xFFFFC000  }
0xd6: {  	[hbm4b:s23+s2] =	stream.linear.scatter [tilespmem:s15], [sflag:$0x3], $0x4000, $0x38;
	[tilespmem:$0x1E400] =	vst v63  }
0xd7: {  	_ =	swait.ge [sflag:s16], $0x4000  }
0xd8: {  	[sflag:s16] =	ssyncset.done $0x0  }
0xd9: {  	[sflag:s16] =	ssyncadd.s32 $0xFFFFC000  }
0xda: {  	[tilespmem:s15], [sflag:$0x3] =	stream.linear.gather [spmem:s9], $0x3C00, $0x38;
	[tilespmem:$0x1E400] =	vst v63  }
0xdb: {  	s31 =	sadd.s32 $0x1, s31;
	_ =	swait.ge [sflag:s16], $0x3C00  }
0xdc: {  	p0 =	sne.s32 s31, s14;
	[sflag:s16] =	ssyncset.done $0x0  }
.Ltmp3:
0xdd: {  	[sflag:s16] =	ssyncadd.s32 $0xFFFFC400;
	(pc) =	sbr.rel @p0 .LBB2_1-.Ltmp3, $4  }
0xde: {  	[hbm4b:s24+s2] =	stream.linear.scatter [tilespmem:s15], [sflag:$0x3], $0x3C00, $0x38;
	[tilespmem:$0x1E400] =	vst v63  }
0xdf: {  	_ =	swait.ge [sflag:s16], $0x3C00  }
0xe0: {  	[sflag:s16] =	ssyncset.done $0x0  }
0xe1: {  	[sflag:s16] =	ssyncadd.s32 $0xFFFFC400  }
0xe2: {  	_ =	sfence.sel $0x180000  }
0xe3: {  	[bflag:$0x0] =	sbarrier.arrive $0xFFFF  }
0xe4: {  	_ =	strace $0x9000004D  }
0xe5: {  	s0 =	stileid.u32;
	[bflag:$0x2] =	sbarrier.arrive $0xFFFF  }
0xe6: {  	p0 =	sne.s32 s0, $0x0;
	s0 =	rddreg [dreg:$0x2]  }
0xe7: {  	s0 =	sadd.s32 @!p0 $0x100000, s0  }
0xe8: {  	[sflag:s0] =	ssyncadd.tile.s32 @!p0 $0x1;
	_ =	shalt  }
.Lfunc_end2:
_tile_overlayer_lowered:
.L_overlay_start_2:
0xe9: {  	(tag) =	ssettag $0x2  }
0xea: {  	s0 =	rddreg [dreg:$0x0];
	s2 =	stileid.u32  }
0xeb: {  	s1 =	rddreg [dreg:$0x1];
	p0 =	sne.s32 s2, $0x0  }
0xec: {  	s3 =	rddreg [dreg:$0x2];
	[bflag:$0x3] =	sbarrier.arrive $0xFFFF;
	s2 =	simm.s32 @!p0 $0x1C03  }
0xed: {  	[timem:s3], [sflag:s2] =	dma.local @!p0 [hbm:s0], s1  }
0xee: {  	s0 =	simm.s32 @!p0 $0x3  }
0xef: {  	_ =	swait.ge @!p0 [sflag:s0], s1  }
0xf0: {  	s1 =	ssub.s32 @!p0 $0x0, s1;
	[sflag:s0] =	ssyncset.done @!p0 $0x0  }
0xf1: {  	[sflag:s0] =	ssyncadd.s32 @!p0 s1  }
0xf2: {  	[bflag:$0x3] =	sbarrier.arrive $0xFFFF  }
0xf3: {  	_ =	shalt  }

// kernel: kernel.8.cloned.1.call-start
scs
__scs_entry_jumppad:
0x0: {  	(pc) =	sbr.rel $0x88, $3  }
0x1: {  	(tag) =	ssettag $0x0;
	lr =	simm.s32 $0x1  }
0x2: {  	[smem:$0x3F96] =	sst lr;
	_ =	strace $0xD0000000  }
0x3: {  	_ = 	snop  }
0x4: {  	_ = 	snop  }
0x5: {  	_ = 	snop  }
0x6: {  	_ = 	snop  }
0x7: {  	_ = 	snop  }
__scs_overlays_trampoline_lowered:
0x8: {  	[smem:$0x3FA5] =	sst s0  }
0x9: {  	[smem:$0x3FA6] =	sst s1  }
0xa: {  	[smem:$0x3FA7] =	sst s2  }
0xb: {  	[smem:$0x3FA8] =	sst s3  }
0xc: {  	[smem:$0x3FA9] =	sst s4  }
0xd: {  	[smem:$0x3FAA] =	sst s5  }
0xe: {  	[smem:$0x3FAB] =	sst s6  }
0xf: {  	[smem:$0x3FAC] =	sst s7  }
0x10: {  	[smem:$0x3FAD] =	sst s8  }
0x11: {  	[smem:$0x3FAE] =	sst s9;
	s0 =	simm.s32 @!p0 $0x0  }
0x12: {  	s1 =	sld [smem:$0x3F94];
	s0 =	simm.s32 @p0 $0x1  }
0x13: {  	[smem:$0x3FAF] =	sst s0;
	s0 =	simm.s32 @!p1 $0x0  }
0x14: {  	s2 =	sld [smem:$0x3F93];
	s0 =	simm.s32 @p1 $0x1  }
0x15: {  	[smem:$0x3FB0] =	sst s0;
	s0 =	simm.s32 @!p2 $0x0  }
0x16: {  	s3 =	sld [smem:$0x3FDB];
	s0 =	simm.s32 @p2 $0x1  }
0x17: {  	s4 =	simm.s32 $0x1BF5;
	[smem:$0x3FB2] =	sst s0  }
0x18: {  	s0 =	sld [smem:$0x3F95];
	_ =	swait.ge [sflag:s4], $0x0  }
0x19: {  	s7 =	sld [smem:$0x3F96]  }
0x1a: {  	s8 =	sadd.s32 $0xFFFFE003, lr  }
0x1b: {  	s9 =	sadd.s32 $0xFFFFFEF7, lr;
	s5 =	simm.s32 $0xFFFFFFFF;
	p2 =	slt.u32 s8, $0xFFFFF086  }
0x1c: {  	p1 =	slt.u32 s9, $0xF7A;
	s5 =	simm.s32 @!p2 $0x0  }
0x1d: {  	s5 =	simm.s32 @p1 $0x1;
	p0 =	seq.s32 s7, s2  }
0x1e: {  	s7 =	smul.u32 @!p0 $0xF7A, s2;
	p2 =	seq.s32 @!p0 s5, $0x0  }
0x1f: {  	s9 =	smul.u32 $0xF7A, s1;
	s8 =	simm.s32 @!p0 $0x1BF5;
	p2 =	por !p2, p0  }
0x20: {  	[sflag:s8] =	ssyncset.s32 @!p0 $0xFFFFF086;
	s6 =	sadd.s32 @!p0 s3, s7;
	s7 =	simm.s32 @!p0 $0x108  }
0x21: {  	s3 =	sadd.s32 s3, s9;
	s6 =	sadd.s32 @!p0 $0x88, s6;
	s7 =	simm.s32 @p2 $0x1082  }
0x22: {  	[simem:s7], [sflag:s8] =	dma.local @!p0 [hbm:s6], $0xF7A  }
0x23: {  	s9 =	sor.u32 $0xD0000000, s2;
	s6 =	simm.s32 $0x108;
	_ =	swait.ge @!p0 [sflag:s8], $0x0  }
0x24: {  	s3 =	sadd.s32 $0x88, s3;
	s6 =	simm.s32 @!p1 $0x1082;
	[sflag:s4] =	ssyncset.s32 $0xFFFFF086  }
0x25: {  	[simem:s6], [sflag:s4] =	dma.local [hbm:s3], $0xF7A  }
0x26: {  	[smem:$0x3F96] =	sst s1;
	(tag) =	ssettag s2;
	_ =	strace s9  }
0x27: {  	s1 =	sld [smem:$0x3FA6]  }
0x28: {  	s2 =	sld [smem:$0x3FA7]  }
0x29: {  	s4 =	sld [smem:$0x3FA9]  }
0x2a: {  	p0 =	seq.s32 s5, $0x0;
	s5 =	sld [smem:$0x3FAA]  }
0x2b: {  	s6 =	sld [smem:$0x3FAB]  }
0x2c: {  	s7 =	sld [smem:$0x3FAC]  }
0x2d: {  	s3 =	simm.s32 $0x108;
	s8 =	sld [smem:$0x3FAD]  }
0x2e: {  	s3 =	simm.s32 @!p0 $0x1082;
	s9 =	sld [smem:$0x3FAE]  }
0x2f: {  	lr =	sadd.s32 s0, s3;
	s0 =	sld [smem:$0x3FA5]  }
0x30: {  	s3 =	sld [smem:$0x3FA8]  }
0x31: {  	[smem:$0x3FB1] =	sst s10  }
0x32: {  	s10 =	sld [smem:$0x3FAF];
	_ =	sdelay $0x3  }
0x33: {  	p0 =	seq.s32 s10, $0x1;
	s10 =	sld [smem:$0x3FB1];
	_ =	sdelay $0x3  }
0x34: {  	[smem:$0x3FB1] =	sst s10  }
0x35: {  	s10 =	sld [smem:$0x3FB0];
	_ =	sdelay $0x3  }
0x36: {  	p1 =	seq.s32 s10, $0x1;
	s10 =	sld [smem:$0x3FB1];
	_ =	sdelay $0x3  }
0x37: {  	[smem:$0x3FB1] =	sst s10  }
0x38: {  	s10 =	sld [smem:$0x3FB2]  }
0x39: {  	_ = 	snop;
	(pc) =	sbr.ind lr, $3  }
0x3a: {  	_ = 	snop  }
0x3b: {  	_ = 	snop  }
0x3c: {  	p2 =	seq.s32 s10, $0x1;
	s10 =	sld [smem:$0x3FB1]  }
0x3d: {  	_ =	shalt  }
0x3e: {  	_ =	shalt  }
0x3f: {  	_ =	shalt  }
0x40: {  	_ =	shalt  }
0x41: {  	_ =	shalt  }
0x42: {  	_ =	shalt  }
0x43: {  	_ =	shalt  }
0x44: {  	_ =	shalt  }
0x45: {  	_ =	shalt  }
0x46: {  	_ =	shalt  }
0x47: {  	_ =	shalt  }
0x48: {  	_ =	shalt  }
0x49: {  	_ =	shalt  }
0x4a: {  	_ =	shalt  }
0x4b: {  	_ =	shalt  }
0x4c: {  	_ =	shalt  }
0x4d: {  	_ =	shalt  }
0x4e: {  	_ =	shalt  }
0x4f: {  	_ =	shalt  }
0x50: {  	_ =	shalt  }
0x51: {  	_ =	shalt  }
0x52: {  	_ =	shalt  }
0x53: {  	_ =	shalt  }
0x54: {  	_ =	shalt  }
0x55: {  	_ =	shalt  }
0x56: {  	_ =	shalt  }
0x57: {  	_ =	shalt  }
0x58: {  	_ =	shalt  }
0x59: {  	_ =	shalt  }
0x5a: {  	_ =	shalt  }
0x5b: {  	_ =	shalt  }
0x5c: {  	_ =	shalt  }
0x5d: {  	_ =	shalt  }
0x5e: {  	_ =	shalt  }
0x5f: {  	_ =	shalt  }
0x60: {  	_ =	shalt  }
0x61: {  	_ =	shalt  }
0x62: {  	_ =	shalt  }
0x63: {  	_ =	shalt  }
0x64: {  	_ =	shalt  }
0x65: {  	_ =	shalt  }
0x66: {  	_ =	shalt  }
0x67: {  	_ =	shalt  }
0x68: {  	_ =	shalt  }
0x69: {  	_ =	shalt  }
0x6a: {  	_ =	shalt  }
0x6b: {  	_ =	shalt  }
0x6c: {  	_ =	shalt  }
0x6d: {  	_ =	shalt  }
0x6e: {  	_ =	shalt  }
0x6f: {  	_ =	shalt  }
0x70: {  	_ =	shalt  }
0x71: {  	_ =	shalt  }
0x72: {  	_ =	shalt  }
0x73: {  	_ =	shalt  }
0x74: {  	_ =	shalt  }
0x75: {  	_ =	shalt  }
0x76: {  	_ =	shalt  }
0x77: {  	_ =	shalt  }
0x78: {  	_ =	shalt  }
0x79: {  	_ =	shalt  }
0x7a: {  	_ =	shalt  }
0x7b: {  	_ =	shalt  }
0x7c: {  	_ =	shalt  }
0x7d: {  	_ =	shalt  }
0x7e: {  	_ =	shalt  }
0x7f: {  	_ =	shalt  }
0x80: {  	_ =	shalt  }
0x81: {  	_ =	shalt  }
0x82: {  	_ =	shalt  }
0x83: {  	_ =	shalt  }
0x84: {  	_ =	shalt  }
0x85: {  	_ =	shalt  }
0x86: {  	_ =	shalt  }
0x87: {  	_ =	shalt  }
.Lfunc_end0:
.L_simem_size_0:
called_computation_lowered:
.L_overlay_start_0:
0x88: {  	s2 =	sld [smem:$0x3FD9]  }
0x89: {  	s3 =	sld [smem:$0x3FFE];
	_ =	sdelay $0x1  }
0x8a: {  	s1 =	srdreg.scid  }
0x8b: {  	s0 =	sand.u32 $0x1, s1  }
0x8c: {  	s16 =	sshll.u32 s0, $0xA;
	s2 =	sadd.s32 s3, s2  }
0x8d: {  	s2 =	sadd.s32 s2, s16  }
0x8e: {  	[smem:$0x3FBD] =	sst s2  }
0x8f: {  	_ = 	snop  }
0x90: {  	(tm) =	ssettm $0x1  }
0x91: {  	s17 =	sld [smem:$0x3FFB];
	_ =	sdelay $0x3  }
0x92: {  	_ =	strace s17  }
0x93: {  	s2 =	sld [smem:$0x3FFC];
	_ =	sdelay $0x3  }
0x94: {  	_ =	strace s2  }
0x95: {  	s2 =	sld [smem:$0x3FFD];
	_ =	sdelay $0x3  }
0x96: {  	_ =	strace s2  }
0x97: {  	_ =	strace $0x8FFFFFFF  }
0x98: {  	s18 =	sld [smem:$0x3FDB];
	_ =	sdelay $0x1  }
0x99: {  	s19 =	simm.s32 $_scs_section_size  }
0x9a: {  	s4 =	simm.s32 $_size__tile_overlayer_lowered;
	s5 =	simm.s32 $_tile_overlayer_lowered  }
0x9b: {  	s22 =	simm.s32 $0x1BFF;
	s21 =	sshll.u32 s5, $0x1;
	s2 =	sadd.s32 s19, s18  }
0x9c: {  	s6 =	simm.s32 $0x0;
	s20 =	sshll.u32 s4, $0x1;
	s4 =	sadd.s32 s21, s2  }
0x9d: {  	[timem:s6], [sflag:s22] =	dma.local [hbm:s4], s20  }
0x9e: {  	_ =	swait.ge [sflag:s22], s20  }
0x9f: {  	s3 =	ssub.s32 $0x0, s20;
	[sflag:s22] =	ssyncset.done $0x0  }
0xa0: {  	[sflag:s22] =	ssyncadd.s32 s3;
	_ =	sdelay $0x1  }
0xa1: {  	s23 =	simm.s32 $0x1B8B  }
0xa2: {  	_ =	swait.ge [sflag:s23], $0x1  }
0xa3: {  	[sflag:s23] =	ssyncset.done $0x0  }
0xa4: {  	s25 =	simm.s32 $0x1B8E;
	s24 =	sld [smem:$0x3FFE];
	[sflag:s23] =	ssyncadd.s32 $0xFFFFFFFF  }
0xa5: {  	s26 =	simm.s32 $execute0_lowered;
	[smem:$0x3FD2] =	sst s25  }
0xa6: {  	s4 =	sshll.u32 s26, $0x1;
	_ =	strace $0x80000046;
	[dreg:$0x1] =	wrdreg $0xFFFFFFFF  }
0xa7: {  	s28 =	simm.s32 $_size_execute0_lowered;
	s2 =	sadd.s32 s2, s4;
	[dreg:$0x0] =	wrdreg $0x0  }
0xa8: {  	s4 =	sshll.u32 s28, $0x1;
	[dreg:$0x2] =	wrdreg s2  }
0xa9: {  	[dreg:$0x3] =	wrdreg s4  }
0xaa: {  	[dreg:$0x4] =	wrdreg $0xC0  }
0xab: {  	_ =	task [dreg:s6], $0x5FFFF  }
0xac: {  	[dreg:$0x1] =	wrdreg $0xFFFFFFFF  }
0xad: {  	[dreg:$0x0] =	wrdreg $0x60  }
0xae: {  	[dreg:$0x2] =	wrdreg s24  }
0xaf: {  	[dreg:$0x3] =	wrdreg $0x9  }
0xb0: {  	_ =	task.clear_ibuf [dreg:s6], $0x4FFFF;
	_ =	strace $0x90000046  }
0xb1: {  	s29 =	simm.s32 $0x9;
	_ =	strace $0x80000048  }
0xb2: {  	_ =	swait.ge [sflag:s29], $0x1  }
0xb3: {  	[sflag:s29] =	ssyncadd.s32 $0xFFFFFFFF  }
0xb4: {  	_ =	strace $0x90000048  }
0xb5: {  	_ =	sfence  }
0xb6: {  	s30 =	sld [smem:$0x0];
	_ =	sdelay $0x2  }
0xb7: {  	s31 =	sshll.u32 s1, $0xD;
	s1 =	sshrl.u32 s1, $0x2  }
0xb8: {  	s3 =	sand.u32 $0x4000, s31;
	s1 =	sadd.s32 s1, s30  }
0xb9: {  	s0 =	sor.u32 s3, s0;
	s1 =	sshll.u32 s1, $0x11  }
0xba: {  	s0 =	sor.u32 s1, s0  }
0xbb: {  	s0 =	sadd.s32 $0x8F2B, s0  }
0xbc: {  	[sflag:s0] =	ssyncadd.remote.s32 $0x1  }
0xbd: {  	_ =	sfence.sel $0xFFFF  }
0xbe: {  	[dreg:$0x0] =	wrdreg $0xFFFFFFFF;
	(pc) =	sbr.abs _section_cstart, $3  }
0xbf: {  	[dreg:$0x1] =	wrdreg $0xFFFFFFFF  }
0xc0: {  	_ =	task.clear_ibuf [dreg:s6], $0x2FFFF;
	_ =	strace $0x9FFFFFFF  }
0xc1: {  	(tm) =	ssettm $0x7FFFFFFF  }
tec
execute0_lowered:
.L_overlay_start_1:
0x0: {  	(tag) =	ssettag $0x1  }
0x1: {  	s1 =	srdreg.scid;
	s0 =	stileid.u32  }
0x2: {  	s3 =	rddreg [dreg:$0x0];
	s8 =	simm.s32 $0x80;
	s9 =	simm.s32 $0x400  }
0x3: {  	s4 =	sand.u32 $0x1, s1;
	s2 =	sshll.u32 s0, $0x1;
	s1 =	rddreg [dreg:$0x1]  }
0x4: {  	s6 =	sshrl.u32 s0, $0x2;
	s5 =	sor.u32 s4, s2;
	s2 =	simm.s32 $0x0  }
0x5: {  	s6 =	smul.u32 $0x13C00, s6;
	s4 =	ssub.s32 $0x2, s4;
	s7 =	sshll.u32 s5, $0x7  }
0x6: {  	[smem:$0x7FF] =	sst s2;
	s5 =	smul.u32 $0x500, s5;
	s7 =	sand.u32 $0x380, s7  }
0x7: {  	s31 =	sshrl.u32 s4, $0x1;
	_ =	strace $0x80000047;
	s6 =	sor.u32 s6, s7  }
0x8: {  	s5 =	sadd.s32 s5, s3;
	s7 =	ssub.s32 s4, s31;
	s6 =	sshrl.u32 s6, $0x3  }
0x9: {  	s6 =	sadd.s32 s6, s3;
	s3 =	sadd.s32 $0x4400, s5;
	s5 =	smax.u32 s7, $0x1  }
0xa: {  	v0 =	vimm.f32 $0.0e+00;
	v1 =	vimm.f32 $1.000000000e+00;
	s7 =	simm.s32 $0x2800;
	s4 =	sadd.s32 $0x18400, s6;
	s6 =	simm.s32 $0x1  }
.LBB2_1:
0xb: {  	s10 =	simm.s32 $0x40;
	s11 =	simm.s32 $0x0  }
.LBB2_2:
0xc: {  	p0 =	sne.s32 s10, $0x9DC0;
	[tilespmem:s11+$0x2800] =	vst v0;
	s11 =	smov.u32 s10;
	s10 =	sadd.s32 $0x40, s10  }
.Ltmp0:
0xd: {  	(pc) =	sbr.rel @p0 .LBB2_2-.Ltmp0, $2  }
0xe: {  	_ =	sdelay $0x2  }
0xf: {  	s11 =	sshra.s32 s11, $0x2  }
0x10: {  	[tilespmem:s11+$0x2800] =	vst v0;
	s10 =	simm.s32 $0x0  }
0x11: {  	[tilespmem:s10], [sflag:$0x1] =	stream.linear.gather [hbm4b:s3+s10], $0x2800, $0x38;
	[tilespmem:$0x4F80] =	vst v63  }
0x12: {  	s31 =	sand.u32 $0xFE00, s10;
	_ =	swait.ge [sflag:s6], $0x2800  }
0x13: {  	s10 =	sand.u32 $0x70, s10;
	s11 =	sshrl.u32 s31, $0x2;
	[sflag:s6] =	ssyncset.done $0x0  }
0x14: {  	s10 =	sor.u32 s10, s11;
	[sflag:s6] =	ssyncadd.s32 $0xFFFFD800  }
0x15: {  	v2 =	vld [tilespmem:s10+$0x0];
	_ =	sdelay $0x4  }
0x16: {  	s12 =	simm.s32 $0x40  }
0x17: {  	s12 =	sand.u32 $0xFE00, s12;
	s11 =	simm.s32 $0x80;
	s10 =	simm.s32 $0x10  }
.LBB2_4:
0x18: {  	p0 =	sne.s32 s11, $0x9FC0;
	s13 =	sand.u32 $0x70, s10;
	s12 =	sshrl.u32 s12, $0x2  }
0x19: {  	s12 =	sor.u32 s13, s12;
	[tilespmem:v2+s7+$0x0] =	vst.idx.add.f32.msk $0xffff, v1  }
0x1a: {  	v2 =	vld [tilespmem:s12+$0x0];
	_ =	sdelay $0x1  }
.Ltmp1:
0x1b: {  	(pc) =	sbr.rel @p0 .LBB2_4-.Ltmp1, $2  }
0x1c: {  	_ =	sdelay $0x2  }
0x1d: {  	s10 =	sadd.s32 $0x10, s10;
	s12 =	sand.u32 $0xFE00, s11;
	s11 =	sadd.s32 $0x40, s11  }
0x1e: {  	_ =	sdelay $0x2  }
0x1f: {  	s10 =	sand.u32 $0x70, s10;
	s11 =	sshrl.u32 s12, $0x2  }
0x20: {  	[tilespmem:v2+s7+$0x0] =	vst.idx.add.f32.msk $0xffff, v1;
	s10 =	sor.u32 s10, s11  }
0x21: {  	v2 =	vld [tilespmem:s10+$0x0];
	_ =	sdelay $0x5  }
0x22: {  	s2 =	sadd.s32 $0x1, s2  }
0x23: {  	p0 =	sne.s32 s2, s5  }
.Ltmp2:
0x24: {  	[tilespmem:v2+s7+$0x0] =	vst.idx.add.f32.msk $0xffff, v1;
	(pc) =	sbr.rel @p0 .LBB2_1-.Ltmp2, $4  }
0x25: {  	[hbm4b:s4+s8] =	stream.strided.scatter [tilespmem:s7], [sflag:$0x1], $0x2780, s9, s8, $0x38;
	[tilespmem:$0x4F80] =	vst v63  }
0x26: {  	_ =	swait.ge [sflag:s6], $0x2780  }
0x27: {  	[sflag:s6] =	ssyncset.done $0x0  }
0x28: {  	[sflag:s6] =	ssyncadd.s32 $0xFFFFD880  }
0x29: {  	_ =	sfence.sel $0x180000  }
0x2a: {  	[bflag:$0x0] =	sbarrier.arrive $0xFFFF  }
0x2b: {  	p0 =	sne.s32 s0, $0x0;
	_ =	strace $0x90000047  }
0x2c: {  	s0 =	sadd.s32 @!p0 $0x100000, s1;
	[bflag:$0x2] =	sbarrier.arrive $0xFFFF  }
0x2d: {  	[sflag:s0] =	ssyncadd.tile.s32 @!p0 $0x1;
	_ =	shalt  }
.Lfunc_end2:
_tile_overlayer_lowered:
.L_overlay_start_2:
0x2e: {  	(tag) =	ssettag $0x2  }
0x2f: {  	s0 =	rddreg [dreg:$0x0];
	s2 =	stileid.u32  }
0x30: {  	s1 =	rddreg [dreg:$0x1];
	p0 =	sne.s32 s2, $0x0  }
0x31: {  	s3 =	rddreg [dreg:$0x2];
	[bflag:$0x3] =	sbarrier.arrive $0xFFFF;
	s2 =	simm.s32 @!p0 $0x1C01  }
0x32: {  	[timem:s3], [sflag:s2] =	dma.local @!p0 [hbm:s0], s1  }
0x33: {  	s0 =	simm.s32 @!p0 $0x1  }
0x34: {  	_ =	swait.ge @!p0 [sflag:s0], s1  }
0x35: {  	s1 =	ssub.s32 @!p0 $0x0, s1;
	[sflag:s0] =	ssyncset.done @!p0 $0x0  }
0x36: {  	[sflag:s0] =	ssyncadd.s32 @!p0 s1  }
0x37: {  	[bflag:$0x3] =	sbarrier.arrive $0xFFFF  }
0x38: {  	_ =	shalt  }

</sc_bundles>
